<compile_context>
chip_gen: v7x
topology: tpu7x:2x2x1
jax: 0.10.2.dev20260603
libtpu: 0.0.44.dev20260713+nightly
codegen_flags: <defaults>
</compile_context>

<pallas_src>
import functools

import jax
import jax.numpy as jnp
from jax import lax
from jax.experimental import pallas as pl
from jax.experimental.pallas import tpu as pltpu
from jax.experimental.pallas import tpu_sc as plsc

K = 4
G = 512
ROWS = G + K
IN_DIM = 128
OUT_DIM = 128
BATCH = 1024
T_OFF = 259.0

NW = 32
BPW = BATCH // NW
NCHUNK = BPW * K


def _prep_body(x_ref, wlast_ref, silu_ref, idx_ref, wts_ref):
    x = x_ref[...]
    cell = jnp.clip(jnp.floor((x + 1.0) * 256.0), 0.0, float(G - 1)).astype(
        jnp.int32)
    i = cell + (K - 1)

    def tv(j):
        return jnp.clip((j.astype(jnp.float32) - T_OFF) * (1.0 / 256.0),
                        -1.0, 1.0)

    N = [jnp.ones_like(x)]
    for j in range(1, K):
        saved = jnp.zeros_like(x)
        newN = []
        for r in range(j):
            right = tv(i + r + 1) - x
            left = x - tv(i + 1 - j + r)
            denom = right + left
            safe = jnp.where(denom != 0.0, denom, 1.0)
            temp = jnp.where(denom != 0.0, N[r] / safe, 0.0)
            newN.append(saved + right * temp)
            saved = left * temp
        newN.append(saved)
        N = newN

    sx = x * (1.0 / (1.0 + jnp.exp(-x)))
    silu_ref[...] = jnp.dot(sx, wlast_ref[...],
                            preferred_element_type=jnp.float32)
    ii = lax.broadcasted_iota(jnp.int32, x.shape, 1)
    for k in range(K):
        idx_ref[:, k, :] = (i - (K - 1) + k) * IN_DIM + ii
        wts_ref[:, k, :] = N[k]


def _prep(x, w_last):
    return pl.pallas_call(
        _prep_body,
        out_shape=(
            jax.ShapeDtypeStruct((BATCH, OUT_DIM), jnp.float32),
            jax.ShapeDtypeStruct((BATCH, K, IN_DIM), jnp.int32),
            jax.ShapeDtypeStruct((BATCH, K, IN_DIM), jnp.float32),
        ),
    )(x, w_last)


def _bcast_lane(v, lane):
    idxs = jnp.full((16, 1), lane, dtype=jnp.int32)
    dn = lax.GatherDimensionNumbers(
        offset_dims=(), collapsed_slice_dims=(0,), start_index_map=(0,))
    return lax.gather(v, idxs, dn, slice_sizes=(1,),
                      mode=lax.GatherScatterMode.PROMISE_IN_BOUNDS)


def _sc_body(w2d, idx_hbm, wts_hbm, silu_hbm, out_hbm,
             idx_v, wts_v, acc_v, rowA, rowB, semA, semB):
    wid = lax.axis_index("s") * 2 + lax.axis_index("c")
    b0 = wid * BPW
    pltpu.sync_copy(idx_hbm.at[pl.ds(b0 * K, NCHUNK)], idx_v)
    pltpu.sync_copy(wts_hbm.at[pl.ds(b0, BPW)], wts_v)
    pltpu.sync_copy(silu_hbm.at[pl.ds(b0, BPW)], acc_v)

    def compute(c, buf):
        b_rel = c // K
        col0 = (c % K) * IN_DIM

        def qbody(q, acc):
            wv = wts_v[b_rel, pl.ds(col0 + q * 16, 16)]
            for rl in range(16):
                y = _bcast_lane(wv, rl)
                r = q * 16 + rl
                acc = tuple(acc[h] + y * buf[r, pl.ds(h * 16, 16)]
                            for h in range(8))
            return acc

        acc0 = tuple(jnp.zeros((16,), jnp.float32) for _ in range(8))
        acc = lax.fori_loop(0, 8, qbody, acc0)
        for h in range(8):
            plsc.addupdate(acc_v.at[b_rel, pl.ds(h * 16, 16)], acc[h])

    pltpu.async_copy(w2d.at[idx_v.at[0]], rowA, semA)

    def cbody(cc, carry):
        c0 = cc * 2
        pltpu.async_copy(w2d.at[idx_v.at[c0 + 1]], rowB, semB)
        pltpu.make_async_copy(w2d.at[idx_v.at[c0]], rowA, semA).wait()
        compute(c0, rowA)

        @pl.when(c0 + 2 < NCHUNK)
        def _():
            pltpu.async_copy(w2d.at[idx_v.at[c0 + 2]], rowA, semA)

        pltpu.make_async_copy(w2d.at[idx_v.at[c0 + 1]], rowB, semB).wait()
        compute(c0 + 1, rowB)
        return carry

    lax.fori_loop(0, NCHUNK // 2, cbody, 0)
    pltpu.sync_copy(acc_v, out_hbm.at[pl.ds(b0, BPW)])


@functools.cache
def _sc_call():
    return pl.kernel(
        _sc_body,
        mesh=plsc.VectorSubcoreMesh(core_axis_name="c", subcore_axis_name="s"),
        out_type=jax.ShapeDtypeStruct((BATCH, OUT_DIM), jnp.float32),
        scratch_types=[
            pltpu.VMEM((NCHUNK, IN_DIM), jnp.int32),
            pltpu.VMEM((BPW, K * IN_DIM), jnp.float32),
            pltpu.VMEM((BPW, OUT_DIM), jnp.float32),
            pltpu.VMEM((IN_DIM, OUT_DIM), jnp.float32),
            pltpu.VMEM((IN_DIM, OUT_DIM), jnp.float32),
            pltpu.SemaphoreType.DMA,
            pltpu.SemaphoreType.DMA,
        ],
    )


def kernel(x, w, t):
    del t
    w_last = w[ROWS - 1]
    silu, idx, wts = _prep(x, w_last)
    w2d = w.reshape(ROWS * IN_DIM, OUT_DIM)
    idx2 = idx.reshape(BATCH * K, IN_DIM)
    wts2 = wts.reshape(BATCH, K * IN_DIM)
    return _sc_call()(w2d, idx2, wts2, silu)

# --- scband reference (transcript-rebuilt; emitter-appended) ---
"""Pipeline reference for scband-flash-kan-81338090651884 (READ-ONLY COPY).

The authoritative reference and input builder live on the scoring server;
editing this copy changes nothing except your own understanding.
"""

import jax, jax.numpy as jnp
import numpy as np

K = 4
G = 512
IN_DIM = 128
OUT_DIM = 128
BATCH = 1024
T0, T1 = -1.0, 1.0


def make_knots():
    t_mid = np.linspace(T0, T1, G + 1)
    t = np.concatenate([np.full(K - 1, T0), t_mid, np.full(K - 1, T1)])
    return jnp.asarray(t, dtype=jnp.float32)


def setup_inputs(seed: int = 0) -> dict:
    key = jax.random.key(seed)
    k1, k2 = jax.random.split(key)
    x = jax.random.uniform(k1, (BATCH, IN_DIM), dtype=jnp.float32)
    # xavier_normal_ on [G+K, in, out]: fan_in = in*out, fan_out = (G+K)*out
    fan_in = IN_DIM * OUT_DIM
    fan_out = (G + K) * OUT_DIM
    std = float(np.sqrt(2.0 / (fan_in + fan_out)))
    w = jax.random.normal(k2, (G + K, IN_DIM, OUT_DIM), dtype=jnp.float32) * std
    t = make_knots()
    return {"x": x, "w": w, "t": t}


def _basis_nonzero(x_flat, t, k):
    # de Boor basis-funs algorithm: interval index i with t[i] <= x < t[i+1],
    # and the k nonzero order-k B-spline values B_{i-k+1..i,k}(x).
    n_knots = t.shape[0]
    i = jnp.clip(jnp.searchsorted(t, x_flat, side="right") - 1, k - 1, n_knots - k - 1)
    N = [jnp.ones_like(x_flat)]
    for j in range(1, k):
        saved = jnp.zeros_like(x_flat)
        newN = []
        for r in range(j):
            right = t[i + r + 1] - x_flat      # right[r+1]
            left = x_flat - t[i + 1 - j + r]   # left[j-r]
            denom = right + left
            safe = jnp.where(denom != 0, denom, 1.0)
            temp = jnp.where(denom != 0, N[r] / safe, 0.0)
            newN.append(saved + right * temp)
            saved = left * temp
        newN.append(saved)
        N = newN
    return i, jnp.stack(N, axis=-1)


def reference(x, w, t):
    B, in_dim = x.shape
    out_dim = w.shape[2]
    xf = x.reshape(-1)
    i, y1 = _basis_nonzero(xf, t, K)
    i = i.reshape(B, in_dim)
    y1 = y1.reshape(B, in_dim, K)
    # i_full: indices of the K nonzero spline basis funcs in w's row dim
    i_full = i[..., None] - (K - 1) + jnp.arange(K)  # [B, in, K]
    last_row = jnp.full((B, in_dim, 1), w.shape[0] - 1, dtype=i_full.dtype)
    slice1 = jnp.concatenate([i_full, last_row], axis=-1)  # [B, in, K+1]
    y2 = jnp.concatenate([y1, jax.nn.silu(x)[..., None]], axis=-1)  # [B, in, K+1]
    w2 = w[slice1, jnp.arange(in_dim)[None, :, None], :]  # [B, in, K+1, out]
    return jnp.sum(w2 * y2[..., None], axis=(1, 2))

if __name__ == "__main__":
    import jax
    _d = setup_inputs()
    print(jax.jit(kernel)(*tuple(_d.values())))

</pallas_src>

<mosaic_0001>
#map = affine_map<(d0, d1) -> (0, 0)>
module attributes {stable_mosaic.version = 14 : i64} {
  func.func @_sc_body(%arg0: i32, %arg1: i32, %arg2: memref<66048x128xf32, #tpu.memory_space<hbm>>, %arg3: memref<4096x128xi32, #tpu.memory_space<hbm>>, %arg4: memref<1024x512xf32, #tpu.memory_space<hbm>>, %arg5: memref<1024x128xf32, #tpu.memory_space<hbm>>, %arg6: memref<1024x128xf32, #tpu.memory_space<hbm>>, %arg7: memref<128x128xi32, #tpu.memory_space<vmem>>, %arg8: memref<32x512xf32, #tpu.memory_space<vmem>>, %arg9: memref<32x128xf32, #tpu.memory_space<vmem>>, %arg10: memref<128x128xf32, #tpu.memory_space<vmem>>, %arg11: memref<128x128xf32, #tpu.memory_space<vmem>>, %arg12: memref<!tpu.dma_semaphore, #tpu.memory_space<semaphore_mem>>, %arg13: memref<!tpu.dma_semaphore, #tpu.memory_space<semaphore_mem>>) attributes {dimension_semantics = [#tpu.dimension_semantics<core_parallel>, #tpu.dimension_semantics<subcore_parallel>], iteration_bounds = array<i64: 2, 16>, scalar_prefetch = 0 : i64, scratch_operands = 7 : i64, tpu.core_type = #tpu.core_type<sc_vector_subcore>, window_params = [{transform_indices = #map}, {transform_indices = #map}, {transform_indices = #map}, {transform_indices = #map}, {transform_indices = #map}]} {
    %mul3A = arith.constant 2 : i32
    %mul3A_0 = arith.muli %arg1, %mul3A : i32
    %add3A = arith.addi %mul3A_0, %arg0 : i32
    %mul3A_1 = arith.constant 32 : i32
    %mul3A_2 = arith.muli %add3A, %mul3A_1 : i32
    %mul3A_3 = arith.constant 4 : i32
    %mul3A_4 = arith.muli %mul3A_2, %mul3A_3 : i32
    "tpu.region"() ({
      %run_scoped3A = tpu.sem_alloc : memref<!tpu.dma_semaphore, #tpu.memory_space<semaphore_mem>>
      %dma_start3A_16 = arith.constant 0 : i32
      %dma_start3A_17 = tpu.memref_slice %arg3[%mul3A_4, %dma_start3A_16] : memref<4096x128xi32, #tpu.memory_space<hbm>> -> memref<128x128xi32, #tpu.memory_space<hbm>>
      %dma_start3A_18 = arith.constant 0 : i32
      %dma_start3A_19 = tpu.memref_slice %arg3[%mul3A_4, %dma_start3A_18] : memref<4096x128xi32, #tpu.memory_space<hbm>> -> memref<128x128xi32, #tpu.memory_space<hbm>>
      tpu.enqueue_dma source(%dma_start3A_19 : memref<128x128xi32, #tpu.memory_space<hbm>>) target(%arg7 : memref<128x128xi32, #tpu.memory_space<vmem>>) target_semaphore(%run_scoped3A : memref<!tpu.dma_semaphore, #tpu.memory_space<semaphore_mem>>)
      %dma_wait3A = arith.constant 0 : i32
      %dma_wait3A_20 = tpu.memref_slice %arg3[%mul3A_4, %dma_wait3A] : memref<4096x128xi32, #tpu.memory_space<hbm>> -> memref<128x128xi32, #tpu.memory_space<hbm>>
      %dma_wait3A_21 = arith.constant 0 : i32
      %dma_wait3A_22 = tpu.memref_slice %arg3[%mul3A_4, %dma_wait3A_21] : memref<4096x128xi32, #tpu.memory_space<hbm>> -> memref<128x128xi32, #tpu.memory_space<hbm>>
      tpu.wait_dma2 semaphore(%run_scoped3A : memref<!tpu.dma_semaphore, #tpu.memory_space<semaphore_mem>>) src(%dma_wait3A_22 : memref<128x128xi32, #tpu.memory_space<hbm>>) dst(%arg7 : memref<128x128xi32, #tpu.memory_space<vmem>>)
      tpu.yield
    }) : () -> ()
    "tpu.region"() ({
      %run_scoped3A = tpu.sem_alloc : memref<!tpu.dma_semaphore, #tpu.memory_space<semaphore_mem>>
      %dma_start3A_16 = arith.constant 0 : i32
      %dma_start3A_17 = tpu.memref_slice %arg4[%mul3A_2, %dma_start3A_16] : memref<1024x512xf32, #tpu.memory_space<hbm>> -> memref<32x512xf32, #tpu.memory_space<hbm>>
      %dma_start3A_18 = arith.constant 0 : i32
      %dma_start3A_19 = tpu.memref_slice %arg4[%mul3A_2, %dma_start3A_18] : memref<1024x512xf32, #tpu.memory_space<hbm>> -> memref<32x512xf32, #tpu.memory_space<hbm>>
      tpu.enqueue_dma source(%dma_start3A_19 : memref<32x512xf32, #tpu.memory_space<hbm>>) target(%arg8 : memref<32x512xf32, #tpu.memory_space<vmem>>) target_semaphore(%run_scoped3A : memref<!tpu.dma_semaphore, #tpu.memory_space<semaphore_mem>>)
      %dma_wait3A = arith.constant 0 : i32
      %dma_wait3A_20 = tpu.memref_slice %arg4[%mul3A_2, %dma_wait3A] : memref<1024x512xf32, #tpu.memory_space<hbm>> -> memref<32x512xf32, #tpu.memory_space<hbm>>
      %dma_wait3A_21 = arith.constant 0 : i32
      %dma_wait3A_22 = tpu.memref_slice %arg4[%mul3A_2, %dma_wait3A_21] : memref<1024x512xf32, #tpu.memory_space<hbm>> -> memref<32x512xf32, #tpu.memory_space<hbm>>
      tpu.wait_dma2 semaphore(%run_scoped3A : memref<!tpu.dma_semaphore, #tpu.memory_space<semaphore_mem>>) src(%dma_wait3A_22 : memref<32x512xf32, #tpu.memory_space<hbm>>) dst(%arg8 : memref<32x512xf32, #tpu.memory_space<vmem>>)
      tpu.yield
    }) : () -> ()
    "tpu.region"() ({
      %run_scoped3A = tpu.sem_alloc : memref<!tpu.dma_semaphore, #tpu.memory_space<semaphore_mem>>
      %dma_start3A_16 = arith.constant 0 : i32
      %dma_start3A_17 = tpu.memref_slice %arg5[%mul3A_2, %dma_start3A_16] : memref<1024x128xf32, #tpu.memory_space<hbm>> -> memref<32x128xf32, #tpu.memory_space<hbm>>
      %dma_start3A_18 = arith.constant 0 : i32
      %dma_start3A_19 = tpu.memref_slice %arg5[%mul3A_2, %dma_start3A_18] : memref<1024x128xf32, #tpu.memory_space<hbm>> -> memref<32x128xf32, #tpu.memory_space<hbm>>
      tpu.enqueue_dma source(%dma_start3A_19 : memref<32x128xf32, #tpu.memory_space<hbm>>) target(%arg9 : memref<32x128xf32, #tpu.memory_space<vmem>>) target_semaphore(%run_scoped3A : memref<!tpu.dma_semaphore, #tpu.memory_space<semaphore_mem>>)
      %dma_wait3A = arith.constant 0 : i32
      %dma_wait3A_20 = tpu.memref_slice %arg5[%mul3A_2, %dma_wait3A] : memref<1024x128xf32, #tpu.memory_space<hbm>> -> memref<32x128xf32, #tpu.memory_space<hbm>>
      %dma_wait3A_21 = arith.constant 0 : i32
      %dma_wait3A_22 = tpu.memref_slice %arg5[%mul3A_2, %dma_wait3A_21] : memref<1024x128xf32, #tpu.memory_space<hbm>> -> memref<32x128xf32, #tpu.memory_space<hbm>>
      tpu.wait_dma2 semaphore(%run_scoped3A : memref<!tpu.dma_semaphore, #tpu.memory_space<semaphore_mem>>) src(%dma_wait3A_22 : memref<32x128xf32, #tpu.memory_space<hbm>>) dst(%arg9 : memref<32x128xf32, #tpu.memory_space<vmem>>)
      tpu.yield
    }) : () -> ()
    %dma_start3A = arith.constant 0 : i32
    %dma_start3A_5 = arith.constant 0 : i32
    %dma_start3A_6 = tpu.memref_slice %arg7[%dma_start3A, %dma_start3A_5] : memref<128x128xi32, #tpu.memory_space<vmem>> -> memref<1x128xi32, #tpu.memory_space<vmem>>
    %dma_start3A_7 = tpu.memref_squeeze %dma_start3A_6 : memref<1x128xi32, #tpu.memory_space<vmem>> -> memref<128xi32, #tpu.memory_space<vmem>>
    %dma_start3A_8 = arith.constant 0 : i32
    %dma_start3A_9 = arith.constant 0 : i32
    %dma_start3A_10 = tpu.memref_slice %arg2[%dma_start3A_8, %dma_start3A_9] : memref<66048x128xf32, #tpu.memory_space<hbm>> -> memref<66048x128xf32, #tpu.memory_space<hbm>>
    tpu.enqueue_indirect_dma source(%dma_start3A_10 : memref<66048x128xf32, #tpu.memory_space<hbm>>) target(%arg10 : memref<128x128xf32, #tpu.memory_space<vmem>>) offsets(%dma_start3A_7 : memref<128xi32, #tpu.memory_space<vmem>>) semaphore(%arg12 : memref<!tpu.dma_semaphore, #tpu.memory_space<semaphore_mem>>)
    %scan3A = arith.constant 0 : i32
    %scan3A_11 = arith.constant 0 : i32
    %scan3A_12 = arith.constant 64 : i32
    %scan3A_13 = arith.addi %scan3A_11, %scan3A_12 : i32
    %scan3A_14 = arith.constant 1 : i32
    scf.for %scan3A_16 = %scan3A_11 to %scan3A_13 step %scan3A_14  : i32 {
      %mul3A_17 = arith.constant 2 : i32
      %mul3A_18 = arith.muli %scan3A_16, %mul3A_17 : i32
      %add3A_19 = arith.constant 1 : i32
      %add3A_20 = arith.addi %mul3A_18, %add3A_19 : i32
      %dma_start3A_21 = arith.constant 0 : i32
      %dma_start3A_22 = tpu.memref_slice %arg7[%add3A_20, %dma_start3A_21] : memref<128x128xi32, #tpu.memory_space<vmem>> -> memref<1x128xi32, #tpu.memory_space<vmem>>
      %dma_start3A_23 = tpu.memref_squeeze %dma_start3A_22 : memref<1x128xi32, #tpu.memory_space<vmem>> -> memref<128xi32, #tpu.memory_space<vmem>>
      %dma_start3A_24 = arith.constant 0 : i32
      %dma_start3A_25 = arith.constant 0 : i32
      %dma_start3A_26 = tpu.memref_slice %arg2[%dma_start3A_24, %dma_start3A_25] : memref<66048x128xf32, #tpu.memory_space<hbm>> -> memref<66048x128xf32, #tpu.memory_space<hbm>>
      tpu.enqueue_indirect_dma source(%dma_start3A_26 : memref<66048x128xf32, #tpu.memory_space<hbm>>) target(%arg11 : memref<128x128xf32, #tpu.memory_space<vmem>>) offsets(%dma_start3A_23 : memref<128xi32, #tpu.memory_space<vmem>>) semaphore(%arg13 : memref<!tpu.dma_semaphore, #tpu.memory_space<semaphore_mem>>)
      %dma_wait3A = arith.constant 0 : i32
      %dma_wait3A_27 = tpu.memref_slice %arg7[%mul3A_18, %dma_wait3A] : memref<128x128xi32, #tpu.memory_space<vmem>> -> memref<1x128xi32, #tpu.memory_space<vmem>>
      %dma_wait3A_28 = tpu.memref_squeeze %dma_wait3A_27 : memref<1x128xi32, #tpu.memory_space<vmem>> -> memref<128xi32, #tpu.memory_space<vmem>>
      %dma_wait3A_29 = arith.constant 0 : i32
      %dma_wait3A_30 = arith.constant 0 : i32
      %dma_wait3A_31 = tpu.memref_slice %arg2[%dma_wait3A_29, %dma_wait3A_30] : memref<66048x128xf32, #tpu.memory_space<hbm>> -> memref<66048x128xf32, #tpu.memory_space<hbm>>
      tpu.wait_indirect_dma semaphore(%arg12 : memref<!tpu.dma_semaphore, #tpu.memory_space<semaphore_mem>>) src(%dma_wait3A_31 : memref<66048x128xf32, #tpu.memory_space<hbm>>) dst(%arg10 : memref<128x128xf32, #tpu.memory_space<vmem>>)
      %jit3A = arith.constant 4 : i32
      %div3A = arith.divsi %mul3A_18, %jit3A : i32
      %sign3A = arith.constant 0 : i32
      %sign3A_32 = arith.cmpi sgt, %mul3A_18, %sign3A : i32
      %sign3A_33 = arith.extui %sign3A_32 : i1 to i32
      %sign3A_34 = arith.constant 0 : i32
      %sign3A_35 = arith.cmpi slt, %mul3A_18, %sign3A_34 : i32
      %sign3A_36 = arith.extui %sign3A_35 : i1 to i32
      %sign3A_37 = arith.subi %sign3A_33, %sign3A_36 : i32
      %sign3A_38 = arith.constant 0 : i32
      %sign3A_39 = arith.cmpi sgt, %jit3A, %sign3A_38 : i32
      %sign3A_40 = arith.extui %sign3A_39 : i1 to i32
      %sign3A_41 = arith.constant 0 : i32
      %sign3A_42 = arith.cmpi slt, %jit3A, %sign3A_41 : i32
      %sign3A_43 = arith.extui %sign3A_42 : i1 to i32
      %sign3A_44 = arith.subi %sign3A_40, %sign3A_43 : i32
      %ne3A = arith.cmpi ne, %sign3A_37, %sign3A_44 : i32
      %rem3A = arith.remsi %mul3A_18, %jit3A : i32
      %ne3A_45 = arith.constant 0 : i32
      %ne3A_46 = arith.cmpi ne, %rem3A, %ne3A_45 : i32
      %and3A = arith.andi %ne3A, %ne3A_46 : i1
      %sub3A = arith.constant 1 : i32
      %sub3A_47 = arith.subi %div3A, %sub3A : i32
      %select_n3A = arith.select %and3A, %sub3A_47, %div3A : i32
      %jit3A_48 = arith.constant 4 : i32
      %eq3A = arith.constant 0 : i32
      %eq3A_49 = arith.cmpi eq, %jit3A_48, %eq3A : i32
      %jit3A_50 = arith.constant 1 : i32
      %select_n3A_51 = arith.select %eq3A_49, %jit3A_50, %jit3A_48 : i32
      %rem3A_52 = arith.remsi %mul3A_18, %select_n3A_51 : i32
      %ne3A_53 = arith.constant 0 : i32
      %ne3A_54 = arith.cmpi ne, %rem3A_52, %ne3A_53 : i32
      %lt3A = arith.constant 0 : i32
      %lt3A_55 = arith.cmpi slt, %rem3A_52, %lt3A : i32
      %lt3A_56 = arith.constant 0 : i32
      %lt3A_57 = arith.cmpi slt, %select_n3A_51, %lt3A_56 : i32
      %ne3A_58 = arith.xori %lt3A_55, %lt3A_57 : i1
      %and3A_59 = arith.andi %ne3A_58, %ne3A_54 : i1
      %add3A_60 = arith.addi %rem3A_52, %select_n3A_51 : i32
      %select_n3A_61 = arith.select %and3A_59, %add3A_60, %rem3A_52 : i32
      %mul3A_62 = arith.constant 128 : i32
      %mul3A_63 = arith.muli %select_n3A_61, %mul3A_62 : i32
      %broadcast_in_dim3A = arith.constant 0.000000e+00 : f32
      %broadcast_in_dim3A_64 = vector.broadcast %broadcast_in_dim3A : f32 to vector<16xf32>
      %broadcast_in_dim3A_65 = arith.constant 0.000000e+00 : f32
      %broadcast_in_dim3A_66 = vector.broadcast %broadcast_in_dim3A_65 : f32 to vector<16xf32>
      %broadcast_in_dim3A_67 = arith.constant 0.000000e+00 : f32
      %broadcast_in_dim3A_68 = vector.broadcast %broadcast_in_dim3A_67 : f32 to vector<16xf32>
      %broadcast_in_dim3A_69 = arith.constant 0.000000e+00 : f32
      %broadcast_in_dim3A_70 = vector.broadcast %broadcast_in_dim3A_69 : f32 to vector<16xf32>
      %broadcast_in_dim3A_71 = arith.constant 0.000000e+00 : f32
      %broadcast_in_dim3A_72 = vector.broadcast %broadcast_in_dim3A_71 : f32 to vector<16xf32>
      %broadcast_in_dim3A_73 = arith.constant 0.000000e+00 : f32
      %broadcast_in_dim3A_74 = vector.broadcast %broadcast_in_dim3A_73 : f32 to vector<16xf32>
      %broadcast_in_dim3A_75 = arith.constant 0.000000e+00 : f32
      %broadcast_in_dim3A_76 = vector.broadcast %broadcast_in_dim3A_75 : f32 to vector<16xf32>
      %broadcast_in_dim3A_77 = arith.constant 0.000000e+00 : f32
      %broadcast_in_dim3A_78 = vector.broadcast %broadcast_in_dim3A_77 : f32 to vector<16xf32>
      %scan3A_79 = arith.constant 0 : i32
      %scan3A_80 = arith.constant 8 : i32
      %scan3A_81 = arith.addi %scan3A_79, %scan3A_80 : i32
      %scan3A_82 = arith.constant 1 : i32
      %scan3A_83:8 = scf.for %scan3A_243 = %scan3A_79 to %scan3A_81 step %scan3A_82 iter_args(%scan3A_244 = %broadcast_in_dim3A_64, %scan3A_245 = %broadcast_in_dim3A_66, %scan3A_246 = %broadcast_in_dim3A_68, %scan3A_247 = %broadcast_in_dim3A_70, %scan3A_248 = %broadcast_in_dim3A_72, %scan3A_249 = %broadcast_in_dim3A_74, %scan3A_250 = %broadcast_in_dim3A_76, %scan3A_251 = %broadcast_in_dim3A_78) -> (vector<16xf32>, vector<16xf32>, vector<16xf32>, vector<16xf32>, vector<16xf32>, vector<16xf32>, vector<16xf32>, vector<16xf32>)  : i32 {
        %mul3A_252 = arith.constant 16 : i32
        %mul3A_253 = arith.muli %scan3A_243, %mul3A_252 : i32
        %add3A_254 = arith.addi %mul3A_63, %mul3A_253 : i32
        %get3A = arith.index_cast %select_n3A : i32 to index
        %get3A_255 = arith.index_cast %add3A_254 : i32 to index
        %get3A_256 = tpu.vector_load %arg8[%get3A, %get3A_255] {strides = array<i32>} : memref<32x512xf32, #tpu.memory_space<vmem>>, vector<1x16xf32>,
        %get3A_257 = vector.shape_cast %get3A_256 : vector<1x16xf32> to vector<16xf32>
        %broadcast_in_dim3A_258 = arith.constant 0 : i32
        %broadcast_in_dim3A_259 = vector.broadcast %broadcast_in_dim3A_258 : i32 to vector<16x1xi32>
        %gather3A = vector.shape_cast %broadcast_in_dim3A_259 : vector<16x1xi32> to vector<16xi32>
        %gather3A_260 = tpu.dynamic_gather %get3A_257[%gather3A] in [0] : vector<16xf32>, vector<16xi32> -> vector<16xf32>
        %mul3A_261 = arith.constant 16 : i32
        %mul3A_262 = arith.muli %scan3A_243, %mul3A_261 : i32
        %add3A_263 = arith.constant 0 : i32
        %add3A_264 = arith.addi %mul3A_262, %add3A_263 : i32
        %get3A_265 = arith.index_cast %add3A_264 : i32 to index
        %get3A_266 = arith.constant 0 : index
        %get3A_267 = tpu.vector_load %arg10[%get3A_265, %get3A_266] {strides = array<i32>} : memref<128x128xf32, #tpu.memory_space<vmem>>, vector<1x16xf32>,
        %get3A_268 = vector.shape_cast %get3A_267 : vector<1x16xf32> to vector<16xf32>
        %mul3A_269 = arith.mulf %gather3A_260, %get3A_268 : vector<16xf32>
        %add3A_270 = arith.addf %scan3A_244, %mul3A_269 : vector<16xf32>
        %get3A_271 = arith.index_cast %add3A_264 : i32 to index
        %get3A_272 = arith.constant 16 : index
        %get3A_273 = tpu.vector_load %arg10[%get3A_271, %get3A_272] {strides = array<i32>} : memref<128x128xf32, #tpu.memory_space<vmem>>, vector<1x16xf32>,
        %get3A_274 = vector.shape_cast %get3A_273 : vector<1x16xf32> to vector<16xf32>
        %mul3A_275 = arith.mulf %gather3A_260, %get3A_274 : vector<16xf32>
        %add3A_276 = arith.addf %scan3A_245, %mul3A_275 : vector<16xf32>
        %get3A_277 = arith.index_cast %add3A_264 : i32 to index
        %get3A_278 = arith.constant 32 : index
        %get3A_279 = tpu.vector_load %arg10[%get3A_277, %get3A_278] {strides = array<i32>} : memref<128x128xf32, #tpu.memory_space<vmem>>, vector<1x16xf32>,
        %get3A_280 = vector.shape_cast %get3A_279 : vector<1x16xf32> to vector<16xf32>
        %mul3A_281 = arith.mulf %gather3A_260, %get3A_280 : vector<16xf32>
        %add3A_282 = arith.addf %scan3A_246, %mul3A_281 : vector<16xf32>
        %get3A_283 = arith.index_cast %add3A_264 : i32 to index
        %get3A_284 = arith.constant 48 : index
        %get3A_285 = tpu.vector_load %arg10[%get3A_283, %get3A_284] {strides = array<i32>} : memref<128x128xf32, #tpu.memory_space<vmem>>, vector<1x16xf32>,
        %get3A_286 = vector.shape_cast %get3A_285 : vector<1x16xf32> to vector<16xf32>
        %mul3A_287 = arith.mulf %gather3A_260, %get3A_286 : vector<16xf32>
        %add3A_288 = arith.addf %scan3A_247, %mul3A_287 : vector<16xf32>
        %get3A_289 = arith.index_cast %add3A_264 : i32 to index
        %get3A_290 = arith.constant 64 : index
        %get3A_291 = tpu.vector_load %arg10[%get3A_289, %get3A_290] {strides = array<i32>} : memref<128x128xf32, #tpu.memory_space<vmem>>, vector<1x16xf32>,
        %get3A_292 = vector.shape_cast %get3A_291 : vector<1x16xf32> to vector<16xf32>
        %mul3A_293 = arith.mulf %gather3A_260, %get3A_292 : vector<16xf32>
        %add3A_294 = arith.addf %scan3A_248, %mul3A_293 : vector<16xf32>
        %get3A_295 = arith.index_cast %add3A_264 : i32 to index
        %get3A_296 = arith.constant 80 : index
        %get3A_297 = tpu.vector_load %arg10[%get3A_295, %get3A_296] {strides = array<i32>} : memref<128x128xf32, #tpu.memory_space<vmem>>, vector<1x16xf32>,
        %get3A_298 = vector.shape_cast %get3A_297 : vector<1x16xf32> to vector<16xf32>
        %mul3A_299 = arith.mulf %gather3A_260, %get3A_298 : vector<16xf32>
        %add3A_300 = arith.addf %scan3A_249, %mul3A_299 : vector<16xf32>
        %get3A_301 = arith.index_cast %add3A_264 : i32 to index
        %get3A_302 = arith.constant 96 : index
        %get3A_303 = tpu.vector_load %arg10[%get3A_301, %get3A_302] {strides = array<i32>} : memref<128x128xf32, #tpu.memory_space<vmem>>, vector<1x16xf32>,
        %get3A_304 = vector.shape_cast %get3A_303 : vector<1x16xf32> to vector<16xf32>
        %mul3A_305 = arith.mulf %gather3A_260, %get3A_304 : vector<16xf32>
        %add3A_306 = arith.addf %scan3A_250, %mul3A_305 : vector<16xf32>
        %get3A_307 = arith.index_cast %add3A_264 : i32 to index
        %get3A_308 = arith.constant 112 : index
        %get3A_309 = tpu.vector_load %arg10[%get3A_307, %get3A_308] {strides = array<i32>} : memref<128x128xf32, #tpu.memory_space<vmem>>, vector<1x16xf32>,
        %get3A_310 = vector.shape_cast %get3A_309 : vector<1x16xf32> to vector<16xf32>
        %mul3A_311 = arith.mulf %gather3A_260, %get3A_310 : vector<16xf32>
        %add3A_312 = arith.addf %scan3A_251, %mul3A_311 : vector<16xf32>
        %broadcast_in_dim3A_313 = arith.constant 1 : i32
        %broadcast_in_dim3A_314 = vector.broadcast %broadcast_in_dim3A_313 : i32 to vector<16x1xi32>
        %gather3A_315 = vector.shape_cast %broadcast_in_dim3A_314 : vector<16x1xi32> to vector<16xi32>
        %gather3A_316 = tpu.dynamic_gather %get3A_257[%gather3A_315] in [0] : vector<16xf32>, vector<16xi32> -> vector<16xf32>
        %mul3A_317 = arith.constant 16 : i32
        %mul3A_318 = arith.muli %scan3A_243, %mul3A_317 : i32
        %add3A_319 = arith.constant 1 : i32
        %add3A_320 = arith.addi %mul3A_318, %add3A_319 : i32
        %get3A_321 = arith.index_cast %add3A_320 : i32 to index
        %get3A_322 = arith.constant 0 : index
        %get3A_323 = tpu.vector_load %arg10[%get3A_321, %get3A_322] {strides = array<i32>} : memref<128x128xf32, #tpu.memory_space<vmem>>, vector<1x16xf32>,
        %get3A_324 = vector.shape_cast %get3A_323 : vector<1x16xf32> to vector<16xf32>
        %mul3A_325 = arith.mulf %gather3A_316, %get3A_324 : vector<16xf32>
        %add3A_326 = arith.addf %add3A_270, %mul3A_325 : vector<16xf32>
        %get3A_327 = arith.index_cast %add3A_320 : i32 to index
        %get3A_328 = arith.constant 16 : index
        %get3A_329 = tpu.vector_load %arg10[%get3A_327, %get3A_328] {strides = array<i32>} : memref<128x128xf32, #tpu.memory_space<vmem>>, vector<1x16xf32>,
        %get3A_330 = vector.shape_cast %get3A_329 : vector<1x16xf32> to vector<16xf32>
        %mul3A_331 = arith.mulf %gather3A_316, %get3A_330 : vector<16xf32>
        %add3A_332 = arith.addf %add3A_276, %mul3A_331 : vector<16xf32>
        %get3A_333 = arith.index_cast %add3A_320 : i32 to index
        %get3A_334 = arith.constant 32 : index
        %get3A_335 = tpu.vector_load %arg10[%get3A_333, %get3A_334] {strides = array<i32>} : memref<128x128xf32, #tpu.memory_space<vmem>>, vector<1x16xf32>,
        %get3A_336 = vector.shape_cast %get3A_335 : vector<1x16xf32> to vector<16xf32>
        %mul3A_337 = arith.mulf %gather3A_316, %get3A_336 : vector<16xf32>
        %add3A_338 = arith.addf %add3A_282, %mul3A_337 : vector<16xf32>
        %get3A_339 = arith.index_cast %add3A_320 : i32 to index
        %get3A_340 = arith.constant 48 : index
        %get3A_341 = tpu.vector_load %arg10[%get3A_339, %get3A_340] {strides = array<i32>} : memref<128x128xf32, #tpu.memory_space<vmem>>, vector<1x16xf32>,
        %get3A_342 = vector.shape_cast %get3A_341 : vector<1x16xf32> to vector<16xf32>
        %mul3A_343 = arith.mulf %gather3A_316, %get3A_342 : vector<16xf32>
        %add3A_344 = arith.addf %add3A_288, %mul3A_343 : vector<16xf32>
        %get3A_345 = arith.index_cast %add3A_320 : i32 to index
        %get3A_346 = arith.constant 64 : index
        %get3A_347 = tpu.vector_load %arg10[%get3A_345, %get3A_346] {strides = array<i32>} : memref<128x128xf32, #tpu.memory_space<vmem>>, vector<1x16xf32>,
        %get3A_348 = vector.shape_cast %get3A_347 : vector<1x16xf32> to vector<16xf32>
        %mul3A_349 = arith.mulf %gather3A_316, %get3A_348 : vector<16xf32>
        %add3A_350 = arith.addf %add3A_294, %mul3A_349 : vector<16xf32>
        %get3A_351 = arith.index_cast %add3A_320 : i32 to index
        %get3A_352 = arith.constant 80 : index
        %get3A_353 = tpu.vector_load %arg10[%get3A_351, %get3A_352] {strides = array<i32>} : memref<128x128xf32, #tpu.memory_space<vmem>>, vector<1x16xf32>,
        %get3A_354 = vector.shape_cast %get3A_353 : vector<1x16xf32> to vector<16xf32>
        %mul3A_355 = arith.mulf %gather3A_316, %get3A_354 : vector<16xf32>
        %add3A_356 = arith.addf %add3A_300, %mul3A_355 : vector<16xf32>
        %get3A_357 = arith.index_cast %add3A_320 : i32 to index
        %get3A_358 = arith.constant 96 : index
        %get3A_359 = tpu.vector_load %arg10[%get3A_357, %get3A_358] {strides = array<i32>} : memref<128x128xf32, #tpu.memory_space<vmem>>, vector<1x16xf32>,
        %get3A_360 = vector.shape_cast %get3A_359 : vector<1x16xf32> to vector<16xf32>
        %mul3A_361 = arith.mulf %gather3A_316, %get3A_360 : vector<16xf32>
        %add3A_362 = arith.addf %add3A_306, %mul3A_361 : vector<16xf32>
        %get3A_363 = arith.index_cast %add3A_320 : i32 to index
        %get3A_364 = arith.constant 112 : index
        %get3A_365 = tpu.vector_load %arg10[%get3A_363, %get3A_364] {strides = array<i32>} : memref<128x128xf32, #tpu.memory_space<vmem>>, vector<1x16xf32>,
        %get3A_366 = vector.shape_cast %get3A_365 : vector<1x16xf32> to vector<16xf32>
        %mul3A_367 = arith.mulf %gather3A_316, %get3A_366 : vector<16xf32>
        %add3A_368 = arith.addf %add3A_312, %mul3A_367 : vector<16xf32>
        %broadcast_in_dim3A_369 = arith.constant 2 : i32
        %broadcast_in_dim3A_370 = vector.broadcast %broadcast_in_dim3A_369 : i32 to vector<16x1xi32>
        %gather3A_371 = vector.shape_cast %broadcast_in_dim3A_370 : vector<16x1xi32> to vector<16xi32>
        %gather3A_372 = tpu.dynamic_gather %get3A_257[%gather3A_371] in [0] : vector<16xf32>, vector<16xi32> -> vector<16xf32>
        %mul3A_373 = arith.constant 16 : i32
        %mul3A_374 = arith.muli %scan3A_243, %mul3A_373 : i32
        %add3A_375 = arith.constant 2 : i32
        %add3A_376 = arith.addi %mul3A_374, %add3A_375 : i32
        %get3A_377 = arith.index_cast %add3A_376 : i32 to index
        %get3A_378 = arith.constant 0 : index
        %get3A_379 = tpu.vector_load %arg10[%get3A_377, %get3A_378] {strides = array<i32>} : memref<128x128xf32, #tpu.memory_space<vmem>>, vector<1x16xf32>,
        %get3A_380 = vector.shape_cast %get3A_379 : vector<1x16xf32> to vector<16xf32>
        %mul3A_381 = arith.mulf %gather3A_372, %get3A_380 : vector<16xf32>
        %add3A_382 = arith.addf %add3A_326, %mul3A_381 : vector<16xf32>
        %get3A_383 = arith.index_cast %add3A_376 : i32 to index
        %get3A_384 = arith.constant 16 : index
        %get3A_385 = tpu.vector_load %arg10[%get3A_383, %get3A_384] {strides = array<i32>} : memref<128x128xf32, #tpu.memory_space<vmem>>, vector<1x16xf32>,
        %get3A_386 = vector.shape_cast %get3A_385 : vector<1x16xf32> to vector<16xf32>
        %mul3A_387 = arith.mulf %gather3A_372, %get3A_386 : vector<16xf32>
        %add3A_388 = arith.addf %add3A_332, %mul3A_387 : vector<16xf32>
        %get3A_389 = arith.index_cast %add3A_376 : i32 to index
        %get3A_390 = arith.constant 32 : index
        %get3A_391 = tpu.vector_load %arg10[%get3A_389, %get3A_390] {strides = array<i32>} : memref<128x128xf32, #tpu.memory_space<vmem>>, vector<1x16xf32>,
        %get3A_392 = vector.shape_cast %get3A_391 : vector<1x16xf32> to vector<16xf32>
        %mul3A_393 = arith.mulf %gather3A_372, %get3A_392 : vector<16xf32>
        %add3A_394 = arith.addf %add3A_338, %mul3A_393 : vector<16xf32>
        %get3A_395 = arith.index_cast %add3A_376 : i32 to index
        %get3A_396 = arith.constant 48 : index
        %get3A_397 = tpu.vector_load %arg10[%get3A_395, %get3A_396] {strides = array<i32>} : memref<128x128xf32, #tpu.memory_space<vmem>>, vector<1x16xf32>,
        %get3A_398 = vector.shape_cast %get3A_397 : vector<1x16xf32> to vector<16xf32>
        %mul3A_399 = arith.mulf %gather3A_372, %get3A_398 : vector<16xf32>
        %add3A_400 = arith.addf %add3A_344, %mul3A_399 : vector<16xf32>
        %get3A_401 = arith.index_cast %add3A_376 : i32 to index
        %get3A_402 = arith.constant 64 : index
        %get3A_403 = tpu.vector_load %arg10[%get3A_401, %get3A_402] {strides = array<i32>} : memref<128x128xf32, #tpu.memory_space<vmem>>, vector<1x16xf32>,
        %get3A_404 = vector.shape_cast %get3A_403 : vector<1x16xf32> to vector<16xf32>
        %mul3A_405 = arith.mulf %gather3A_372, %get3A_404 : vector<16xf32>
        %add3A_406 = arith.addf %add3A_350, %mul3A_405 : vector<16xf32>
        %get3A_407 = arith.index_cast %add3A_376 : i32 to index
        %get3A_408 = arith.constant 80 : index
        %get3A_409 = tpu.vector_load %arg10[%get3A_407, %get3A_408] {strides = array<i32>} : memref<128x128xf32, #tpu.memory_space<vmem>>, vector<1x16xf32>,
        %get3A_410 = vector.shape_cast %get3A_409 : vector<1x16xf32> to vector<16xf32>
        %mul3A_411 = arith.mulf %gather3A_372, %get3A_410 : vector<16xf32>
        %add3A_412 = arith.addf %add3A_356, %mul3A_411 : vector<16xf32>
        %get3A_413 = arith.index_cast %add3A_376 : i32 to index
        %get3A_414 = arith.constant 96 : index
        %get3A_415 = tpu.vector_load %arg10[%get3A_413, %get3A_414] {strides = array<i32>} : memref<128x128xf32, #tpu.memory_space<vmem>>, vector<1x16xf32>,
        %get3A_416 = vector.shape_cast %get3A_415 : vector<1x16xf32> to vector<16xf32>
        %mul3A_417 = arith.mulf %gather3A_372, %get3A_416 : vector<16xf32>
        %add3A_418 = arith.addf %add3A_362, %mul3A_417 : vector<16xf32>
        %get3A_419 = arith.index_cast %add3A_376 : i32 to index
        %get3A_420 = arith.constant 112 : index
        %get3A_421 = tpu.vector_load %arg10[%get3A_419, %get3A_420] {strides = array<i32>} : memref<128x128xf32, #tpu.memory_space<vmem>>, vector<1x16xf32>,
        %get3A_422 = vector.shape_cast %get3A_421 : vector<1x16xf32> to vector<16xf32>
        %mul3A_423 = arith.mulf %gather3A_372, %get3A_422 : vector<16xf32>
        %add3A_424 = arith.addf %add3A_368, %mul3A_423 : vector<16xf32>
        %broadcast_in_dim3A_425 = arith.constant 3 : i32
        %broadcast_in_dim3A_426 = vector.broadcast %broadcast_in_dim3A_425 : i32 to vector<16x1xi32>
        %gather3A_427 = vector.shape_cast %broadcast_in_dim3A_426 : vector<16x1xi32> to vector<16xi32>
        %gather3A_428 = tpu.dynamic_gather %get3A_257[%gather3A_427] in [0] : vector<16xf32>, vector<16xi32> -> vector<16xf32>
        %mul3A_429 = arith.constant 16 : i32
        %mul3A_430 = arith.muli %scan3A_243, %mul3A_429 : i32
        %add3A_431 = arith.constant 3 : i32
        %add3A_432 = arith.addi %mul3A_430, %add3A_431 : i32
        %get3A_433 = arith.index_cast %add3A_432 : i32 to index
        %get3A_434 = arith.constant 0 : index
        %get3A_435 = tpu.vector_load %arg10[%get3A_433, %get3A_434] {strides = array<i32>} : memref<128x128xf32, #tpu.memory_space<vmem>>, vector<1x16xf32>,
        %get3A_436 = vector.shape_cast %get3A_435 : vector<1x16xf32> to vector<16xf32>
        %mul3A_437 = arith.mulf %gather3A_428, %get3A_436 : vector<16xf32>
        %add3A_438 = arith.addf %add3A_382, %mul3A_437 : vector<16xf32>
        %get3A_439 = arith.index_cast %add3A_432 : i32 to index
        %get3A_440 = arith.constant 16 : index
        %get3A_441 = tpu.vector_load %arg10[%get3A_439, %get3A_440] {strides = array<i32>} : memref<128x128xf32, #tpu.memory_space<vmem>>, vector<1x16xf32>,
        %get3A_442 = vector.shape_cast %get3A_441 : vector<1x16xf32> to vector<16xf32>
        %mul3A_443 = arith.mulf %gather3A_428, %get3A_442 : vector<16xf32>
        %add3A_444 = arith.addf %add3A_388, %mul3A_443 : vector<16xf32>
        %get3A_445 = arith.index_cast %add3A_432 : i32 to index
        %get3A_446 = arith.constant 32 : index
        %get3A_447 = tpu.vector_load %arg10[%get3A_445, %get3A_446] {strides = array<i32>} : memref<128x128xf32, #tpu.memory_space<vmem>>, vector<1x16xf32>,
        %get3A_448 = vector.shape_cast %get3A_447 : vector<1x16xf32> to vector<16xf32>
        %mul3A_449 = arith.mulf %gather3A_428, %get3A_448 : vector<16xf32>
        %add3A_450 = arith.addf %add3A_394, %mul3A_449 : vector<16xf32>
        %get3A_451 = arith.index_cast %add3A_432 : i32 to index
        %get3A_452 = arith.constant 48 : index
        %get3A_453 = tpu.vector_load %arg10[%get3A_451, %get3A_452] {strides = array<i32>} : memref<128x128xf32, #tpu.memory_space<vmem>>, vector<1x16xf32>,
        %get3A_454 = vector.shape_cast %get3A_453 : vector<1x16xf32> to vector<16xf32>
        %mul3A_455 = arith.mulf %gather3A_428, %get3A_454 : vector<16xf32>
        %add3A_456 = arith.addf %add3A_400, %mul3A_455 : vector<16xf32>
        %get3A_457 = arith.index_cast %add3A_432 : i32 to index
        %get3A_458 = arith.constant 64 : index
        %get3A_459 = tpu.vector_load %arg10[%get3A_457, %get3A_458] {strides = array<i32>} : memref<128x128xf32, #tpu.memory_space<vmem>>, vector<1x16xf32>,
        %get3A_460 = vector.shape_cast %get3A_459 : vector<1x16xf32> to vector<16xf32>
        %mul3A_461 = arith.mulf %gather3A_428, %get3A_460 : vector<16xf32>
        %add3A_462 = arith.addf %add3A_406, %mul3A_461 : vector<16xf32>
        %get3A_463 = arith.index_cast %add3A_432 : i32 to index
        %get3A_464 = arith.constant 80 : index
        %get3A_465 = tpu.vector_load %arg10[%get3A_463, %get3A_464] {strides = array<i32>} : memref<128x128xf32, #tpu.memory_space<vmem>>, vector<1x16xf32>,
        %get3A_466 = vector.shape_cast %get3A_465 : vector<1x16xf32> to vector<16xf32>
        %mul3A_467 = arith.mulf %gather3A_428, %get3A_466 : vector<16xf32>
        %add3A_468 = arith.addf %add3A_412, %mul3A_467 : vector<16xf32>
        %get3A_469 = arith.index_cast %add3A_432 : i32 to index
        %get3A_470 = arith.constant 96 : index
        %get3A_471 = tpu.vector_load %arg10[%get3A_469, %get3A_470] {strides = array<i32>} : memref<128x128xf32, #tpu.memory_space<vmem>>, vector<1x16xf32>,
        %get3A_472 = vector.shape_cast %get3A_471 : vector<1x16xf32> to vector<16xf32>
        %mul3A_473 = arith.mulf %gather3A_428, %get3A_472 : vector<16xf32>
        %add3A_474 = arith.addf %add3A_418, %mul3A_473 : vector<16xf32>
        %get3A_475 = arith.index_cast %add3A_432 : i32 to index
        %get3A_476 = arith.constant 112 : index
        %get3A_477 = tpu.vector_load %arg10[%get3A_475, %get3A_476] {strides = array<i32>} : memref<128x128xf32, #tpu.memory_space<vmem>>, vector<1x16xf32>,
        %get3A_478 = vector.shape_cast %get3A_477 : vector<1x16xf32> to vector<16xf32>
        %mul3A_479 = arith.mulf %gather3A_428, %get3A_478 : vector<16xf32>
        %add3A_480 = arith.addf %add3A_424, %mul3A_479 : vector<16xf32>
        %broadcast_in_dim3A_481 = arith.constant 4 : i32
        %broadcast_in_dim3A_482 = vector.broadcast %broadcast_in_dim3A_481 : i32 to vector<16x1xi32>
        %gather3A_483 = vector.shape_cast %broadcast_in_dim3A_482 : vector<16x1xi32> to vector<16xi32>
        %gather3A_484 = tpu.dynamic_gather %get3A_257[%gather3A_483] in [0] : vector<16xf32>, vector<16xi32> -> vector<16xf32>
        %mul3A_485 = arith.constant 16 : i32
        %mul3A_486 = arith.muli %scan3A_243, %mul3A_485 : i32
        %add3A_487 = arith.constant 4 : i32
        %add3A_488 = arith.addi %mul3A_486, %add3A_487 : i32
        %get3A_489 = arith.index_cast %add3A_488 : i32 to index
        %get3A_490 = arith.constant 0 : index
        %get3A_491 = tpu.vector_load %arg10[%get3A_489, %get3A_490] {strides = array<i32>} : memref<128x128xf32, #tpu.memory_space<vmem>>, vector<1x16xf32>,
        %get3A_492 = vector.shape_cast %get3A_491 : vector<1x16xf32> to vector<16xf32>
        %mul3A_493 = arith.mulf %gather3A_484, %get3A_492 : vector<16xf32>
        %add3A_494 = arith.addf %add3A_438, %mul3A_493 : vector<16xf32>
        %get3A_495 = arith.index_cast %add3A_488 : i32 to index
        %get3A_496 = arith.constant 16 : index
        %get3A_497 = tpu.vector_load %arg10[%get3A_495, %get3A_496] {strides = array<i32>} : memref<128x128xf32, #tpu.memory_space<vmem>>, vector<1x16xf32>,
        %get3A_498 = vector.shape_cast %get3A_497 : vector<1x16xf32> to vector<16xf32>
        %mul3A_499 = arith.mulf %gather3A_484, %get3A_498 : vector<16xf32>
        %add3A_500 = arith.addf %add3A_444, %mul3A_499 : vector<16xf32>
        %get3A_501 = arith.index_cast %add3A_488 : i32 to index
        %get3A_502 = arith.constant 32 : index
        %get3A_503 = tpu.vector_load %arg10[%get3A_501, %get3A_502] {strides = array<i32>} : memref<128x128xf32, #tpu.memory_space<vmem>>, vector<1x16xf32>,
        %get3A_504 = vector.shape_cast %get3A_503 : vector<1x16xf32> to vector<16xf32>
        %mul3A_505 = arith.mulf %gather3A_484, %get3A_504 : vector<16xf32>
        %add3A_506 = arith.addf %add3A_450, %mul3A_505 : vector<16xf32>
        %get3A_507 = arith.index_cast %add3A_488 : i32 to index
        %get3A_508 = arith.constant 48 : index
        %get3A_509 = tpu.vector_load %arg10[%get3A_507, %get3A_508] {strides = array<i32>} : memref<128x128xf32, #tpu.memory_space<vmem>>, vector<1x16xf32>,
        %get3A_510 = vector.shape_cast %get3A_509 : vector<1x16xf32> to vector<16xf32>
        %mul3A_511 = arith.mulf %gather3A_484, %get3A_510 : vector<16xf32>
        %add3A_512 = arith.addf %add3A_456, %mul3A_511 : vector<16xf32>
        %get3A_513 = arith.index_cast %add3A_488 : i32 to index
        %get3A_514 = arith.constant 64 : index
        %get3A_515 = tpu.vector_load %arg10[%get3A_513, %get3A_514] {strides = array<i32>} : memref<128x128xf32, #tpu.memory_space<vmem>>, vector<1x16xf32>,
        %get3A_516 = vector.shape_cast %get3A_515 : vector<1x16xf32> to vector<16xf32>
        %mul3A_517 = arith.mulf %gather3A_484, %get3A_516 : vector<16xf32>
        %add3A_518 = arith.addf %add3A_462, %mul3A_517 : vector<16xf32>
        %get3A_519 = arith.index_cast %add3A_488 : i32 to index
        %get3A_520 = arith.constant 80 : index
        %get3A_521 = tpu.vector_load %arg10[%get3A_519, %get3A_520] {strides = array<i32>} : memref<128x128xf32, #tpu.memory_space<vmem>>, vector<1x16xf32>,
        %get3A_522 = vector.shape_cast %get3A_521 : vector<1x16xf32> to vector<16xf32>
        %mul3A_523 = arith.mulf %gather3A_484, %get3A_522 : vector<16xf32>
        %add3A_524 = arith.addf %add3A_468, %mul3A_523 : vector<16xf32>
        %get3A_525 = arith.index_cast %add3A_488 : i32 to index
        %get3A_526 = arith.constant 96 : index
        %get3A_527 = tpu.vector_load %arg10[%get3A_525, %get3A_526] {strides = array<i32>} : memref<128x128xf32, #tpu.memory_space<vmem>>, vector<1x16xf32>,
        %get3A_528 = vector.shape_cast %get3A_527 : vector<1x16xf32> to vector<16xf32>
        %mul3A_529 = arith.mulf %gather3A_484, %get3A_528 : vector<16xf32>
        %add3A_530 = arith.addf %add3A_474, %mul3A_529 : vector<16xf32>
        %get3A_531 = arith.index_cast %add3A_488 : i32 to index
        %get3A_532 = arith.constant 112 : index
        %get3A_533 = tpu.vector_load %arg10[%get3A_531, %get3A_532] {strides = array<i32>} : memref<128x128xf32, #tpu.memory_space<vmem>>, vector<1x16xf32>,
        %get3A_534 = vector.shape_cast %get3A_533 : vector<1x16xf32> to vector<16xf32>
        %mul3A_535 = arith.mulf %gather3A_484, %get3A_534 : vector<16xf32>
        %add3A_536 = arith.addf %add3A_480, %mul3A_535 : vector<16xf32>
        %broadcast_in_dim3A_537 = arith.constant 5 : i32
        %broadcast_in_dim3A_538 = vector.broadcast %broadcast_in_dim3A_537 : i32 to vector<16x1xi32>
        %gather3A_539 = vector.shape_cast %broadcast_in_dim3A_538 : vector<16x1xi32> to vector<16xi32>
        %gather3A_540 = tpu.dynamic_gather %get3A_257[%gather3A_539] in [0] : vector<16xf32>, vector<16xi32> -> vector<16xf32>
        %mul3A_541 = arith.constant 16 : i32
        %mul3A_542 = arith.muli %scan3A_243, %mul3A_541 : i32
        %add3A_543 = arith.constant 5 : i32
        %add3A_544 = arith.addi %mul3A_542, %add3A_543 : i32
        %get3A_545 = arith.index_cast %add3A_544 : i32 to index
        %get3A_546 = arith.constant 0 : index
        %get3A_547 = tpu.vector_load %arg10[%get3A_545, %get3A_546] {strides = array<i32>} : memref<128x128xf32, #tpu.memory_space<vmem>>, vector<1x16xf32>,
        %get3A_548 = vector.shape_cast %get3A_547 : vector<1x16xf32> to vector<16xf32>
        %mul3A_549 = arith.mulf %gather3A_540, %get3A_548 : vector<16xf32>
        %add3A_550 = arith.addf %add3A_494, %mul3A_549 : vector<16xf32>
        %get3A_551 = arith.index_cast %add3A_544 : i32 to index
        %get3A_552 = arith.constant 16 : index
        %get3A_553 = tpu.vector_load %arg10[%get3A_551, %get3A_552] {strides = array<i32>} : memref<128x128xf32, #tpu.memory_space<vmem>>, vector<1x16xf32>,
        %get3A_554 = vector.shape_cast %get3A_553 : vector<1x16xf32> to vector<16xf32>
        %mul3A_555 = arith.mulf %gather3A_540, %get3A_554 : vector<16xf32>
        %add3A_556 = arith.addf %add3A_500, %mul3A_555 : vector<16xf32>
        %get3A_557 = arith.index_cast %add3A_544 : i32 to index
        %get3A_558 = arith.constant 32 : index
        %get3A_559 = tpu.vector_load %arg10[%get3A_557, %get3A_558] {strides = array<i32>} : memref<128x128xf32, #tpu.memory_space<vmem>>, vector<1x16xf32>,
        %get3A_560 = vector.shape_cast %get3A_559 : vector<1x16xf32> to vector<16xf32>
        %mul3A_561 = arith.mulf %gather3A_540, %get3A_560 : vector<16xf32>
        %add3A_562 = arith.addf %add3A_506, %mul3A_561 : vector<16xf32>
        %get3A_563 = arith.index_cast %add3A_544 : i32 to index
        %get3A_564 = arith.constant 48 : index
        %get3A_565 = tpu.vector_load %arg10[%get3A_563, %get3A_564] {strides = array<i32>} : memref<128x128xf32, #tpu.memory_space<vmem>>, vector<1x16xf32>,
        %get3A_566 = vector.shape_cast %get3A_565 : vector<1x16xf32> to vector<16xf32>
        %mul3A_567 = arith.mulf %gather3A_540, %get3A_566 : vector<16xf32>
        %add3A_568 = arith.addf %add3A_512, %mul3A_567 : vector<16xf32>
        %get3A_569 = arith.index_cast %add3A_544 : i32 to index
        %get3A_570 = arith.constant 64 : index
        %get3A_571 = tpu.vector_load %arg10[%get3A_569, %get3A_570] {strides = array<i32>} : memref<128x128xf32, #tpu.memory_space<vmem>>, vector<1x16xf32>,
        %get3A_572 = vector.shape_cast %get3A_571 : vector<1x16xf32> to vector<16xf32>
        %mul3A_573 = arith.mulf %gather3A_540, %get3A_572 : vector<16xf32>
        %add3A_574 = arith.addf %add3A_518, %mul3A_573 : vector<16xf32>
        %get3A_575 = arith.index_cast %add3A_544 : i32 to index
        %get3A_576 = arith.constant 80 : index
        %get3A_577 = tpu.vector_load %arg10[%get3A_575, %get3A_576] {strides = array<i32>} : memref<128x128xf32, #tpu.memory_space<vmem>>, vector<1x16xf32>,
        %get3A_578 = vector.shape_cast %get3A_577 : vector<1x16xf32> to vector<16xf32>
        %mul3A_579 = arith.mulf %gather3A_540, %get3A_578 : vector<16xf32>
        %add3A_580 = arith.addf %add3A_524, %mul3A_579 : vector<16xf32>
        %get3A_581 = arith.index_cast %add3A_544 : i32 to index
        %get3A_582 = arith.constant 96 : index
        %get3A_583 = tpu.vector_load %arg10[%get3A_581, %get3A_582] {strides = array<i32>} : memref<128x128xf32, #tpu.memory_space<vmem>>, vector<1x16xf32>,
        %get3A_584 = vector.shape_cast %get3A_583 : vector<1x16xf32> to vector<16xf32>
        %mul3A_585 = arith.mulf %gather3A_540, %get3A_584 : vector<16xf32>
        %add3A_586 = arith.addf %add3A_530, %mul3A_585 : vector<16xf32>
        %get3A_587 = arith.index_cast %add3A_544 : i32 to index
        %get3A_588 = arith.constant 112 : index
        %get3A_589 = tpu.vector_load %arg10[%get3A_587, %get3A_588] {strides = array<i32>} : memref<128x128xf32, #tpu.memory_space<vmem>>, vector<1x16xf32>,
        %get3A_590 = vector.shape_cast %get3A_589 : vector<1x16xf32> to vector<16xf32>
        %mul3A_591 = arith.mulf %gather3A_540, %get3A_590 : vector<16xf32>
        %add3A_592 = arith.addf %add3A_536, %mul3A_591 : vector<16xf32>
        %broadcast_in_dim3A_593 = arith.constant 6 : i32
        %broadcast_in_dim3A_594 = vector.broadcast %broadcast_in_dim3A_593 : i32 to vector<16x1xi32>
        %gather3A_595 = vector.shape_cast %broadcast_in_dim3A_594 : vector<16x1xi32> to vector<16xi32>
        %gather3A_596 = tpu.dynamic_gather %get3A_257[%gather3A_595] in [0] : vector<16xf32>, vector<16xi32> -> vector<16xf32>
        %mul3A_597 = arith.constant 16 : i32
        %mul3A_598 = arith.muli %scan3A_243, %mul3A_597 : i32
        %add3A_599 = arith.constant 6 : i32
        %add3A_600 = arith.addi %mul3A_598, %add3A_599 : i32
        %get3A_601 = arith.index_cast %add3A_600 : i32 to index
        %get3A_602 = arith.constant 0 : index
        %get3A_603 = tpu.vector_load %arg10[%get3A_601, %get3A_602] {strides = array<i32>} : memref<128x128xf32, #tpu.memory_space<vmem>>, vector<1x16xf32>,
        %get3A_604 = vector.shape_cast %get3A_603 : vector<1x16xf32> to vector<16xf32>
        %mul3A_605 = arith.mulf %gather3A_596, %get3A_604 : vector<16xf32>
        %add3A_606 = arith.addf %add3A_550, %mul3A_605 : vector<16xf32>
        %get3A_607 = arith.index_cast %add3A_600 : i32 to index
        %get3A_608 = arith.constant 16 : index
        %get3A_609 = tpu.vector_load %arg10[%get3A_607, %get3A_608] {strides = array<i32>} : memref<128x128xf32, #tpu.memory_space<vmem>>, vector<1x16xf32>,
        %get3A_610 = vector.shape_cast %get3A_609 : vector<1x16xf32> to vector<16xf32>
        %mul3A_611 = arith.mulf %gather3A_596, %get3A_610 : vector<16xf32>
        %add3A_612 = arith.addf %add3A_556, %mul3A_611 : vector<16xf32>
        %get3A_613 = arith.index_cast %add3A_600 : i32 to index
        %get3A_614 = arith.constant 32 : index
        %get3A_615 = tpu.vector_load %arg10[%get3A_613, %get3A_614] {strides = array<i32>} : memref<128x128xf32, #tpu.memory_space<vmem>>, vector<1x16xf32>,
        %get3A_616 = vector.shape_cast %get3A_615 : vector<1x16xf32> to vector<16xf32>
        %mul3A_617 = arith.mulf %gather3A_596, %get3A_616 : vector<16xf32>
        %add3A_618 = arith.addf %add3A_562, %mul3A_617 : vector<16xf32>
        %get3A_619 = arith.index_cast %add3A_600 : i32 to index
        %get3A_620 = arith.constant 48 : index
        %get3A_621 = tpu.vector_load %arg10[%get3A_619, %get3A_620] {strides = array<i32>} : memref<128x128xf32, #tpu.memory_space<vmem>>, vector<1x16xf32>,
        %get3A_622 = vector.shape_cast %get3A_621 : vector<1x16xf32> to vector<16xf32>
        %mul3A_623 = arith.mulf %gather3A_596, %get3A_622 : vector<16xf32>
        %add3A_624 = arith.addf %add3A_568, %mul3A_623 : vector<16xf32>
        %get3A_625 = arith.index_cast %add3A_600 : i32 to index
        %get3A_626 = arith.constant 64 : index
        %get3A_627 = tpu.vector_load %arg10[%get3A_625, %get3A_626] {strides = array<i32>} : memref<128x128xf32, #tpu.memory_space<vmem>>, vector<1x16xf32>,
        %get3A_628 = vector.shape_cast %get3A_627 : vector<1x16xf32> to vector<16xf32>
        %mul3A_629 = arith.mulf %gather3A_596, %get3A_628 : vector<16xf32>
        %add3A_630 = arith.addf %add3A_574, %mul3A_629 : vector<16xf32>
        %get3A_631 = arith.index_cast %add3A_600 : i32 to index
        %get3A_632 = arith.constant 80 : index
        %get3A_633 = tpu.vector_load %arg10[%get3A_631, %get3A_632] {strides = array<i32>} : memref<128x128xf32, #tpu.memory_space<vmem>>, vector<1x16xf32>,
        %get3A_634 = vector.shape_cast %get3A_633 : vector<1x16xf32> to vector<16xf32>
        %mul3A_635 = arith.mulf %gather3A_596, %get3A_634 : vector<16xf32>
        %add3A_636 = arith.addf %add3A_580, %mul3A_635 : vector<16xf32>
        %get3A_637 = arith.index_cast %add3A_600 : i32 to index
        %get3A_638 = arith.constant 96 : index
        %get3A_639 = tpu.vector_load %arg10[%get3A_637, %get3A_638] {strides = array<i32>} : memref<128x128xf32, #tpu.memory_space<vmem>>, vector<1x16xf32>,
        %get3A_640 = vector.shape_cast %get3A_639 : vector<1x16xf32> to vector<16xf32>
        %mul3A_641 = arith.mulf %gather3A_596, %get3A_640 : vector<16xf32>
        %add3A_642 = arith.addf %add3A_586, %mul3A_641 : vector<16xf32>
        %get3A_643 = arith.index_cast %add3A_600 : i32 to index
        %get3A_644 = arith.constant 112 : index
        %get3A_645 = tpu.vector_load %arg10[%get3A_643, %get3A_644] {strides = array<i32>} : memref<128x128xf32, #tpu.memory_space<vmem>>, vector<1x16xf32>,
        %get3A_646 = vector.shape_cast %get3A_645 : vector<1x16xf32> to vector<16xf32>
        %mul3A_647 = arith.mulf %gather3A_596, %get3A_646 : vector<16xf32>
        %add3A_648 = arith.addf %add3A_592, %mul3A_647 : vector<16xf32>
        %broadcast_in_dim3A_649 = arith.constant 7 : i32
        %broadcast_in_dim3A_650 = vector.broadcast %broadcast_in_dim3A_649 : i32 to vector<16x1xi32>
        %gather3A_651 = vector.shape_cast %broadcast_in_dim3A_650 : vector<16x1xi32> to vector<16xi32>
        %gather3A_652 = tpu.dynamic_gather %get3A_257[%gather3A_651] in [0] : vector<16xf32>, vector<16xi32> -> vector<16xf32>
        %mul3A_653 = arith.constant 16 : i32
        %mul3A_654 = arith.muli %scan3A_243, %mul3A_653 : i32
        %add3A_655 = arith.constant 7 : i32
        %add3A_656 = arith.addi %mul3A_654, %add3A_655 : i32
        %get3A_657 = arith.index_cast %add3A_656 : i32 to index
        %get3A_658 = arith.constant 0 : index
        %get3A_659 = tpu.vector_load %arg10[%get3A_657, %get3A_658] {strides = array<i32>} : memref<128x128xf32, #tpu.memory_space<vmem>>, vector<1x16xf32>,
        %get3A_660 = vector.shape_cast %get3A_659 : vector<1x16xf32> to vector<16xf32>
        %mul3A_661 = arith.mulf %gather3A_652, %get3A_660 : vector<16xf32>
        %add3A_662 = arith.addf %add3A_606, %mul3A_661 : vector<16xf32>
        %get3A_663 = arith.index_cast %add3A_656 : i32 to index
        %get3A_664 = arith.constant 16 : index
        %get3A_665 = tpu.vector_load %arg10[%get3A_663, %get3A_664] {strides = array<i32>} : memref<128x128xf32, #tpu.memory_space<vmem>>, vector<1x16xf32>,
        %get3A_666 = vector.shape_cast %get3A_665 : vector<1x16xf32> to vector<16xf32>
        %mul3A_667 = arith.mulf %gather3A_652, %get3A_666 : vector<16xf32>
        %add3A_668 = arith.addf %add3A_612, %mul3A_667 : vector<16xf32>
        %get3A_669 = arith.index_cast %add3A_656 : i32 to index
        %get3A_670 = arith.constant 32 : index
        %get3A_671 = tpu.vector_load %arg10[%get3A_669, %get3A_670] {strides = array<i32>} : memref<128x128xf32, #tpu.memory_space<vmem>>, vector<1x16xf32>,
        %get3A_672 = vector.shape_cast %get3A_671 : vector<1x16xf32> to vector<16xf32>
        %mul3A_673 = arith.mulf %gather3A_652, %get3A_672 : vector<16xf32>
        %add3A_674 = arith.addf %add3A_618, %mul3A_673 : vector<16xf32>
        %get3A_675 = arith.index_cast %add3A_656 : i32 to index
        %get3A_676 = arith.constant 48 : index
        %get3A_677 = tpu.vector_load %arg10[%get3A_675, %get3A_676] {strides = array<i32>} : memref<128x128xf32, #tpu.memory_space<vmem>>, vector<1x16xf32>,
        %get3A_678 = vector.shape_cast %get3A_677 : vector<1x16xf32> to vector<16xf32>
        %mul3A_679 = arith.mulf %gather3A_652, %get3A_678 : vector<16xf32>
        %add3A_680 = arith.addf %add3A_624, %mul3A_679 : vector<16xf32>
        %get3A_681 = arith.index_cast %add3A_656 : i32 to index
        %get3A_682 = arith.constant 64 : index
        %get3A_683 = tpu.vector_load %arg10[%get3A_681, %get3A_682] {strides = array<i32>} : memref<128x128xf32, #tpu.memory_space<vmem>>, vector<1x16xf32>,
        %get3A_684 = vector.shape_cast %get3A_683 : vector<1x16xf32> to vector<16xf32>
        %mul3A_685 = arith.mulf %gather3A_652, %get3A_684 : vector<16xf32>
        %add3A_686 = arith.addf %add3A_630, %mul3A_685 : vector<16xf32>
        %get3A_687 = arith.index_cast %add3A_656 : i32 to index
        %get3A_688 = arith.constant 80 : index
        %get3A_689 = tpu.vector_load %arg10[%get3A_687, %get3A_688] {strides = array<i32>} : memref<128x128xf32, #tpu.memory_space<vmem>>, vector<1x16xf32>,
        %get3A_690 = vector.shape_cast %get3A_689 : vector<1x16xf32> to vector<16xf32>
        %mul3A_691 = arith.mulf %gather3A_652, %get3A_690 : vector<16xf32>
        %add3A_692 = arith.addf %add3A_636, %mul3A_691 : vector<16xf32>
        %get3A_693 = arith.index_cast %add3A_656 : i32 to index
        %get3A_694 = arith.constant 96 : index
        %get3A_695 = tpu.vector_load %arg10[%get3A_693, %get3A_694] {strides = array<i32>} : memref<128x128xf32, #tpu.memory_space<vmem>>, vector<1x16xf32>,
        %get3A_696 = vector.shape_cast %get3A_695 : vector<1x16xf32> to vector<16xf32>
        %mul3A_697 = arith.mulf %gather3A_652, %get3A_696 : vector<16xf32>
        %add3A_698 = arith.addf %add3A_642, %mul3A_697 : vector<16xf32>
        %get3A_699 = arith.index_cast %add3A_656 : i32 to index
        %get3A_700 = arith.constant 112 : index
        %get3A_701 = tpu.vector_load %arg10[%get3A_699, %get3A_700] {strides = array<i32>} : memref<128x128xf32, #tpu.memory_space<vmem>>, vector<1x16xf32>,
        %get3A_702 = vector.shape_cast %get3A_701 : vector<1x16xf32> to vector<16xf32>
        %mul3A_703 = arith.mulf %gather3A_652, %get3A_702 : vector<16xf32>
        %add3A_704 = arith.addf %add3A_648, %mul3A_703 : vector<16xf32>
        %broadcast_in_dim3A_705 = arith.constant 8 : i32
        %broadcast_in_dim3A_706 = vector.broadcast %broadcast_in_dim3A_705 : i32 to vector<16x1xi32>
        %gather3A_707 = vector.shape_cast %broadcast_in_dim3A_706 : vector<16x1xi32> to vector<16xi32>
        %gather3A_708 = tpu.dynamic_gather %get3A_257[%gather3A_707] in [0] : vector<16xf32>, vector<16xi32> -> vector<16xf32>
        %mul3A_709 = arith.constant 16 : i32
        %mul3A_710 = arith.muli %scan3A_243, %mul3A_709 : i32
        %add3A_711 = arith.constant 8 : i32
        %add3A_712 = arith.addi %mul3A_710, %add3A_711 : i32
        %get3A_713 = arith.index_cast %add3A_712 : i32 to index
        %get3A_714 = arith.constant 0 : index
        %get3A_715 = tpu.vector_load %arg10[%get3A_713, %get3A_714] {strides = array<i32>} : memref<128x128xf32, #tpu.memory_space<vmem>>, vector<1x16xf32>,
        %get3A_716 = vector.shape_cast %get3A_715 : vector<1x16xf32> to vector<16xf32>
        %mul3A_717 = arith.mulf %gather3A_708, %get3A_716 : vector<16xf32>
        %add3A_718 = arith.addf %add3A_662, %mul3A_717 : vector<16xf32>
        %get3A_719 = arith.index_cast %add3A_712 : i32 to index
        %get3A_720 = arith.constant 16 : index
        %get3A_721 = tpu.vector_load %arg10[%get3A_719, %get3A_720] {strides = array<i32>} : memref<128x128xf32, #tpu.memory_space<vmem>>, vector<1x16xf32>,
        %get3A_722 = vector.shape_cast %get3A_721 : vector<1x16xf32> to vector<16xf32>
        %mul3A_723 = arith.mulf %gather3A_708, %get3A_722 : vector<16xf32>
        %add3A_724 = arith.addf %add3A_668, %mul3A_723 : vector<16xf32>
        %get3A_725 = arith.index_cast %add3A_712 : i32 to index
        %get3A_726 = arith.constant 32 : index
        %get3A_727 = tpu.vector_load %arg10[%get3A_725, %get3A_726] {strides = array<i32>} : memref<128x128xf32, #tpu.memory_space<vmem>>, vector<1x16xf32>,
        %get3A_728 = vector.shape_cast %get3A_727 : vector<1x16xf32> to vector<16xf32>
        %mul3A_729 = arith.mulf %gather3A_708, %get3A_728 : vector<16xf32>
        %add3A_730 = arith.addf %add3A_674, %mul3A_729 : vector<16xf32>
        %get3A_731 = arith.index_cast %add3A_712 : i32 to index
        %get3A_732 = arith.constant 48 : index
        %get3A_733 = tpu.vector_load %arg10[%get3A_731, %get3A_732] {strides = array<i32>} : memref<128x128xf32, #tpu.memory_space<vmem>>, vector<1x16xf32>,
        %get3A_734 = vector.shape_cast %get3A_733 : vector<1x16xf32> to vector<16xf32>
        %mul3A_735 = arith.mulf %gather3A_708, %get3A_734 : vector<16xf32>
        %add3A_736 = arith.addf %add3A_680, %mul3A_735 : vector<16xf32>
        %get3A_737 = arith.index_cast %add3A_712 : i32 to index
        %get3A_738 = arith.constant 64 : index
        %get3A_739 = tpu.vector_load %arg10[%get3A_737, %get3A_738] {strides = array<i32>} : memref<128x128xf32, #tpu.memory_space<vmem>>, vector<1x16xf32>,
        %get3A_740 = vector.shape_cast %get3A_739 : vector<1x16xf32> to vector<16xf32>
        %mul3A_741 = arith.mulf %gather3A_708, %get3A_740 : vector<16xf32>
        %add3A_742 = arith.addf %add3A_686, %mul3A_741 : vector<16xf32>
        %get3A_743 = arith.index_cast %add3A_712 : i32 to index
        %get3A_744 = arith.constant 80 : index
        %get3A_745 = tpu.vector_load %arg10[%get3A_743, %get3A_744] {strides = array<i32>} : memref<128x128xf32, #tpu.memory_space<vmem>>, vector<1x16xf32>,
        %get3A_746 = vector.shape_cast %get3A_745 : vector<1x16xf32> to vector<16xf32>
        %mul3A_747 = arith.mulf %gather3A_708, %get3A_746 : vector<16xf32>
        %add3A_748 = arith.addf %add3A_692, %mul3A_747 : vector<16xf32>
        %get3A_749 = arith.index_cast %add3A_712 : i32 to index
        %get3A_750 = arith.constant 96 : index
        %get3A_751 = tpu.vector_load %arg10[%get3A_749, %get3A_750] {strides = array<i32>} : memref<128x128xf32, #tpu.memory_space<vmem>>, vector<1x16xf32>,
        %get3A_752 = vector.shape_cast %get3A_751 : vector<1x16xf32> to vector<16xf32>
        %mul3A_753 = arith.mulf %gather3A_708, %get3A_752 : vector<16xf32>
        %add3A_754 = arith.addf %add3A_698, %mul3A_753 : vector<16xf32>
        %get3A_755 = arith.index_cast %add3A_712 : i32 to index
        %get3A_756 = arith.constant 112 : index
        %get3A_757 = tpu.vector_load %arg10[%get3A_755, %get3A_756] {strides = array<i32>} : memref<128x128xf32, #tpu.memory_space<vmem>>, vector<1x16xf32>,
        %get3A_758 = vector.shape_cast %get3A_757 : vector<1x16xf32> to vector<16xf32>
        %mul3A_759 = arith.mulf %gather3A_708, %get3A_758 : vector<16xf32>
        %add3A_760 = arith.addf %add3A_704, %mul3A_759 : vector<16xf32>
        %broadcast_in_dim3A_761 = arith.constant 9 : i32
        %broadcast_in_dim3A_762 = vector.broadcast %broadcast_in_dim3A_761 : i32 to vector<16x1xi32>
        %gather3A_763 = vector.shape_cast %broadcast_in_dim3A_762 : vector<16x1xi32> to vector<16xi32>
        %gather3A_764 = tpu.dynamic_gather %get3A_257[%gather3A_763] in [0] : vector<16xf32>, vector<16xi32> -> vector<16xf32>
        %mul3A_765 = arith.constant 16 : i32
        %mul3A_766 = arith.muli %scan3A_243, %mul3A_765 : i32
        %add3A_767 = arith.constant 9 : i32
        %add3A_768 = arith.addi %mul3A_766, %add3A_767 : i32
        %get3A_769 = arith.index_cast %add3A_768 : i32 to index
        %get3A_770 = arith.constant 0 : index
        %get3A_771 = tpu.vector_load %arg10[%get3A_769, %get3A_770] {strides = array<i32>} : memref<128x128xf32, #tpu.memory_space<vmem>>, vector<1x16xf32>,
        %get3A_772 = vector.shape_cast %get3A_771 : vector<1x16xf32> to vector<16xf32>
        %mul3A_773 = arith.mulf %gather3A_764, %get3A_772 : vector<16xf32>
        %add3A_774 = arith.addf %add3A_718, %mul3A_773 : vector<16xf32>
        %get3A_775 = arith.index_cast %add3A_768 : i32 to index
        %get3A_776 = arith.constant 16 : index
        %get3A_777 = tpu.vector_load %arg10[%get3A_775, %get3A_776] {strides = array<i32>} : memref<128x128xf32, #tpu.memory_space<vmem>>, vector<1x16xf32>,
        %get3A_778 = vector.shape_cast %get3A_777 : vector<1x16xf32> to vector<16xf32>
        %mul3A_779 = arith.mulf %gather3A_764, %get3A_778 : vector<16xf32>
        %add3A_780 = arith.addf %add3A_724, %mul3A_779 : vector<16xf32>
        %get3A_781 = arith.index_cast %add3A_768 : i32 to index
        %get3A_782 = arith.constant 32 : index
        %get3A_783 = tpu.vector_load %arg10[%get3A_781, %get3A_782] {strides = array<i32>} : memref<128x128xf32, #tpu.memory_space<vmem>>, vector<1x16xf32>,
        %get3A_784 = vector.shape_cast %get3A_783 : vector<1x16xf32> to vector<16xf32>
        %mul3A_785 = arith.mulf %gather3A_764, %get3A_784 : vector<16xf32>
        %add3A_786 = arith.addf %add3A_730, %mul3A_785 : vector<16xf32>
        %get3A_787 = arith.index_cast %add3A_768 : i32 to index
        %get3A_788 = arith.constant 48 : index
        %get3A_789 = tpu.vector_load %arg10[%get3A_787, %get3A_788] {strides = array<i32>} : memref<128x128xf32, #tpu.memory_space<vmem>>, vector<1x16xf32>,
        %get3A_790 = vector.shape_cast %get3A_789 : vector<1x16xf32> to vector<16xf32>
        %mul3A_791 = arith.mulf %gather3A_764, %get3A_790 : vector<16xf32>
        %add3A_792 = arith.addf %add3A_736, %mul3A_791 : vector<16xf32>
        %get3A_793 = arith.index_cast %add3A_768 : i32 to index
        %get3A_794 = arith.constant 64 : index
        %get3A_795 = tpu.vector_load %arg10[%get3A_793, %get3A_794] {strides = array<i32>} : memref<128x128xf32, #tpu.memory_space<vmem>>, vector<1x16xf32>,
        %get3A_796 = vector.shape_cast %get3A_795 : vector<1x16xf32> to vector<16xf32>
        %mul3A_797 = arith.mulf %gather3A_764, %get3A_796 : vector<16xf32>
        %add3A_798 = arith.addf %add3A_742, %mul3A_797 : vector<16xf32>
        %get3A_799 = arith.index_cast %add3A_768 : i32 to index
        %get3A_800 = arith.constant 80 : index
        %get3A_801 = tpu.vector_load %arg10[%get3A_799, %get3A_800] {strides = array<i32>} : memref<128x128xf32, #tpu.memory_space<vmem>>, vector<1x16xf32>,
        %get3A_802 = vector.shape_cast %get3A_801 : vector<1x16xf32> to vector<16xf32>
        %mul3A_803 = arith.mulf %gather3A_764, %get3A_802 : vector<16xf32>
        %add3A_804 = arith.addf %add3A_748, %mul3A_803 : vector<16xf32>
        %get3A_805 = arith.index_cast %add3A_768 : i32 to index
        %get3A_806 = arith.constant 96 : index
        %get3A_807 = tpu.vector_load %arg10[%get3A_805, %get3A_806] {strides = array<i32>} : memref<128x128xf32, #tpu.memory_space<vmem>>, vector<1x16xf32>,
        %get3A_808 = vector.shape_cast %get3A_807 : vector<1x16xf32> to vector<16xf32>
        %mul3A_809 = arith.mulf %gather3A_764, %get3A_808 : vector<16xf32>
        %add3A_810 = arith.addf %add3A_754, %mul3A_809 : vector<16xf32>
        %get3A_811 = arith.index_cast %add3A_768 : i32 to index
        %get3A_812 = arith.constant 112 : index
        %get3A_813 = tpu.vector_load %arg10[%get3A_811, %get3A_812] {strides = array<i32>} : memref<128x128xf32, #tpu.memory_space<vmem>>, vector<1x16xf32>,
        %get3A_814 = vector.shape_cast %get3A_813 : vector<1x16xf32> to vector<16xf32>
        %mul3A_815 = arith.mulf %gather3A_764, %get3A_814 : vector<16xf32>
        %add3A_816 = arith.addf %add3A_760, %mul3A_815 : vector<16xf32>
        %broadcast_in_dim3A_817 = arith.constant 10 : i32
        %broadcast_in_dim3A_818 = vector.broadcast %broadcast_in_dim3A_817 : i32 to vector<16x1xi32>
        %gather3A_819 = vector.shape_cast %broadcast_in_dim3A_818 : vector<16x1xi32> to vector<16xi32>
        %gather3A_820 = tpu.dynamic_gather %get3A_257[%gather3A_819] in [0] : vector<16xf32>, vector<16xi32> -> vector<16xf32>
        %mul3A_821 = arith.constant 16 : i32
        %mul3A_822 = arith.muli %scan3A_243, %mul3A_821 : i32
        %add3A_823 = arith.constant 10 : i32
        %add3A_824 = arith.addi %mul3A_822, %add3A_823 : i32
        %get3A_825 = arith.index_cast %add3A_824 : i32 to index
        %get3A_826 = arith.constant 0 : index
        %get3A_827 = tpu.vector_load %arg10[%get3A_825, %get3A_826] {strides = array<i32>} : memref<128x128xf32, #tpu.memory_space<vmem>>, vector<1x16xf32>,
        %get3A_828 = vector.shape_cast %get3A_827 : vector<1x16xf32> to vector<16xf32>
        %mul3A_829 = arith.mulf %gather3A_820, %get3A_828 : vector<16xf32>
        %add3A_830 = arith.addf %add3A_774, %mul3A_829 : vector<16xf32>
        %get3A_831 = arith.index_cast %add3A_824 : i32 to index
        %get3A_832 = arith.constant 16 : index
        %get3A_833 = tpu.vector_load %arg10[%get3A_831, %get3A_832] {strides = array<i32>} : memref<128x128xf32, #tpu.memory_space<vmem>>, vector<1x16xf32>,
        %get3A_834 = vector.shape_cast %get3A_833 : vector<1x16xf32> to vector<16xf32>
        %mul3A_835 = arith.mulf %gather3A_820, %get3A_834 : vector<16xf32>
        %add3A_836 = arith.addf %add3A_780, %mul3A_835 : vector<16xf32>
        %get3A_837 = arith.index_cast %add3A_824 : i32 to index
        %get3A_838 = arith.constant 32 : index
        %get3A_839 = tpu.vector_load %arg10[%get3A_837, %get3A_838] {strides = array<i32>} : memref<128x128xf32, #tpu.memory_space<vmem>>, vector<1x16xf32>,
        %get3A_840 = vector.shape_cast %get3A_839 : vector<1x16xf32> to vector<16xf32>
        %mul3A_841 = arith.mulf %gather3A_820, %get3A_840 : vector<16xf32>
        %add3A_842 = arith.addf %add3A_786, %mul3A_841 : vector<16xf32>
        %get3A_843 = arith.index_cast %add3A_824 : i32 to index
        %get3A_844 = arith.constant 48 : index
        %get3A_845 = tpu.vector_load %arg10[%get3A_843, %get3A_844] {strides = array<i32>} : memref<128x128xf32, #tpu.memory_space<vmem>>, vector<1x16xf32>,
        %get3A_846 = vector.shape_cast %get3A_845 : vector<1x16xf32> to vector<16xf32>
        %mul3A_847 = arith.mulf %gather3A_820, %get3A_846 : vector<16xf32>
        %add3A_848 = arith.addf %add3A_792, %mul3A_847 : vector<16xf32>
        %get3A_849 = arith.index_cast %add3A_824 : i32 to index
        %get3A_850 = arith.constant 64 : index
        %get3A_851 = tpu.vector_load %arg10[%get3A_849, %get3A_850] {strides = array<i32>} : memref<128x128xf32, #tpu.memory_space<vmem>>, vector<1x16xf32>,
        %get3A_852 = vector.shape_cast %get3A_851 : vector<1x16xf32> to vector<16xf32>
        %mul3A_853 = arith.mulf %gather3A_820, %get3A_852 : vector<16xf32>
        %add3A_854 = arith.addf %add3A_798, %mul3A_853 : vector<16xf32>
        %get3A_855 = arith.index_cast %add3A_824 : i32 to index
        %get3A_856 = arith.constant 80 : index
        %get3A_857 = tpu.vector_load %arg10[%get3A_855, %get3A_856] {strides = array<i32>} : memref<128x128xf32, #tpu.memory_space<vmem>>, vector<1x16xf32>,
        %get3A_858 = vector.shape_cast %get3A_857 : vector<1x16xf32> to vector<16xf32>
        %mul3A_859 = arith.mulf %gather3A_820, %get3A_858 : vector<16xf32>
        %add3A_860 = arith.addf %add3A_804, %mul3A_859 : vector<16xf32>
        %get3A_861 = arith.index_cast %add3A_824 : i32 to index
        %get3A_862 = arith.constant 96 : index
        %get3A_863 = tpu.vector_load %arg10[%get3A_861, %get3A_862] {strides = array<i32>} : memref<128x128xf32, #tpu.memory_space<vmem>>, vector<1x16xf32>,
        %get3A_864 = vector.shape_cast %get3A_863 : vector<1x16xf32> to vector<16xf32>
        %mul3A_865 = arith.mulf %gather3A_820, %get3A_864 : vector<16xf32>
        %add3A_866 = arith.addf %add3A_810, %mul3A_865 : vector<16xf32>
        %get3A_867 = arith.index_cast %add3A_824 : i32 to index
        %get3A_868 = arith.constant 112 : index
        %get3A_869 = tpu.vector_load %arg10[%get3A_867, %get3A_868] {strides = array<i32>} : memref<128x128xf32, #tpu.memory_space<vmem>>, vector<1x16xf32>,
        %get3A_870 = vector.shape_cast %get3A_869 : vector<1x16xf32> to vector<16xf32>
        %mul3A_871 = arith.mulf %gather3A_820, %get3A_870 : vector<16xf32>
        %add3A_872 = arith.addf %add3A_816, %mul3A_871 : vector<16xf32>
        %broadcast_in_dim3A_873 = arith.constant 11 : i32
        %broadcast_in_dim3A_874 = vector.broadcast %broadcast_in_dim3A_873 : i32 to vector<16x1xi32>
        %gather3A_875 = vector.shape_cast %broadcast_in_dim3A_874 : vector<16x1xi32> to vector<16xi32>
        %gather3A_876 = tpu.dynamic_gather %get3A_257[%gather3A_875] in [0] : vector<16xf32>, vector<16xi32> -> vector<16xf32>
        %mul3A_877 = arith.constant 16 : i32
        %mul3A_878 = arith.muli %scan3A_243, %mul3A_877 : i32
        %add3A_879 = arith.constant 11 : i32
        %add3A_880 = arith.addi %mul3A_878, %add3A_879 : i32
        %get3A_881 = arith.index_cast %add3A_880 : i32 to index
        %get3A_882 = arith.constant 0 : index
        %get3A_883 = tpu.vector_load %arg10[%get3A_881, %get3A_882] {strides = array<i32>} : memref<128x128xf32, #tpu.memory_space<vmem>>, vector<1x16xf32>,
        %get3A_884 = vector.shape_cast %get3A_883 : vector<1x16xf32> to vector<16xf32>
        %mul3A_885 = arith.mulf %gather3A_876, %get3A_884 : vector<16xf32>
        %add3A_886 = arith.addf %add3A_830, %mul3A_885 : vector<16xf32>
        %get3A_887 = arith.index_cast %add3A_880 : i32 to index
        %get3A_888 = arith.constant 16 : index
        %get3A_889 = tpu.vector_load %arg10[%get3A_887, %get3A_888] {strides = array<i32>} : memref<128x128xf32, #tpu.memory_space<vmem>>, vector<1x16xf32>,
        %get3A_890 = vector.shape_cast %get3A_889 : vector<1x16xf32> to vector<16xf32>
        %mul3A_891 = arith.mulf %gather3A_876, %get3A_890 : vector<16xf32>
        %add3A_892 = arith.addf %add3A_836, %mul3A_891 : vector<16xf32>
        %get3A_893 = arith.index_cast %add3A_880 : i32 to index
        %get3A_894 = arith.constant 32 : index
        %get3A_895 = tpu.vector_load %arg10[%get3A_893, %get3A_894] {strides = array<i32>} : memref<128x128xf32, #tpu.memory_space<vmem>>, vector<1x16xf32>,
        %get3A_896 = vector.shape_cast %get3A_895 : vector<1x16xf32> to vector<16xf32>
        %mul3A_897 = arith.mulf %gather3A_876, %get3A_896 : vector<16xf32>
        %add3A_898 = arith.addf %add3A_842, %mul3A_897 : vector<16xf32>
        %get3A_899 = arith.index_cast %add3A_880 : i32 to index
        %get3A_900 = arith.constant 48 : index
        %get3A_901 = tpu.vector_load %arg10[%get3A_899, %get3A_900] {strides = array<i32>} : memref<128x128xf32, #tpu.memory_space<vmem>>, vector<1x16xf32>,
        %get3A_902 = vector.shape_cast %get3A_901 : vector<1x16xf32> to vector<16xf32>
        %mul3A_903 = arith.mulf %gather3A_876, %get3A_902 : vector<16xf32>
        %add3A_904 = arith.addf %add3A_848, %mul3A_903 : vector<16xf32>
        %get3A_905 = arith.index_cast %add3A_880 : i32 to index
        %get3A_906 = arith.constant 64 : index
        %get3A_907 = tpu.vector_load %arg10[%get3A_905, %get3A_906] {strides = array<i32>} : memref<128x128xf32, #tpu.memory_space<vmem>>, vector<1x16xf32>,
        %get3A_908 = vector.shape_cast %get3A_907 : vector<1x16xf32> to vector<16xf32>
        %mul3A_909 = arith.mulf %gather3A_876, %get3A_908 : vector<16xf32>
        %add3A_910 = arith.addf %add3A_854, %mul3A_909 : vector<16xf32>
        %get3A_911 = arith.index_cast %add3A_880 : i32 to index
        %get3A_912 = arith.constant 80 : index
        %get3A_913 = tpu.vector_load %arg10[%get3A_911, %get3A_912] {strides = array<i32>} : memref<128x128xf32, #tpu.memory_space<vmem>>, vector<1x16xf32>,
        %get3A_914 = vector.shape_cast %get3A_913 : vector<1x16xf32> to vector<16xf32>
        %mul3A_915 = arith.mulf %gather3A_876, %get3A_914 : vector<16xf32>
        %add3A_916 = arith.addf %add3A_860, %mul3A_915 : vector<16xf32>
        %get3A_917 = arith.index_cast %add3A_880 : i32 to index
        %get3A_918 = arith.constant 96 : index
        %get3A_919 = tpu.vector_load %arg10[%get3A_917, %get3A_918] {strides = array<i32>} : memref<128x128xf32, #tpu.memory_space<vmem>>, vector<1x16xf32>,
        %get3A_920 = vector.shape_cast %get3A_919 : vector<1x16xf32> to vector<16xf32>
        %mul3A_921 = arith.mulf %gather3A_876, %get3A_920 : vector<16xf32>
        %add3A_922 = arith.addf %add3A_866, %mul3A_921 : vector<16xf32>
        %get3A_923 = arith.index_cast %add3A_880 : i32 to index
        %get3A_924 = arith.constant 112 : index
        %get3A_925 = tpu.vector_load %arg10[%get3A_923, %get3A_924] {strides = array<i32>} : memref<128x128xf32, #tpu.memory_space<vmem>>, vector<1x16xf32>,
        %get3A_926 = vector.shape_cast %get3A_925 : vector<1x16xf32> to vector<16xf32>
        %mul3A_927 = arith.mulf %gather3A_876, %get3A_926 : vector<16xf32>
        %add3A_928 = arith.addf %add3A_872, %mul3A_927 : vector<16xf32>
        %broadcast_in_dim3A_929 = arith.constant 12 : i32
        %broadcast_in_dim3A_930 = vector.broadcast %broadcast_in_dim3A_929 : i32 to vector<16x1xi32>
        %gather3A_931 = vector.shape_cast %broadcast_in_dim3A_930 : vector<16x1xi32> to vector<16xi32>
        %gather3A_932 = tpu.dynamic_gather %get3A_257[%gather3A_931] in [0] : vector<16xf32>, vector<16xi32> -> vector<16xf32>
        %mul3A_933 = arith.constant 16 : i32
        %mul3A_934 = arith.muli %scan3A_243, %mul3A_933 : i32
        %add3A_935 = arith.constant 12 : i32
        %add3A_936 = arith.addi %mul3A_934, %add3A_935 : i32
        %get3A_937 = arith.index_cast %add3A_936 : i32 to index
        %get3A_938 = arith.constant 0 : index
        %get3A_939 = tpu.vector_load %arg10[%get3A_937, %get3A_938] {strides = array<i32>} : memref<128x128xf32, #tpu.memory_space<vmem>>, vector<1x16xf32>,
        %get3A_940 = vector.shape_cast %get3A_939 : vector<1x16xf32> to vector<16xf32>
        %mul3A_941 = arith.mulf %gather3A_932, %get3A_940 : vector<16xf32>
        %add3A_942 = arith.addf %add3A_886, %mul3A_941 : vector<16xf32>
        %get3A_943 = arith.index_cast %add3A_936 : i32 to index
        %get3A_944 = arith.constant 16 : index
        %get3A_945 = tpu.vector_load %arg10[%get3A_943, %get3A_944] {strides = array<i32>} : memref<128x128xf32, #tpu.memory_space<vmem>>, vector<1x16xf32>,
        %get3A_946 = vector.shape_cast %get3A_945 : vector<1x16xf32> to vector<16xf32>
        %mul3A_947 = arith.mulf %gather3A_932, %get3A_946 : vector<16xf32>
        %add3A_948 = arith.addf %add3A_892, %mul3A_947 : vector<16xf32>
        %get3A_949 = arith.index_cast %add3A_936 : i32 to index
        %get3A_950 = arith.constant 32 : index
        %get3A_951 = tpu.vector_load %arg10[%get3A_949, %get3A_950] {strides = array<i32>} : memref<128x128xf32, #tpu.memory_space<vmem>>, vector<1x16xf32>,
        %get3A_952 = vector.shape_cast %get3A_951 : vector<1x16xf32> to vector<16xf32>
        %mul3A_953 = arith.mulf %gather3A_932, %get3A_952 : vector<16xf32>
        %add3A_954 = arith.addf %add3A_898, %mul3A_953 : vector<16xf32>
        %get3A_955 = arith.index_cast %add3A_936 : i32 to index
        %get3A_956 = arith.constant 48 : index
        %get3A_957 = tpu.vector_load %arg10[%get3A_955, %get3A_956] {strides = array<i32>} : memref<128x128xf32, #tpu.memory_space<vmem>>, vector<1x16xf32>,
        %get3A_958 = vector.shape_cast %get3A_957 : vector<1x16xf32> to vector<16xf32>
        %mul3A_959 = arith.mulf %gather3A_932, %get3A_958 : vector<16xf32>
        %add3A_960 = arith.addf %add3A_904, %mul3A_959 : vector<16xf32>
        %get3A_961 = arith.index_cast %add3A_936 : i32 to index
        %get3A_962 = arith.constant 64 : index
        %get3A_963 = tpu.vector_load %arg10[%get3A_961, %get3A_962] {strides = array<i32>} : memref<128x128xf32, #tpu.memory_space<vmem>>, vector<1x16xf32>,
        %get3A_964 = vector.shape_cast %get3A_963 : vector<1x16xf32> to vector<16xf32>
        %mul3A_965 = arith.mulf %gather3A_932, %get3A_964 : vector<16xf32>
        %add3A_966 = arith.addf %add3A_910, %mul3A_965 : vector<16xf32>
        %get3A_967 = arith.index_cast %add3A_936 : i32 to index
        %get3A_968 = arith.constant 80 : index
        %get3A_969 = tpu.vector_load %arg10[%get3A_967, %get3A_968] {strides = array<i32>} : memref<128x128xf32, #tpu.memory_space<vmem>>, vector<1x16xf32>,
        %get3A_970 = vector.shape_cast %get3A_969 : vector<1x16xf32> to vector<16xf32>
        %mul3A_971 = arith.mulf %gather3A_932, %get3A_970 : vector<16xf32>
        %add3A_972 = arith.addf %add3A_916, %mul3A_971 : vector<16xf32>
        %get3A_973 = arith.index_cast %add3A_936 : i32 to index
        %get3A_974 = arith.constant 96 : index
        %get3A_975 = tpu.vector_load %arg10[%get3A_973, %get3A_974] {strides = array<i32>} : memref<128x128xf32, #tpu.memory_space<vmem>>, vector<1x16xf32>,
        %get3A_976 = vector.shape_cast %get3A_975 : vector<1x16xf32> to vector<16xf32>
        %mul3A_977 = arith.mulf %gather3A_932, %get3A_976 : vector<16xf32>
        %add3A_978 = arith.addf %add3A_922, %mul3A_977 : vector<16xf32>
        %get3A_979 = arith.index_cast %add3A_936 : i32 to index
        %get3A_980 = arith.constant 112 : index
        %get3A_981 = tpu.vector_load %arg10[%get3A_979, %get3A_980] {strides = array<i32>} : memref<128x128xf32, #tpu.memory_space<vmem>>, vector<1x16xf32>,
        %get3A_982 = vector.shape_cast %get3A_981 : vector<1x16xf32> to vector<16xf32>
        %mul3A_983 = arith.mulf %gather3A_932, %get3A_982 : vector<16xf32>
        %add3A_984 = arith.addf %add3A_928, %mul3A_983 : vector<16xf32>
        %broadcast_in_dim3A_985 = arith.constant 13 : i32
        %broadcast_in_dim3A_986 = vector.broadcast %broadcast_in_dim3A_985 : i32 to vector<16x1xi32>
        %gather3A_987 = vector.shape_cast %broadcast_in_dim3A_986 : vector<16x1xi32> to vector<16xi32>
        %gather3A_988 = tpu.dynamic_gather %get3A_257[%gather3A_987] in [0] : vector<16xf32>, vector<16xi32> -> vector<16xf32>
        %mul3A_989 = arith.constant 16 : i32
        %mul3A_990 = arith.muli %scan3A_243, %mul3A_989 : i32
        %add3A_991 = arith.constant 13 : i32
        %add3A_992 = arith.addi %mul3A_990, %add3A_991 : i32
        %get3A_993 = arith.index_cast %add3A_992 : i32 to index
        %get3A_994 = arith.constant 0 : index
        %get3A_995 = tpu.vector_load %arg10[%get3A_993, %get3A_994] {strides = array<i32>} : memref<128x128xf32, #tpu.memory_space<vmem>>, vector<1x16xf32>,
        %get3A_996 = vector.shape_cast %get3A_995 : vector<1x16xf32> to vector<16xf32>
        %mul3A_997 = arith.mulf %gather3A_988, %get3A_996 : vector<16xf32>
        %add3A_998 = arith.addf %add3A_942, %mul3A_997 : vector<16xf32>
        %get3A_999 = arith.index_cast %add3A_992 : i32 to index
        %get3A_1000 = arith.constant 16 : index
        %get3A_1001 = tpu.vector_load %arg10[%get3A_999, %get3A_1000] {strides = array<i32>} : memref<128x128xf32, #tpu.memory_space<vmem>>, vector<1x16xf32>,
        %get3A_1002 = vector.shape_cast %get3A_1001 : vector<1x16xf32> to vector<16xf32>
        %mul3A_1003 = arith.mulf %gather3A_988, %get3A_1002 : vector<16xf32>
        %add3A_1004 = arith.addf %add3A_948, %mul3A_1003 : vector<16xf32>
        %get3A_1005 = arith.index_cast %add3A_992 : i32 to index
        %get3A_1006 = arith.constant 32 : index
        %get3A_1007 = tpu.vector_load %arg10[%get3A_1005, %get3A_1006] {strides = array<i32>} : memref<128x128xf32, #tpu.memory_space<vmem>>, vector<1x16xf32>,
        %get3A_1008 = vector.shape_cast %get3A_1007 : vector<1x16xf32> to vector<16xf32>
        %mul3A_1009 = arith.mulf %gather3A_988, %get3A_1008 : vector<16xf32>
        %add3A_1010 = arith.addf %add3A_954, %mul3A_1009 : vector<16xf32>
        %get3A_1011 = arith.index_cast %add3A_992 : i32 to index
        %get3A_1012 = arith.constant 48 : index
        %get3A_1013 = tpu.vector_load %arg10[%get3A_1011, %get3A_1012] {strides = array<i32>} : memref<128x128xf32, #tpu.memory_space<vmem>>, vector<1x16xf32>,
        %get3A_1014 = vector.shape_cast %get3A_1013 : vector<1x16xf32> to vector<16xf32>
        %mul3A_1015 = arith.mulf %gather3A_988, %get3A_1014 : vector<16xf32>
        %add3A_1016 = arith.addf %add3A_960, %mul3A_1015 : vector<16xf32>
        %get3A_1017 = arith.index_cast %add3A_992 : i32 to index
        %get3A_1018 = arith.constant 64 : index
        %get3A_1019 = tpu.vector_load %arg10[%get3A_1017, %get3A_1018] {strides = array<i32>} : memref<128x128xf32, #tpu.memory_space<vmem>>, vector<1x16xf32>,
        %get3A_1020 = vector.shape_cast %get3A_1019 : vector<1x16xf32> to vector<16xf32>
        %mul3A_1021 = arith.mulf %gather3A_988, %get3A_1020 : vector<16xf32>
        %add3A_1022 = arith.addf %add3A_966, %mul3A_1021 : vector<16xf32>
        %get3A_1023 = arith.index_cast %add3A_992 : i32 to index
        %get3A_1024 = arith.constant 80 : index
        %get3A_1025 = tpu.vector_load %arg10[%get3A_1023, %get3A_1024] {strides = array<i32>} : memref<128x128xf32, #tpu.memory_space<vmem>>, vector<1x16xf32>,
        %get3A_1026 = vector.shape_cast %get3A_1025 : vector<1x16xf32> to vector<16xf32>
        %mul3A_1027 = arith.mulf %gather3A_988, %get3A_1026 : vector<16xf32>
        %add3A_1028 = arith.addf %add3A_972, %mul3A_1027 : vector<16xf32>
        %get3A_1029 = arith.index_cast %add3A_992 : i32 to index
        %get3A_1030 = arith.constant 96 : index
        %get3A_1031 = tpu.vector_load %arg10[%get3A_1029, %get3A_1030] {strides = array<i32>} : memref<128x128xf32, #tpu.memory_space<vmem>>, vector<1x16xf32>,
        %get3A_1032 = vector.shape_cast %get3A_1031 : vector<1x16xf32> to vector<16xf32>
        %mul3A_1033 = arith.mulf %gather3A_988, %get3A_1032 : vector<16xf32>
        %add3A_1034 = arith.addf %add3A_978, %mul3A_1033 : vector<16xf32>
        %get3A_1035 = arith.index_cast %add3A_992 : i32 to index
        %get3A_1036 = arith.constant 112 : index
        %get3A_1037 = tpu.vector_load %arg10[%get3A_1035, %get3A_1036] {strides = array<i32>} : memref<128x128xf32, #tpu.memory_space<vmem>>, vector<1x16xf32>,
        %get3A_1038 = vector.shape_cast %get3A_1037 : vector<1x16xf32> to vector<16xf32>
        %mul3A_1039 = arith.mulf %gather3A_988, %get3A_1038 : vector<16xf32>
        %add3A_1040 = arith.addf %add3A_984, %mul3A_1039 : vector<16xf32>
        %broadcast_in_dim3A_1041 = arith.constant 14 : i32
        %broadcast_in_dim3A_1042 = vector.broadcast %broadcast_in_dim3A_1041 : i32 to vector<16x1xi32>
        %gather3A_1043 = vector.shape_cast %broadcast_in_dim3A_1042 : vector<16x1xi32> to vector<16xi32>
        %gather3A_1044 = tpu.dynamic_gather %get3A_257[%gather3A_1043] in [0] : vector<16xf32>, vector<16xi32> -> vector<16xf32>
        %mul3A_1045 = arith.constant 16 : i32
        %mul3A_1046 = arith.muli %scan3A_243, %mul3A_1045 : i32
        %add3A_1047 = arith.constant 14 : i32
        %add3A_1048 = arith.addi %mul3A_1046, %add3A_1047 : i32
        %get3A_1049 = arith.index_cast %add3A_1048 : i32 to index
        %get3A_1050 = arith.constant 0 : index
        %get3A_1051 = tpu.vector_load %arg10[%get3A_1049, %get3A_1050] {strides = array<i32>} : memref<128x128xf32, #tpu.memory_space<vmem>>, vector<1x16xf32>,
        %get3A_1052 = vector.shape_cast %get3A_1051 : vector<1x16xf32> to vector<16xf32>
        %mul3A_1053 = arith.mulf %gather3A_1044, %get3A_1052 : vector<16xf32>
        %add3A_1054 = arith.addf %add3A_998, %mul3A_1053 : vector<16xf32>
        %get3A_1055 = arith.index_cast %add3A_1048 : i32 to index
        %get3A_1056 = arith.constant 16 : index
        %get3A_1057 = tpu.vector_load %arg10[%get3A_1055, %get3A_1056] {strides = array<i32>} : memref<128x128xf32, #tpu.memory_space<vmem>>, vector<1x16xf32>,
        %get3A_1058 = vector.shape_cast %get3A_1057 : vector<1x16xf32> to vector<16xf32>
        %mul3A_1059 = arith.mulf %gather3A_1044, %get3A_1058 : vector<16xf32>
        %add3A_1060 = arith.addf %add3A_1004, %mul3A_1059 : vector<16xf32>
        %get3A_1061 = arith.index_cast %add3A_1048 : i32 to index
        %get3A_1062 = arith.constant 32 : index
        %get3A_1063 = tpu.vector_load %arg10[%get3A_1061, %get3A_1062] {strides = array<i32>} : memref<128x128xf32, #tpu.memory_space<vmem>>, vector<1x16xf32>,
        %get3A_1064 = vector.shape_cast %get3A_1063 : vector<1x16xf32> to vector<16xf32>
        %mul3A_1065 = arith.mulf %gather3A_1044, %get3A_1064 : vector<16xf32>
        %add3A_1066 = arith.addf %add3A_1010, %mul3A_1065 : vector<16xf32>
        %get3A_1067 = arith.index_cast %add3A_1048 : i32 to index
        %get3A_1068 = arith.constant 48 : index
        %get3A_1069 = tpu.vector_load %arg10[%get3A_1067, %get3A_1068] {strides = array<i32>} : memref<128x128xf32, #tpu.memory_space<vmem>>, vector<1x16xf32>,
        %get3A_1070 = vector.shape_cast %get3A_1069 : vector<1x16xf32> to vector<16xf32>
        %mul3A_1071 = arith.mulf %gather3A_1044, %get3A_1070 : vector<16xf32>
        %add3A_1072 = arith.addf %add3A_1016, %mul3A_1071 : vector<16xf32>
        %get3A_1073 = arith.index_cast %add3A_1048 : i32 to index
        %get3A_1074 = arith.constant 64 : index
        %get3A_1075 = tpu.vector_load %arg10[%get3A_1073, %get3A_1074] {strides = array<i32>} : memref<128x128xf32, #tpu.memory_space<vmem>>, vector<1x16xf32>,
        %get3A_1076 = vector.shape_cast %get3A_1075 : vector<1x16xf32> to vector<16xf32>
        %mul3A_1077 = arith.mulf %gather3A_1044, %get3A_1076 : vector<16xf32>
        %add3A_1078 = arith.addf %add3A_1022, %mul3A_1077 : vector<16xf32>
        %get3A_1079 = arith.index_cast %add3A_1048 : i32 to index
        %get3A_1080 = arith.constant 80 : index
        %get3A_1081 = tpu.vector_load %arg10[%get3A_1079, %get3A_1080] {strides = array<i32>} : memref<128x128xf32, #tpu.memory_space<vmem>>, vector<1x16xf32>,
        %get3A_1082 = vector.shape_cast %get3A_1081 : vector<1x16xf32> to vector<16xf32>
        %mul3A_1083 = arith.mulf %gather3A_1044, %get3A_1082 : vector<16xf32>
        %add3A_1084 = arith.addf %add3A_1028, %mul3A_1083 : vector<16xf32>
        %get3A_1085 = arith.index_cast %add3A_1048 : i32 to index
        %get3A_1086 = arith.constant 96 : index
        %get3A_1087 = tpu.vector_load %arg10[%get3A_1085, %get3A_1086] {strides = array<i32>} : memref<128x128xf32, #tpu.memory_space<vmem>>, vector<1x16xf32>,
        %get3A_1088 = vector.shape_cast %get3A_1087 : vector<1x16xf32> to vector<16xf32>
        %mul3A_1089 = arith.mulf %gather3A_1044, %get3A_1088 : vector<16xf32>
        %add3A_1090 = arith.addf %add3A_1034, %mul3A_1089 : vector<16xf32>
        %get3A_1091 = arith.index_cast %add3A_1048 : i32 to index
        %get3A_1092 = arith.constant 112 : index
        %get3A_1093 = tpu.vector_load %arg10[%get3A_1091, %get3A_1092] {strides = array<i32>} : memref<128x128xf32, #tpu.memory_space<vmem>>, vector<1x16xf32>,
        %get3A_1094 = vector.shape_cast %get3A_1093 : vector<1x16xf32> to vector<16xf32>
        %mul3A_1095 = arith.mulf %gather3A_1044, %get3A_1094 : vector<16xf32>
        %add3A_1096 = arith.addf %add3A_1040, %mul3A_1095 : vector<16xf32>
        %broadcast_in_dim3A_1097 = arith.constant 15 : i32
        %broadcast_in_dim3A_1098 = vector.broadcast %broadcast_in_dim3A_1097 : i32 to vector<16x1xi32>
        %gather3A_1099 = vector.shape_cast %broadcast_in_dim3A_1098 : vector<16x1xi32> to vector<16xi32>
        %gather3A_1100 = tpu.dynamic_gather %get3A_257[%gather3A_1099] in [0] : vector<16xf32>, vector<16xi32> -> vector<16xf32>
        %mul3A_1101 = arith.constant 16 : i32
        %mul3A_1102 = arith.muli %scan3A_243, %mul3A_1101 : i32
        %add3A_1103 = arith.constant 15 : i32
        %add3A_1104 = arith.addi %mul3A_1102, %add3A_1103 : i32
        %get3A_1105 = arith.index_cast %add3A_1104 : i32 to index
        %get3A_1106 = arith.constant 0 : index
        %get3A_1107 = tpu.vector_load %arg10[%get3A_1105, %get3A_1106] {strides = array<i32>} : memref<128x128xf32, #tpu.memory_space<vmem>>, vector<1x16xf32>,
        %get3A_1108 = vector.shape_cast %get3A_1107 : vector<1x16xf32> to vector<16xf32>
        %mul3A_1109 = arith.mulf %gather3A_1100, %get3A_1108 : vector<16xf32>
        %add3A_1110 = arith.addf %add3A_1054, %mul3A_1109 : vector<16xf32>
        %get3A_1111 = arith.index_cast %add3A_1104 : i32 to index
        %get3A_1112 = arith.constant 16 : index
        %get3A_1113 = tpu.vector_load %arg10[%get3A_1111, %get3A_1112] {strides = array<i32>} : memref<128x128xf32, #tpu.memory_space<vmem>>, vector<1x16xf32>,
        %get3A_1114 = vector.shape_cast %get3A_1113 : vector<1x16xf32> to vector<16xf32>
        %mul3A_1115 = arith.mulf %gather3A_1100, %get3A_1114 : vector<16xf32>
        %add3A_1116 = arith.addf %add3A_1060, %mul3A_1115 : vector<16xf32>
        %get3A_1117 = arith.index_cast %add3A_1104 : i32 to index
        %get3A_1118 = arith.constant 32 : index
        %get3A_1119 = tpu.vector_load %arg10[%get3A_1117, %get3A_1118] {strides = array<i32>} : memref<128x128xf32, #tpu.memory_space<vmem>>, vector<1x16xf32>,
        %get3A_1120 = vector.shape_cast %get3A_1119 : vector<1x16xf32> to vector<16xf32>
        %mul3A_1121 = arith.mulf %gather3A_1100, %get3A_1120 : vector<16xf32>
        %add3A_1122 = arith.addf %add3A_1066, %mul3A_1121 : vector<16xf32>
        %get3A_1123 = arith.index_cast %add3A_1104 : i32 to index
        %get3A_1124 = arith.constant 48 : index
        %get3A_1125 = tpu.vector_load %arg10[%get3A_1123, %get3A_1124] {strides = array<i32>} : memref<128x128xf32, #tpu.memory_space<vmem>>, vector<1x16xf32>,
        %get3A_1126 = vector.shape_cast %get3A_1125 : vector<1x16xf32> to vector<16xf32>
        %mul3A_1127 = arith.mulf %gather3A_1100, %get3A_1126 : vector<16xf32>
        %add3A_1128 = arith.addf %add3A_1072, %mul3A_1127 : vector<16xf32>
        %get3A_1129 = arith.index_cast %add3A_1104 : i32 to index
        %get3A_1130 = arith.constant 64 : index
        %get3A_1131 = tpu.vector_load %arg10[%get3A_1129, %get3A_1130] {strides = array<i32>} : memref<128x128xf32, #tpu.memory_space<vmem>>, vector<1x16xf32>,
        %get3A_1132 = vector.shape_cast %get3A_1131 : vector<1x16xf32> to vector<16xf32>
        %mul3A_1133 = arith.mulf %gather3A_1100, %get3A_1132 : vector<16xf32>
        %add3A_1134 = arith.addf %add3A_1078, %mul3A_1133 : vector<16xf32>
        %get3A_1135 = arith.index_cast %add3A_1104 : i32 to index
        %get3A_1136 = arith.constant 80 : index
        %get3A_1137 = tpu.vector_load %arg10[%get3A_1135, %get3A_1136] {strides = array<i32>} : memref<128x128xf32, #tpu.memory_space<vmem>>, vector<1x16xf32>,
        %get3A_1138 = vector.shape_cast %get3A_1137 : vector<1x16xf32> to vector<16xf32>
        %mul3A_1139 = arith.mulf %gather3A_1100, %get3A_1138 : vector<16xf32>
        %add3A_1140 = arith.addf %add3A_1084, %mul3A_1139 : vector<16xf32>
        %get3A_1141 = arith.index_cast %add3A_1104 : i32 to index
        %get3A_1142 = arith.constant 96 : index
        %get3A_1143 = tpu.vector_load %arg10[%get3A_1141, %get3A_1142] {strides = array<i32>} : memref<128x128xf32, #tpu.memory_space<vmem>>, vector<1x16xf32>,
        %get3A_1144 = vector.shape_cast %get3A_1143 : vector<1x16xf32> to vector<16xf32>
        %mul3A_1145 = arith.mulf %gather3A_1100, %get3A_1144 : vector<16xf32>
        %add3A_1146 = arith.addf %add3A_1090, %mul3A_1145 : vector<16xf32>
        %get3A_1147 = arith.index_cast %add3A_1104 : i32 to index
        %get3A_1148 = arith.constant 112 : index
        %get3A_1149 = tpu.vector_load %arg10[%get3A_1147, %get3A_1148] {strides = array<i32>} : memref<128x128xf32, #tpu.memory_space<vmem>>, vector<1x16xf32>,
        %get3A_1150 = vector.shape_cast %get3A_1149 : vector<1x16xf32> to vector<16xf32>
        %mul3A_1151 = arith.mulf %gather3A_1100, %get3A_1150 : vector<16xf32>
        %add3A_1152 = arith.addf %add3A_1096, %mul3A_1151 : vector<16xf32>
        scf.yield %add3A_1110, %add3A_1116, %add3A_1122, %add3A_1128, %add3A_1134, %add3A_1140, %add3A_1146, %add3A_1152 : vector<16xf32>, vector<16xf32>, vector<16xf32>, vector<16xf32>, vector<16xf32>, vector<16xf32>, vector<16xf32>, vector<16xf32>
      }
      %scan3A_84 = arith.constant 8 : i32
      %swap3A = arith.index_cast %select_n3A : i32 to index
      %swap3A_85 = arith.constant 0 : index
      %swap3A_86 = tpu.vector_load %arg9[%swap3A, %swap3A_85] {strides = array<i32>} : memref<32x128xf32, #tpu.memory_space<vmem>>, vector<1x16xf32>,
      %swap3A_87 = vector.shape_cast %swap3A_86 : vector<1x16xf32> to vector<16xf32>
      %swap3A_88 = vector.shape_cast %scan3A_83#0 : vector<16xf32> to vector<1x16xf32>
      tpu.vector_store %arg9[%swap3A, %swap3A_85], %swap3A_88 {add = true, strides = array<i32>} : memref<32x128xf32, #tpu.memory_space<vmem>>, vector<1x16xf32>,
      %swap3A_89 = arith.index_cast %select_n3A : i32 to index
      %swap3A_90 = arith.constant 16 : index
      %swap3A_91 = tpu.vector_load %arg9[%swap3A_89, %swap3A_90] {strides = array<i32>} : memref<32x128xf32, #tpu.memory_space<vmem>>, vector<1x16xf32>,
      %swap3A_92 = vector.shape_cast %swap3A_91 : vector<1x16xf32> to vector<16xf32>
      %swap3A_93 = vector.shape_cast %scan3A_83#1 : vector<16xf32> to vector<1x16xf32>
      tpu.vector_store %arg9[%swap3A_89, %swap3A_90], %swap3A_93 {add = true, strides = array<i32>} : memref<32x128xf32, #tpu.memory_space<vmem>>, vector<1x16xf32>,
      %swap3A_94 = arith.index_cast %select_n3A : i32 to index
      %swap3A_95 = arith.constant 32 : index
      %swap3A_96 = tpu.vector_load %arg9[%swap3A_94, %swap3A_95] {strides = array<i32>} : memref<32x128xf32, #tpu.memory_space<vmem>>, vector<1x16xf32>,
      %swap3A_97 = vector.shape_cast %swap3A_96 : vector<1x16xf32> to vector<16xf32>
      %swap3A_98 = vector.shape_cast %scan3A_83#2 : vector<16xf32> to vector<1x16xf32>
      tpu.vector_store %arg9[%swap3A_94, %swap3A_95], %swap3A_98 {add = true, strides = array<i32>} : memref<32x128xf32, #tpu.memory_space<vmem>>, vector<1x16xf32>,
      %swap3A_99 = arith.index_cast %select_n3A : i32 to index
      %swap3A_100 = arith.constant 48 : index
      %swap3A_101 = tpu.vector_load %arg9[%swap3A_99, %swap3A_100] {strides = array<i32>} : memref<32x128xf32, #tpu.memory_space<vmem>>, vector<1x16xf32>,
      %swap3A_102 = vector.shape_cast %swap3A_101 : vector<1x16xf32> to vector<16xf32>
      %swap3A_103 = vector.shape_cast %scan3A_83#3 : vector<16xf32> to vector<1x16xf32>
      tpu.vector_store %arg9[%swap3A_99, %swap3A_100], %swap3A_103 {add = true, strides = array<i32>} : memref<32x128xf32, #tpu.memory_space<vmem>>, vector<1x16xf32>,
      %swap3A_104 = arith.index_cast %select_n3A : i32 to index
      %swap3A_105 = arith.constant 64 : index
      %swap3A_106 = tpu.vector_load %arg9[%swap3A_104, %swap3A_105] {strides = array<i32>} : memref<32x128xf32, #tpu.memory_space<vmem>>, vector<1x16xf32>,
      %swap3A_107 = vector.shape_cast %swap3A_106 : vector<1x16xf32> to vector<16xf32>
      %swap3A_108 = vector.shape_cast %scan3A_83#4 : vector<16xf32> to vector<1x16xf32>
      tpu.vector_store %arg9[%swap3A_104, %swap3A_105], %swap3A_108 {add = true, strides = array<i32>} : memref<32x128xf32, #tpu.memory_space<vmem>>, vector<1x16xf32>,
      %swap3A_109 = arith.index_cast %select_n3A : i32 to index
      %swap3A_110 = arith.constant 80 : index
      %swap3A_111 = tpu.vector_load %arg9[%swap3A_109, %swap3A_110] {strides = array<i32>} : memref<32x128xf32, #tpu.memory_space<vmem>>, vector<1x16xf32>,
      %swap3A_112 = vector.shape_cast %swap3A_111 : vector<1x16xf32> to vector<16xf32>
      %swap3A_113 = vector.shape_cast %scan3A_83#5 : vector<16xf32> to vector<1x16xf32>
      tpu.vector_store %arg9[%swap3A_109, %swap3A_110], %swap3A_113 {add = true, strides = array<i32>} : memref<32x128xf32, #tpu.memory_space<vmem>>, vector<1x16xf32>,
      %swap3A_114 = arith.index_cast %select_n3A : i32 to index
      %swap3A_115 = arith.constant 96 : index
      %swap3A_116 = tpu.vector_load %arg9[%swap3A_114, %swap3A_115] {strides = array<i32>} : memref<32x128xf32, #tpu.memory_space<vmem>>, vector<1x16xf32>,
      %swap3A_117 = vector.shape_cast %swap3A_116 : vector<1x16xf32> to vector<16xf32>
      %swap3A_118 = vector.shape_cast %scan3A_83#6 : vector<16xf32> to vector<1x16xf32>
      tpu.vector_store %arg9[%swap3A_114, %swap3A_115], %swap3A_118 {add = true, strides = array<i32>} : memref<32x128xf32, #tpu.memory_space<vmem>>, vector<1x16xf32>,
      %swap3A_119 = arith.index_cast %select_n3A : i32 to index
      %swap3A_120 = arith.constant 112 : index
      %swap3A_121 = tpu.vector_load %arg9[%swap3A_119, %swap3A_120] {strides = array<i32>} : memref<32x128xf32, #tpu.memory_space<vmem>>, vector<1x16xf32>,
      %swap3A_122 = vector.shape_cast %swap3A_121 : vector<1x16xf32> to vector<16xf32>
      %swap3A_123 = vector.shape_cast %scan3A_83#7 : vector<16xf32> to vector<1x16xf32>
      tpu.vector_store %arg9[%swap3A_119, %swap3A_120], %swap3A_123 {add = true, strides = array<i32>} : memref<32x128xf32, #tpu.memory_space<vmem>>, vector<1x16xf32>,
      %add3A_124 = arith.constant 2 : i32
      %add3A_125 = arith.addi %mul3A_18, %add3A_124 : i32
      %lt3A_126 = arith.constant 128 : i32
      %lt3A_127 = arith.cmpi slt, %add3A_125, %lt3A_126 : i32
      %convert_element_type3A = arith.extui %lt3A_127 : i1 to i32
      %cond3A = arith.constant 0 : i32
      %cond3A_128 = arith.cmpi ne, %convert_element_type3A, %cond3A : i32
      scf.if %cond3A_128 {
        %add3A_243 = arith.constant 2 : i32
        %add3A_244 = arith.addi %mul3A_18, %add3A_243 : i32
        %dma_start3A_245 = arith.constant 0 : i32
        %dma_start3A_246 = tpu.memref_slice %arg7[%add3A_244, %dma_start3A_245] : memref<128x128xi32, #tpu.memory_space<vmem>> -> memref<1x128xi32, #tpu.memory_space<vmem>>
        %dma_start3A_247 = tpu.memref_squeeze %dma_start3A_246 : memref<1x128xi32, #tpu.memory_space<vmem>> -> memref<128xi32, #tpu.memory_space<vmem>>
        %dma_start3A_248 = arith.constant 0 : i32
        %dma_start3A_249 = arith.constant 0 : i32
        %dma_start3A_250 = tpu.memref_slice %arg2[%dma_start3A_248, %dma_start3A_249] : memref<66048x128xf32, #tpu.memory_space<hbm>> -> memref<66048x128xf32, #tpu.memory_space<hbm>>
        tpu.enqueue_indirect_dma source(%dma_start3A_250 : memref<66048x128xf32, #tpu.memory_space<hbm>>) target(%arg10 : memref<128x128xf32, #tpu.memory_space<vmem>>) offsets(%dma_start3A_247 : memref<128xi32, #tpu.memory_space<vmem>>) semaphore(%arg12 : memref<!tpu.dma_semaphore, #tpu.memory_space<semaphore_mem>>)
      } else {
      }
      %add3A_129 = arith.constant 1 : i32
      %add3A_130 = arith.addi %mul3A_18, %add3A_129 : i32
      %dma_wait3A_131 = arith.constant 0 : i32
      %dma_wait3A_132 = tpu.memref_slice %arg7[%add3A_130, %dma_wait3A_131] : memref<128x128xi32, #tpu.memory_space<vmem>> -> memref<1x128xi32, #tpu.memory_space<vmem>>
      %dma_wait3A_133 = tpu.memref_squeeze %dma_wait3A_132 : memref<1x128xi32, #tpu.memory_space<vmem>> -> memref<128xi32, #tpu.memory_space<vmem>>
      %dma_wait3A_134 = arith.constant 0 : i32
      %dma_wait3A_135 = arith.constant 0 : i32
      %dma_wait3A_136 = tpu.memref_slice %arg2[%dma_wait3A_134, %dma_wait3A_135] : memref<66048x128xf32, #tpu.memory_space<hbm>> -> memref<66048x128xf32, #tpu.memory_space<hbm>>
      tpu.wait_indirect_dma semaphore(%arg13 : memref<!tpu.dma_semaphore, #tpu.memory_space<semaphore_mem>>) src(%dma_wait3A_136 : memref<66048x128xf32, #tpu.memory_space<hbm>>) dst(%arg11 : memref<128x128xf32, #tpu.memory_space<vmem>>)
      %add3A_137 = arith.constant 1 : i32
      %add3A_138 = arith.addi %mul3A_18, %add3A_137 : i32
      %jit3A_139 = arith.constant 4 : i32
      %div3A_140 = arith.divsi %add3A_138, %jit3A_139 : i32
      %sign3A_141 = arith.constant 0 : i32
      %sign3A_142 = arith.cmpi sgt, %add3A_138, %sign3A_141 : i32
      %sign3A_143 = arith.extui %sign3A_142 : i1 to i32
      %sign3A_144 = arith.constant 0 : i32
      %sign3A_145 = arith.cmpi slt, %add3A_138, %sign3A_144 : i32
      %sign3A_146 = arith.extui %sign3A_145 : i1 to i32
      %sign3A_147 = arith.subi %sign3A_143, %sign3A_146 : i32
      %sign3A_148 = arith.constant 0 : i32
      %sign3A_149 = arith.cmpi sgt, %jit3A_139, %sign3A_148 : i32
      %sign3A_150 = arith.extui %sign3A_149 : i1 to i32
      %sign3A_151 = arith.constant 0 : i32
      %sign3A_152 = arith.cmpi slt, %jit3A_139, %sign3A_151 : i32
      %sign3A_153 = arith.extui %sign3A_152 : i1 to i32
      %sign3A_154 = arith.subi %sign3A_150, %sign3A_153 : i32
      %ne3A_155 = arith.cmpi ne, %sign3A_147, %sign3A_154 : i32
      %rem3A_156 = arith.remsi %add3A_138, %jit3A_139 : i32
      %ne3A_157 = arith.constant 0 : i32
      %ne3A_158 = arith.cmpi ne, %rem3A_156, %ne3A_157 : i32
      %and3A_159 = arith.andi %ne3A_155, %ne3A_158 : i1
      %sub3A_160 = arith.constant 1 : i32
      %sub3A_161 = arith.subi %div3A_140, %sub3A_160 : i32
      %select_n3A_162 = arith.select %and3A_159, %sub3A_161, %div3A_140 : i32
      %jit3A_163 = arith.constant 4 : i32
      %eq3A_164 = arith.constant 0 : i32
      %eq3A_165 = arith.cmpi eq, %jit3A_163, %eq3A_164 : i32
      %jit3A_166 = arith.constant 1 : i32
      %select_n3A_167 = arith.select %eq3A_165, %jit3A_166, %jit3A_163 : i32
      %rem3A_168 = arith.remsi %add3A_138, %select_n3A_167 : i32
      %ne3A_169 = arith.constant 0 : i32
      %ne3A_170 = arith.cmpi ne, %rem3A_168, %ne3A_169 : i32
      %lt3A_171 = arith.constant 0 : i32
      %lt3A_172 = arith.cmpi slt, %rem3A_168, %lt3A_171 : i32
      %lt3A_173 = arith.constant 0 : i32
      %lt3A_174 = arith.cmpi slt, %select_n3A_167, %lt3A_173 : i32
      %ne3A_175 = arith.xori %lt3A_172, %lt3A_174 : i1
      %and3A_176 = arith.andi %ne3A_175, %ne3A_170 : i1
      %add3A_177 = arith.addi %rem3A_168, %select_n3A_167 : i32
      %select_n3A_178 = arith.select %and3A_176, %add3A_177, %rem3A_168 : i32
      %mul3A_179 = arith.constant 128 : i32
      %mul3A_180 = arith.muli %select_n3A_178, %mul3A_179 : i32
      %broadcast_in_dim3A_181 = arith.constant 0.000000e+00 : f32
      %broadcast_in_dim3A_182 = vector.broadcast %broadcast_in_dim3A_181 : f32 to vector<16xf32>
      %broadcast_in_dim3A_183 = arith.constant 0.000000e+00 : f32
      %broadcast_in_dim3A_184 = vector.broadcast %broadcast_in_dim3A_183 : f32 to vector<16xf32>
      %broadcast_in_dim3A_185 = arith.constant 0.000000e+00 : f32
      %broadcast_in_dim3A_186 = vector.broadcast %broadcast_in_dim3A_185 : f32 to vector<16xf32>
      %broadcast_in_dim3A_187 = arith.constant 0.000000e+00 : f32
      %broadcast_in_dim3A_188 = vector.broadcast %broadcast_in_dim3A_187 : f32 to vector<16xf32>
      %broadcast_in_dim3A_189 = arith.constant 0.000000e+00 : f32
      %broadcast_in_dim3A_190 = vector.broadcast %broadcast_in_dim3A_189 : f32 to vector<16xf32>
      %broadcast_in_dim3A_191 = arith.constant 0.000000e+00 : f32
      %broadcast_in_dim3A_192 = vector.broadcast %broadcast_in_dim3A_191 : f32 to vector<16xf32>
      %broadcast_in_dim3A_193 = arith.constant 0.000000e+00 : f32
      %broadcast_in_dim3A_194 = vector.broadcast %broadcast_in_dim3A_193 : f32 to vector<16xf32>
      %broadcast_in_dim3A_195 = arith.constant 0.000000e+00 : f32
      %broadcast_in_dim3A_196 = vector.broadcast %broadcast_in_dim3A_195 : f32 to vector<16xf32>
      %scan3A_197 = arith.constant 0 : i32
      %scan3A_198 = arith.constant 8 : i32
      %scan3A_199 = arith.addi %scan3A_197, %scan3A_198 : i32
      %scan3A_200 = arith.constant 1 : i32
      %scan3A_201:8 = scf.for %scan3A_243 = %scan3A_197 to %scan3A_199 step %scan3A_200 iter_args(%scan3A_244 = %broadcast_in_dim3A_182, %scan3A_245 = %broadcast_in_dim3A_184, %scan3A_246 = %broadcast_in_dim3A_186, %scan3A_247 = %broadcast_in_dim3A_188, %scan3A_248 = %broadcast_in_dim3A_190, %scan3A_249 = %broadcast_in_dim3A_192, %scan3A_250 = %broadcast_in_dim3A_194, %scan3A_251 = %broadcast_in_dim3A_196) -> (vector<16xf32>, vector<16xf32>, vector<16xf32>, vector<16xf32>, vector<16xf32>, vector<16xf32>, vector<16xf32>, vector<16xf32>)  : i32 {
        %mul3A_252 = arith.constant 16 : i32
        %mul3A_253 = arith.muli %scan3A_243, %mul3A_252 : i32
        %add3A_254 = arith.addi %mul3A_180, %mul3A_253 : i32
        %get3A = arith.index_cast %select_n3A_162 : i32 to index
        %get3A_255 = arith.index_cast %add3A_254 : i32 to index
        %get3A_256 = tpu.vector_load %arg8[%get3A, %get3A_255] {strides = array<i32>} : memref<32x512xf32, #tpu.memory_space<vmem>>, vector<1x16xf32>,
        %get3A_257 = vector.shape_cast %get3A_256 : vector<1x16xf32> to vector<16xf32>
        %broadcast_in_dim3A_258 = arith.constant 0 : i32
        %broadcast_in_dim3A_259 = vector.broadcast %broadcast_in_dim3A_258 : i32 to vector<16x1xi32>
        %gather3A = vector.shape_cast %broadcast_in_dim3A_259 : vector<16x1xi32> to vector<16xi32>
        %gather3A_260 = tpu.dynamic_gather %get3A_257[%gather3A] in [0] : vector<16xf32>, vector<16xi32> -> vector<16xf32>
        %mul3A_261 = arith.constant 16 : i32
        %mul3A_262 = arith.muli %scan3A_243, %mul3A_261 : i32
        %add3A_263 = arith.constant 0 : i32
        %add3A_264 = arith.addi %mul3A_262, %add3A_263 : i32
        %get3A_265 = arith.index_cast %add3A_264 : i32 to index
        %get3A_266 = arith.constant 0 : index
        %get3A_267 = tpu.vector_load %arg11[%get3A_265, %get3A_266] {strides = array<i32>} : memref<128x128xf32, #tpu.memory_space<vmem>>, vector<1x16xf32>,
        %get3A_268 = vector.shape_cast %get3A_267 : vector<1x16xf32> to vector<16xf32>
        %mul3A_269 = arith.mulf %gather3A_260, %get3A_268 : vector<16xf32>
        %add3A_270 = arith.addf %scan3A_244, %mul3A_269 : vector<16xf32>
        %get3A_271 = arith.index_cast %add3A_264 : i32 to index
        %get3A_272 = arith.constant 16 : index
        %get3A_273 = tpu.vector_load %arg11[%get3A_271, %get3A_272] {strides = array<i32>} : memref<128x128xf32, #tpu.memory_space<vmem>>, vector<1x16xf32>,
        %get3A_274 = vector.shape_cast %get3A_273 : vector<1x16xf32> to vector<16xf32>
        %mul3A_275 = arith.mulf %gather3A_260, %get3A_274 : vector<16xf32>
        %add3A_276 = arith.addf %scan3A_245, %mul3A_275 : vector<16xf32>
        %get3A_277 = arith.index_cast %add3A_264 : i32 to index
        %get3A_278 = arith.constant 32 : index
        %get3A_279 = tpu.vector_load %arg11[%get3A_277, %get3A_278] {strides = array<i32>} : memref<128x128xf32, #tpu.memory_space<vmem>>, vector<1x16xf32>,
        %get3A_280 = vector.shape_cast %get3A_279 : vector<1x16xf32> to vector<16xf32>
        %mul3A_281 = arith.mulf %gather3A_260, %get3A_280 : vector<16xf32>
        %add3A_282 = arith.addf %scan3A_246, %mul3A_281 : vector<16xf32>
        %get3A_283 = arith.index_cast %add3A_264 : i32 to index
        %get3A_284 = arith.constant 48 : index
        %get3A_285 = tpu.vector_load %arg11[%get3A_283, %get3A_284] {strides = array<i32>} : memref<128x128xf32, #tpu.memory_space<vmem>>, vector<1x16xf32>,
        %get3A_286 = vector.shape_cast %get3A_285 : vector<1x16xf32> to vector<16xf32>
        %mul3A_287 = arith.mulf %gather3A_260, %get3A_286 : vector<16xf32>
        %add3A_288 = arith.addf %scan3A_247, %mul3A_287 : vector<16xf32>
        %get3A_289 = arith.index_cast %add3A_264 : i32 to index
        %get3A_290 = arith.constant 64 : index
        %get3A_291 = tpu.vector_load %arg11[%get3A_289, %get3A_290] {strides = array<i32>} : memref<128x128xf32, #tpu.memory_space<vmem>>, vector<1x16xf32>,
        %get3A_292 = vector.shape_cast %get3A_291 : vector<1x16xf32> to vector<16xf32>
        %mul3A_293 = arith.mulf %gather3A_260, %get3A_292 : vector<16xf32>
        %add3A_294 = arith.addf %scan3A_248, %mul3A_293 : vector<16xf32>
        %get3A_295 = arith.index_cast %add3A_264 : i32 to index
        %get3A_296 = arith.constant 80 : index
        %get3A_297 = tpu.vector_load %arg11[%get3A_295, %get3A_296] {strides = array<i32>} : memref<128x128xf32, #tpu.memory_space<vmem>>, vector<1x16xf32>,
        %get3A_298 = vector.shape_cast %get3A_297 : vector<1x16xf32> to vector<16xf32>
        %mul3A_299 = arith.mulf %gather3A_260, %get3A_298 : vector<16xf32>
        %add3A_300 = arith.addf %scan3A_249, %mul3A_299 : vector<16xf32>
        %get3A_301 = arith.index_cast %add3A_264 : i32 to index
        %get3A_302 = arith.constant 96 : index
        %get3A_303 = tpu.vector_load %arg11[%get3A_301, %get3A_302] {strides = array<i32>} : memref<128x128xf32, #tpu.memory_space<vmem>>, vector<1x16xf32>,
        %get3A_304 = vector.shape_cast %get3A_303 : vector<1x16xf32> to vector<16xf32>
        %mul3A_305 = arith.mulf %gather3A_260, %get3A_304 : vector<16xf32>
        %add3A_306 = arith.addf %scan3A_250, %mul3A_305 : vector<16xf32>
        %get3A_307 = arith.index_cast %add3A_264 : i32 to index
        %get3A_308 = arith.constant 112 : index
        %get3A_309 = tpu.vector_load %arg11[%get3A_307, %get3A_308] {strides = array<i32>} : memref<128x128xf32, #tpu.memory_space<vmem>>, vector<1x16xf32>,
        %get3A_310 = vector.shape_cast %get3A_309 : vector<1x16xf32> to vector<16xf32>
        %mul3A_311 = arith.mulf %gather3A_260, %get3A_310 : vector<16xf32>
        %add3A_312 = arith.addf %scan3A_251, %mul3A_311 : vector<16xf32>
        %broadcast_in_dim3A_313 = arith.constant 1 : i32
        %broadcast_in_dim3A_314 = vector.broadcast %broadcast_in_dim3A_313 : i32 to vector<16x1xi32>
        %gather3A_315 = vector.shape_cast %broadcast_in_dim3A_314 : vector<16x1xi32> to vector<16xi32>
        %gather3A_316 = tpu.dynamic_gather %get3A_257[%gather3A_315] in [0] : vector<16xf32>, vector<16xi32> -> vector<16xf32>
        %mul3A_317 = arith.constant 16 : i32
        %mul3A_318 = arith.muli %scan3A_243, %mul3A_317 : i32
        %add3A_319 = arith.constant 1 : i32
        %add3A_320 = arith.addi %mul3A_318, %add3A_319 : i32
        %get3A_321 = arith.index_cast %add3A_320 : i32 to index
        %get3A_322 = arith.constant 0 : index
        %get3A_323 = tpu.vector_load %arg11[%get3A_321, %get3A_322] {strides = array<i32>} : memref<128x128xf32, #tpu.memory_space<vmem>>, vector<1x16xf32>,
        %get3A_324 = vector.shape_cast %get3A_323 : vector<1x16xf32> to vector<16xf32>
        %mul3A_325 = arith.mulf %gather3A_316, %get3A_324 : vector<16xf32>
        %add3A_326 = arith.addf %add3A_270, %mul3A_325 : vector<16xf32>
        %get3A_327 = arith.index_cast %add3A_320 : i32 to index
        %get3A_328 = arith.constant 16 : index
        %get3A_329 = tpu.vector_load %arg11[%get3A_327, %get3A_328] {strides = array<i32>} : memref<128x128xf32, #tpu.memory_space<vmem>>, vector<1x16xf32>,
        %get3A_330 = vector.shape_cast %get3A_329 : vector<1x16xf32> to vector<16xf32>
        %mul3A_331 = arith.mulf %gather3A_316, %get3A_330 : vector<16xf32>
        %add3A_332 = arith.addf %add3A_276, %mul3A_331 : vector<16xf32>
        %get3A_333 = arith.index_cast %add3A_320 : i32 to index
        %get3A_334 = arith.constant 32 : index
        %get3A_335 = tpu.vector_load %arg11[%get3A_333, %get3A_334] {strides = array<i32>} : memref<128x128xf32, #tpu.memory_space<vmem>>, vector<1x16xf32>,
        %get3A_336 = vector.shape_cast %get3A_335 : vector<1x16xf32> to vector<16xf32>
        %mul3A_337 = arith.mulf %gather3A_316, %get3A_336 : vector<16xf32>
        %add3A_338 = arith.addf %add3A_282, %mul3A_337 : vector<16xf32>
        %get3A_339 = arith.index_cast %add3A_320 : i32 to index
        %get3A_340 = arith.constant 48 : index
        %get3A_341 = tpu.vector_load %arg11[%get3A_339, %get3A_340] {strides = array<i32>} : memref<128x128xf32, #tpu.memory_space<vmem>>, vector<1x16xf32>,
        %get3A_342 = vector.shape_cast %get3A_341 : vector<1x16xf32> to vector<16xf32>
        %mul3A_343 = arith.mulf %gather3A_316, %get3A_342 : vector<16xf32>
        %add3A_344 = arith.addf %add3A_288, %mul3A_343 : vector<16xf32>
        %get3A_345 = arith.index_cast %add3A_320 : i32 to index
        %get3A_346 = arith.constant 64 : index
        %get3A_347 = tpu.vector_load %arg11[%get3A_345, %get3A_346] {strides = array<i32>} : memref<128x128xf32, #tpu.memory_space<vmem>>, vector<1x16xf32>,
        %get3A_348 = vector.shape_cast %get3A_347 : vector<1x16xf32> to vector<16xf32>
        %mul3A_349 = arith.mulf %gather3A_316, %get3A_348 : vector<16xf32>
        %add3A_350 = arith.addf %add3A_294, %mul3A_349 : vector<16xf32>
        %get3A_351 = arith.index_cast %add3A_320 : i32 to index
        %get3A_352 = arith.constant 80 : index
        %get3A_353 = tpu.vector_load %arg11[%get3A_351, %get3A_352] {strides = array<i32>} : memref<128x128xf32, #tpu.memory_space<vmem>>, vector<1x16xf32>,
        %get3A_354 = vector.shape_cast %get3A_353 : vector<1x16xf32> to vector<16xf32>
        %mul3A_355 = arith.mulf %gather3A_316, %get3A_354 : vector<16xf32>
        %add3A_356 = arith.addf %add3A_300, %mul3A_355 : vector<16xf32>
        %get3A_357 = arith.index_cast %add3A_320 : i32 to index
        %get3A_358 = arith.constant 96 : index
        %get3A_359 = tpu.vector_load %arg11[%get3A_357, %get3A_358] {strides = array<i32>} : memref<128x128xf32, #tpu.memory_space<vmem>>, vector<1x16xf32>,
        %get3A_360 = vector.shape_cast %get3A_359 : vector<1x16xf32> to vector<16xf32>
        %mul3A_361 = arith.mulf %gather3A_316, %get3A_360 : vector<16xf32>
        %add3A_362 = arith.addf %add3A_306, %mul3A_361 : vector<16xf32>
        %get3A_363 = arith.index_cast %add3A_320 : i32 to index
        %get3A_364 = arith.constant 112 : index
        %get3A_365 = tpu.vector_load %arg11[%get3A_363, %get3A_364] {strides = array<i32>} : memref<128x128xf32, #tpu.memory_space<vmem>>, vector<1x16xf32>,
        %get3A_366 = vector.shape_cast %get3A_365 : vector<1x16xf32> to vector<16xf32>
        %mul3A_367 = arith.mulf %gather3A_316, %get3A_366 : vector<16xf32>
        %add3A_368 = arith.addf %add3A_312, %mul3A_367 : vector<16xf32>
        %broadcast_in_dim3A_369 = arith.constant 2 : i32
        %broadcast_in_dim3A_370 = vector.broadcast %broadcast_in_dim3A_369 : i32 to vector<16x1xi32>
        %gather3A_371 = vector.shape_cast %broadcast_in_dim3A_370 : vector<16x1xi32> to vector<16xi32>
        %gather3A_372 = tpu.dynamic_gather %get3A_257[%gather3A_371] in [0] : vector<16xf32>, vector<16xi32> -> vector<16xf32>
        %mul3A_373 = arith.constant 16 : i32
        %mul3A_374 = arith.muli %scan3A_243, %mul3A_373 : i32
        %add3A_375 = arith.constant 2 : i32
        %add3A_376 = arith.addi %mul3A_374, %add3A_375 : i32
        %get3A_377 = arith.index_cast %add3A_376 : i32 to index
        %get3A_378 = arith.constant 0 : index
        %get3A_379 = tpu.vector_load %arg11[%get3A_377, %get3A_378] {strides = array<i32>} : memref<128x128xf32, #tpu.memory_space<vmem>>, vector<1x16xf32>,
        %get3A_380 = vector.shape_cast %get3A_379 : vector<1x16xf32> to vector<16xf32>
        %mul3A_381 = arith.mulf %gather3A_372, %get3A_380 : vector<16xf32>
        %add3A_382 = arith.addf %add3A_326, %mul3A_381 : vector<16xf32>
        %get3A_383 = arith.index_cast %add3A_376 : i32 to index
        %get3A_384 = arith.constant 16 : index
        %get3A_385 = tpu.vector_load %arg11[%get3A_383, %get3A_384] {strides = array<i32>} : memref<128x128xf32, #tpu.memory_space<vmem>>, vector<1x16xf32>,
        %get3A_386 = vector.shape_cast %get3A_385 : vector<1x16xf32> to vector<16xf32>
        %mul3A_387 = arith.mulf %gather3A_372, %get3A_386 : vector<16xf32>
        %add3A_388 = arith.addf %add3A_332, %mul3A_387 : vector<16xf32>
        %get3A_389 = arith.index_cast %add3A_376 : i32 to index
        %get3A_390 = arith.constant 32 : index
        %get3A_391 = tpu.vector_load %arg11[%get3A_389, %get3A_390] {strides = array<i32>} : memref<128x128xf32, #tpu.memory_space<vmem>>, vector<1x16xf32>,
        %get3A_392 = vector.shape_cast %get3A_391 : vector<1x16xf32> to vector<16xf32>
        %mul3A_393 = arith.mulf %gather3A_372, %get3A_392 : vector<16xf32>
        %add3A_394 = arith.addf %add3A_338, %mul3A_393 : vector<16xf32>
        %get3A_395 = arith.index_cast %add3A_376 : i32 to index
        %get3A_396 = arith.constant 48 : index
        %get3A_397 = tpu.vector_load %arg11[%get3A_395, %get3A_396] {strides = array<i32>} : memref<128x128xf32, #tpu.memory_space<vmem>>, vector<1x16xf32>,
        %get3A_398 = vector.shape_cast %get3A_397 : vector<1x16xf32> to vector<16xf32>
        %mul3A_399 = arith.mulf %gather3A_372, %get3A_398 : vector<16xf32>
        %add3A_400 = arith.addf %add3A_344, %mul3A_399 : vector<16xf32>
        %get3A_401 = arith.index_cast %add3A_376 : i32 to index
        %get3A_402 = arith.constant 64 : index
        %get3A_403 = tpu.vector_load %arg11[%get3A_401, %get3A_402] {strides = array<i32>} : memref<128x128xf32, #tpu.memory_space<vmem>>, vector<1x16xf32>,
        %get3A_404 = vector.shape_cast %get3A_403 : vector<1x16xf32> to vector<16xf32>
        %mul3A_405 = arith.mulf %gather3A_372, %get3A_404 : vector<16xf32>
        %add3A_406 = arith.addf %add3A_350, %mul3A_405 : vector<16xf32>
        %get3A_407 = arith.index_cast %add3A_376 : i32 to index
        %get3A_408 = arith.constant 80 : index
        %get3A_409 = tpu.vector_load %arg11[%get3A_407, %get3A_408] {strides = array<i32>} : memref<128x128xf32, #tpu.memory_space<vmem>>, vector<1x16xf32>,
        %get3A_410 = vector.shape_cast %get3A_409 : vector<1x16xf32> to vector<16xf32>
        %mul3A_411 = arith.mulf %gather3A_372, %get3A_410 : vector<16xf32>
        %add3A_412 = arith.addf %add3A_356, %mul3A_411 : vector<16xf32>
        %get3A_413 = arith.index_cast %add3A_376 : i32 to index
        %get3A_414 = arith.constant 96 : index
        %get3A_415 = tpu.vector_load %arg11[%get3A_413, %get3A_414] {strides = array<i32>} : memref<128x128xf32, #tpu.memory_space<vmem>>, vector<1x16xf32>,
        %get3A_416 = vector.shape_cast %get3A_415 : vector<1x16xf32> to vector<16xf32>
        %mul3A_417 = arith.mulf %gather3A_372, %get3A_416 : vector<16xf32>
        %add3A_418 = arith.addf %add3A_362, %mul3A_417 : vector<16xf32>
        %get3A_419 = arith.index_cast %add3A_376 : i32 to index
        %get3A_420 = arith.constant 112 : index
        %get3A_421 = tpu.vector_load %arg11[%get3A_419, %get3A_420] {strides = array<i32>} : memref<128x128xf32, #tpu.memory_space<vmem>>, vector<1x16xf32>,
        %get3A_422 = vector.shape_cast %get3A_421 : vector<1x16xf32> to vector<16xf32>
        %mul3A_423 = arith.mulf %gather3A_372, %get3A_422 : vector<16xf32>
        %add3A_424 = arith.addf %add3A_368, %mul3A_423 : vector<16xf32>
        %broadcast_in_dim3A_425 = arith.constant 3 : i32
        %broadcast_in_dim3A_426 = vector.broadcast %broadcast_in_dim3A_425 : i32 to vector<16x1xi32>
        %gather3A_427 = vector.shape_cast %broadcast_in_dim3A_426 : vector<16x1xi32> to vector<16xi32>
        %gather3A_428 = tpu.dynamic_gather %get3A_257[%gather3A_427] in [0] : vector<16xf32>, vector<16xi32> -> vector<16xf32>
        %mul3A_429 = arith.constant 16 : i32
        %mul3A_430 = arith.muli %scan3A_243, %mul3A_429 : i32
        %add3A_431 = arith.constant 3 : i32
        %add3A_432 = arith.addi %mul3A_430, %add3A_431 : i32
        %get3A_433 = arith.index_cast %add3A_432 : i32 to index
        %get3A_434 = arith.constant 0 : index
        %get3A_435 = tpu.vector_load %arg11[%get3A_433, %get3A_434] {strides = array<i32>} : memref<128x128xf32, #tpu.memory_space<vmem>>, vector<1x16xf32>,
        %get3A_436 = vector.shape_cast %get3A_435 : vector<1x16xf32> to vector<16xf32>
        %mul3A_437 = arith.mulf %gather3A_428, %get3A_436 : vector<16xf32>
        %add3A_438 = arith.addf %add3A_382, %mul3A_437 : vector<16xf32>
        %get3A_439 = arith.index_cast %add3A_432 : i32 to index
        %get3A_440 = arith.constant 16 : index
        %get3A_441 = tpu.vector_load %arg11[%get3A_439, %get3A_440] {strides = array<i32>} : memref<128x128xf32, #tpu.memory_space<vmem>>, vector<1x16xf32>,
        %get3A_442 = vector.shape_cast %get3A_441 : vector<1x16xf32> to vector<16xf32>
        %mul3A_443 = arith.mulf %gather3A_428, %get3A_442 : vector<16xf32>
        %add3A_444 = arith.addf %add3A_388, %mul3A_443 : vector<16xf32>
        %get3A_445 = arith.index_cast %add3A_432 : i32 to index
        %get3A_446 = arith.constant 32 : index
        %get3A_447 = tpu.vector_load %arg11[%get3A_445, %get3A_446] {strides = array<i32>} : memref<128x128xf32, #tpu.memory_space<vmem>>, vector<1x16xf32>,
        %get3A_448 = vector.shape_cast %get3A_447 : vector<1x16xf32> to vector<16xf32>
        %mul3A_449 = arith.mulf %gather3A_428, %get3A_448 : vector<16xf32>
        %add3A_450 = arith.addf %add3A_394, %mul3A_449 : vector<16xf32>
        %get3A_451 = arith.index_cast %add3A_432 : i32 to index
        %get3A_452 = arith.constant 48 : index
        %get3A_453 = tpu.vector_load %arg11[%get3A_451, %get3A_452] {strides = array<i32>} : memref<128x128xf32, #tpu.memory_space<vmem>>, vector<1x16xf32>,
        %get3A_454 = vector.shape_cast %get3A_453 : vector<1x16xf32> to vector<16xf32>
        %mul3A_455 = arith.mulf %gather3A_428, %get3A_454 : vector<16xf32>
        %add3A_456 = arith.addf %add3A_400, %mul3A_455 : vector<16xf32>
        %get3A_457 = arith.index_cast %add3A_432 : i32 to index
        %get3A_458 = arith.constant 64 : index
        %get3A_459 = tpu.vector_load %arg11[%get3A_457, %get3A_458] {strides = array<i32>} : memref<128x128xf32, #tpu.memory_space<vmem>>, vector<1x16xf32>,
        %get3A_460 = vector.shape_cast %get3A_459 : vector<1x16xf32> to vector<16xf32>
        %mul3A_461 = arith.mulf %gather3A_428, %get3A_460 : vector<16xf32>
        %add3A_462 = arith.addf %add3A_406, %mul3A_461 : vector<16xf32>
        %get3A_463 = arith.index_cast %add3A_432 : i32 to index
        %get3A_464 = arith.constant 80 : index
        %get3A_465 = tpu.vector_load %arg11[%get3A_463, %get3A_464] {strides = array<i32>} : memref<128x128xf32, #tpu.memory_space<vmem>>, vector<1x16xf32>,
        %get3A_466 = vector.shape_cast %get3A_465 : vector<1x16xf32> to vector<16xf32>
        %mul3A_467 = arith.mulf %gather3A_428, %get3A_466 : vector<16xf32>
        %add3A_468 = arith.addf %add3A_412, %mul3A_467 : vector<16xf32>
        %get3A_469 = arith.index_cast %add3A_432 : i32 to index
        %get3A_470 = arith.constant 96 : index
        %get3A_471 = tpu.vector_load %arg11[%get3A_469, %get3A_470] {strides = array<i32>} : memref<128x128xf32, #tpu.memory_space<vmem>>, vector<1x16xf32>,
        %get3A_472 = vector.shape_cast %get3A_471 : vector<1x16xf32> to vector<16xf32>
        %mul3A_473 = arith.mulf %gather3A_428, %get3A_472 : vector<16xf32>
        %add3A_474 = arith.addf %add3A_418, %mul3A_473 : vector<16xf32>
        %get3A_475 = arith.index_cast %add3A_432 : i32 to index
        %get3A_476 = arith.constant 112 : index
        %get3A_477 = tpu.vector_load %arg11[%get3A_475, %get3A_476] {strides = array<i32>} : memref<128x128xf32, #tpu.memory_space<vmem>>, vector<1x16xf32>,
        %get3A_478 = vector.shape_cast %get3A_477 : vector<1x16xf32> to vector<16xf32>
        %mul3A_479 = arith.mulf %gather3A_428, %get3A_478 : vector<16xf32>
        %add3A_480 = arith.addf %add3A_424, %mul3A_479 : vector<16xf32>
        %broadcast_in_dim3A_481 = arith.constant 4 : i32
        %broadcast_in_dim3A_482 = vector.broadcast %broadcast_in_dim3A_481 : i32 to vector<16x1xi32>
        %gather3A_483 = vector.shape_cast %broadcast_in_dim3A_482 : vector<16x1xi32> to vector<16xi32>
        %gather3A_484 = tpu.dynamic_gather %get3A_257[%gather3A_483] in [0] : vector<16xf32>, vector<16xi32> -> vector<16xf32>
        %mul3A_485 = arith.constant 16 : i32
        %mul3A_486 = arith.muli %scan3A_243, %mul3A_485 : i32
        %add3A_487 = arith.constant 4 : i32
        %add3A_488 = arith.addi %mul3A_486, %add3A_487 : i32
        %get3A_489 = arith.index_cast %add3A_488 : i32 to index
        %get3A_490 = arith.constant 0 : index
        %get3A_491 = tpu.vector_load %arg11[%get3A_489, %get3A_490] {strides = array<i32>} : memref<128x128xf32, #tpu.memory_space<vmem>>, vector<1x16xf32>,
        %get3A_492 = vector.shape_cast %get3A_491 : vector<1x16xf32> to vector<16xf32>
        %mul3A_493 = arith.mulf %gather3A_484, %get3A_492 : vector<16xf32>
        %add3A_494 = arith.addf %add3A_438, %mul3A_493 : vector<16xf32>
        %get3A_495 = arith.index_cast %add3A_488 : i32 to index
        %get3A_496 = arith.constant 16 : index
        %get3A_497 = tpu.vector_load %arg11[%get3A_495, %get3A_496] {strides = array<i32>} : memref<128x128xf32, #tpu.memory_space<vmem>>, vector<1x16xf32>,
        %get3A_498 = vector.shape_cast %get3A_497 : vector<1x16xf32> to vector<16xf32>
        %mul3A_499 = arith.mulf %gather3A_484, %get3A_498 : vector<16xf32>
        %add3A_500 = arith.addf %add3A_444, %mul3A_499 : vector<16xf32>
        %get3A_501 = arith.index_cast %add3A_488 : i32 to index
        %get3A_502 = arith.constant 32 : index
        %get3A_503 = tpu.vector_load %arg11[%get3A_501, %get3A_502] {strides = array<i32>} : memref<128x128xf32, #tpu.memory_space<vmem>>, vector<1x16xf32>,
        %get3A_504 = vector.shape_cast %get3A_503 : vector<1x16xf32> to vector<16xf32>
        %mul3A_505 = arith.mulf %gather3A_484, %get3A_504 : vector<16xf32>
        %add3A_506 = arith.addf %add3A_450, %mul3A_505 : vector<16xf32>
        %get3A_507 = arith.index_cast %add3A_488 : i32 to index
        %get3A_508 = arith.constant 48 : index
        %get3A_509 = tpu.vector_load %arg11[%get3A_507, %get3A_508] {strides = array<i32>} : memref<128x128xf32, #tpu.memory_space<vmem>>, vector<1x16xf32>,
        %get3A_510 = vector.shape_cast %get3A_509 : vector<1x16xf32> to vector<16xf32>
        %mul3A_511 = arith.mulf %gather3A_484, %get3A_510 : vector<16xf32>
        %add3A_512 = arith.addf %add3A_456, %mul3A_511 : vector<16xf32>
        %get3A_513 = arith.index_cast %add3A_488 : i32 to index
        %get3A_514 = arith.constant 64 : index
        %get3A_515 = tpu.vector_load %arg11[%get3A_513, %get3A_514] {strides = array<i32>} : memref<128x128xf32, #tpu.memory_space<vmem>>, vector<1x16xf32>,
        %get3A_516 = vector.shape_cast %get3A_515 : vector<1x16xf32> to vector<16xf32>
        %mul3A_517 = arith.mulf %gather3A_484, %get3A_516 : vector<16xf32>
        %add3A_518 = arith.addf %add3A_462, %mul3A_517 : vector<16xf32>
        %get3A_519 = arith.index_cast %add3A_488 : i32 to index
        %get3A_520 = arith.constant 80 : index
        %get3A_521 = tpu.vector_load %arg11[%get3A_519, %get3A_520] {strides = array<i32>} : memref<128x128xf32, #tpu.memory_space<vmem>>, vector<1x16xf32>,
        %get3A_522 = vector.shape_cast %get3A_521 : vector<1x16xf32> to vector<16xf32>
        %mul3A_523 = arith.mulf %gather3A_484, %get3A_522 : vector<16xf32>
        %add3A_524 = arith.addf %add3A_468, %mul3A_523 : vector<16xf32>
        %get3A_525 = arith.index_cast %add3A_488 : i32 to index
        %get3A_526 = arith.constant 96 : index
        %get3A_527 = tpu.vector_load %arg11[%get3A_525, %get3A_526] {strides = array<i32>} : memref<128x128xf32, #tpu.memory_space<vmem>>, vector<1x16xf32>,
        %get3A_528 = vector.shape_cast %get3A_527 : vector<1x16xf32> to vector<16xf32>
        %mul3A_529 = arith.mulf %gather3A_484, %get3A_528 : vector<16xf32>
        %add3A_530 = arith.addf %add3A_474, %mul3A_529 : vector<16xf32>
        %get3A_531 = arith.index_cast %add3A_488 : i32 to index
        %get3A_532 = arith.constant 112 : index
        %get3A_533 = tpu.vector_load %arg11[%get3A_531, %get3A_532] {strides = array<i32>} : memref<128x128xf32, #tpu.memory_space<vmem>>, vector<1x16xf32>,
        %get3A_534 = vector.shape_cast %get3A_533 : vector<1x16xf32> to vector<16xf32>
        %mul3A_535 = arith.mulf %gather3A_484, %get3A_534 : vector<16xf32>
        %add3A_536 = arith.addf %add3A_480, %mul3A_535 : vector<16xf32>
        %broadcast_in_dim3A_537 = arith.constant 5 : i32
        %broadcast_in_dim3A_538 = vector.broadcast %broadcast_in_dim3A_537 : i32 to vector<16x1xi32>
        %gather3A_539 = vector.shape_cast %broadcast_in_dim3A_538 : vector<16x1xi32> to vector<16xi32>
        %gather3A_540 = tpu.dynamic_gather %get3A_257[%gather3A_539] in [0] : vector<16xf32>, vector<16xi32> -> vector<16xf32>
        %mul3A_541 = arith.constant 16 : i32
        %mul3A_542 = arith.muli %scan3A_243, %mul3A_541 : i32
        %add3A_543 = arith.constant 5 : i32
        %add3A_544 = arith.addi %mul3A_542, %add3A_543 : i32
        %get3A_545 = arith.index_cast %add3A_544 : i32 to index
        %get3A_546 = arith.constant 0 : index
        %get3A_547 = tpu.vector_load %arg11[%get3A_545, %get3A_546] {strides = array<i32>} : memref<128x128xf32, #tpu.memory_space<vmem>>, vector<1x16xf32>,
        %get3A_548 = vector.shape_cast %get3A_547 : vector<1x16xf32> to vector<16xf32>
        %mul3A_549 = arith.mulf %gather3A_540, %get3A_548 : vector<16xf32>
        %add3A_550 = arith.addf %add3A_494, %mul3A_549 : vector<16xf32>
        %get3A_551 = arith.index_cast %add3A_544 : i32 to index
        %get3A_552 = arith.constant 16 : index
        %get3A_553 = tpu.vector_load %arg11[%get3A_551, %get3A_552] {strides = array<i32>} : memref<128x128xf32, #tpu.memory_space<vmem>>, vector<1x16xf32>,
        %get3A_554 = vector.shape_cast %get3A_553 : vector<1x16xf32> to vector<16xf32>
        %mul3A_555 = arith.mulf %gather3A_540, %get3A_554 : vector<16xf32>
        %add3A_556 = arith.addf %add3A_500, %mul3A_555 : vector<16xf32>
        %get3A_557 = arith.index_cast %add3A_544 : i32 to index
        %get3A_558 = arith.constant 32 : index
        %get3A_559 = tpu.vector_load %arg11[%get3A_557, %get3A_558] {strides = array<i32>} : memref<128x128xf32, #tpu.memory_space<vmem>>, vector<1x16xf32>,
        %get3A_560 = vector.shape_cast %get3A_559 : vector<1x16xf32> to vector<16xf32>
        %mul3A_561 = arith.mulf %gather3A_540, %get3A_560 : vector<16xf32>
        %add3A_562 = arith.addf %add3A_506, %mul3A_561 : vector<16xf32>
        %get3A_563 = arith.index_cast %add3A_544 : i32 to index
        %get3A_564 = arith.constant 48 : index
        %get3A_565 = tpu.vector_load %arg11[%get3A_563, %get3A_564] {strides = array<i32>} : memref<128x128xf32, #tpu.memory_space<vmem>>, vector<1x16xf32>,
        %get3A_566 = vector.shape_cast %get3A_565 : vector<1x16xf32> to vector<16xf32>
        %mul3A_567 = arith.mulf %gather3A_540, %get3A_566 : vector<16xf32>
        %add3A_568 = arith.addf %add3A_512, %mul3A_567 : vector<16xf32>
        %get3A_569 = arith.index_cast %add3A_544 : i32 to index
        %get3A_570 = arith.constant 64 : index
        %get3A_571 = tpu.vector_load %arg11[%get3A_569, %get3A_570] {strides = array<i32>} : memref<128x128xf32, #tpu.memory_space<vmem>>, vector<1x16xf32>,
        %get3A_572 = vector.shape_cast %get3A_571 : vector<1x16xf32> to vector<16xf32>
        %mul3A_573 = arith.mulf %gather3A_540, %get3A_572 : vector<16xf32>
        %add3A_574 = arith.addf %add3A_518, %mul3A_573 : vector<16xf32>
        %get3A_575 = arith.index_cast %add3A_544 : i32 to index
        %get3A_576 = arith.constant 80 : index
        %get3A_577 = tpu.vector_load %arg11[%get3A_575, %get3A_576] {strides = array<i32>} : memref<128x128xf32, #tpu.memory_space<vmem>>, vector<1x16xf32>,
        %get3A_578 = vector.shape_cast %get3A_577 : vector<1x16xf32> to vector<16xf32>
        %mul3A_579 = arith.mulf %gather3A_540, %get3A_578 : vector<16xf32>
        %add3A_580 = arith.addf %add3A_524, %mul3A_579 : vector<16xf32>
        %get3A_581 = arith.index_cast %add3A_544 : i32 to index
        %get3A_582 = arith.constant 96 : index
        %get3A_583 = tpu.vector_load %arg11[%get3A_581, %get3A_582] {strides = array<i32>} : memref<128x128xf32, #tpu.memory_space<vmem>>, vector<1x16xf32>,
        %get3A_584 = vector.shape_cast %get3A_583 : vector<1x16xf32> to vector<16xf32>
        %mul3A_585 = arith.mulf %gather3A_540, %get3A_584 : vector<16xf32>
        %add3A_586 = arith.addf %add3A_530, %mul3A_585 : vector<16xf32>
        %get3A_587 = arith.index_cast %add3A_544 : i32 to index
        %get3A_588 = arith.constant 112 : index
        %get3A_589 = tpu.vector_load %arg11[%get3A_587, %get3A_588] {strides = array<i32>} : memref<128x128xf32, #tpu.memory_space<vmem>>, vector<1x16xf32>,
        %get3A_590 = vector.shape_cast %get3A_589 : vector<1x16xf32> to vector<16xf32>
        %mul3A_591 = arith.mulf %gather3A_540, %get3A_590 : vector<16xf32>
        %add3A_592 = arith.addf %add3A_536, %mul3A_591 : vector<16xf32>
        %broadcast_in_dim3A_593 = arith.constant 6 : i32
        %broadcast_in_dim3A_594 = vector.broadcast %broadcast_in_dim3A_593 : i32 to vector<16x1xi32>
        %gather3A_595 = vector.shape_cast %broadcast_in_dim3A_594 : vector<16x1xi32> to vector<16xi32>
        %gather3A_596 = tpu.dynamic_gather %get3A_257[%gather3A_595] in [0] : vector<16xf32>, vector<16xi32> -> vector<16xf32>
        %mul3A_597 = arith.constant 16 : i32
        %mul3A_598 = arith.muli %scan3A_243, %mul3A_597 : i32
        %add3A_599 = arith.constant 6 : i32
        %add3A_600 = arith.addi %mul3A_598, %add3A_599 : i32
        %get3A_601 = arith.index_cast %add3A_600 : i32 to index
        %get3A_602 = arith.constant 0 : index
        %get3A_603 = tpu.vector_load %arg11[%get3A_601, %get3A_602] {strides = array<i32>} : memref<128x128xf32, #tpu.memory_space<vmem>>, vector<1x16xf32>,
        %get3A_604 = vector.shape_cast %get3A_603 : vector<1x16xf32> to vector<16xf32>
        %mul3A_605 = arith.mulf %gather3A_596, %get3A_604 : vector<16xf32>
        %add3A_606 = arith.addf %add3A_550, %mul3A_605 : vector<16xf32>
        %get3A_607 = arith.index_cast %add3A_600 : i32 to index
        %get3A_608 = arith.constant 16 : index
        %get3A_609 = tpu.vector_load %arg11[%get3A_607, %get3A_608] {strides = array<i32>} : memref<128x128xf32, #tpu.memory_space<vmem>>, vector<1x16xf32>,
        %get3A_610 = vector.shape_cast %get3A_609 : vector<1x16xf32> to vector<16xf32>
        %mul3A_611 = arith.mulf %gather3A_596, %get3A_610 : vector<16xf32>
        %add3A_612 = arith.addf %add3A_556, %mul3A_611 : vector<16xf32>
        %get3A_613 = arith.index_cast %add3A_600 : i32 to index
        %get3A_614 = arith.constant 32 : index
        %get3A_615 = tpu.vector_load %arg11[%get3A_613, %get3A_614] {strides = array<i32>} : memref<128x128xf32, #tpu.memory_space<vmem>>, vector<1x16xf32>,
        %get3A_616 = vector.shape_cast %get3A_615 : vector<1x16xf32> to vector<16xf32>
        %mul3A_617 = arith.mulf %gather3A_596, %get3A_616 : vector<16xf32>
        %add3A_618 = arith.addf %add3A_562, %mul3A_617 : vector<16xf32>
        %get3A_619 = arith.index_cast %add3A_600 : i32 to index
        %get3A_620 = arith.constant 48 : index
        %get3A_621 = tpu.vector_load %arg11[%get3A_619, %get3A_620] {strides = array<i32>} : memref<128x128xf32, #tpu.memory_space<vmem>>, vector<1x16xf32>,
        %get3A_622 = vector.shape_cast %get3A_621 : vector<1x16xf32> to vector<16xf32>
        %mul3A_623 = arith.mulf %gather3A_596, %get3A_622 : vector<16xf32>
        %add3A_624 = arith.addf %add3A_568, %mul3A_623 : vector<16xf32>
        %get3A_625 = arith.index_cast %add3A_600 : i32 to index
        %get3A_626 = arith.constant 64 : index
        %get3A_627 = tpu.vector_load %arg11[%get3A_625, %get3A_626] {strides = array<i32>} : memref<128x128xf32, #tpu.memory_space<vmem>>, vector<1x16xf32>,
        %get3A_628 = vector.shape_cast %get3A_627 : vector<1x16xf32> to vector<16xf32>
        %mul3A_629 = arith.mulf %gather3A_596, %get3A_628 : vector<16xf32>
        %add3A_630 = arith.addf %add3A_574, %mul3A_629 : vector<16xf32>
        %get3A_631 = arith.index_cast %add3A_600 : i32 to index
        %get3A_632 = arith.constant 80 : index
        %get3A_633 = tpu.vector_load %arg11[%get3A_631, %get3A_632] {strides = array<i32>} : memref<128x128xf32, #tpu.memory_space<vmem>>, vector<1x16xf32>,
        %get3A_634 = vector.shape_cast %get3A_633 : vector<1x16xf32> to vector<16xf32>
        %mul3A_635 = arith.mulf %gather3A_596, %get3A_634 : vector<16xf32>
        %add3A_636 = arith.addf %add3A_580, %mul3A_635 : vector<16xf32>
        %get3A_637 = arith.index_cast %add3A_600 : i32 to index
        %get3A_638 = arith.constant 96 : index
        %get3A_639 = tpu.vector_load %arg11[%get3A_637, %get3A_638] {strides = array<i32>} : memref<128x128xf32, #tpu.memory_space<vmem>>, vector<1x16xf32>,
        %get3A_640 = vector.shape_cast %get3A_639 : vector<1x16xf32> to vector<16xf32>
        %mul3A_641 = arith.mulf %gather3A_596, %get3A_640 : vector<16xf32>
        %add3A_642 = arith.addf %add3A_586, %mul3A_641 : vector<16xf32>
        %get3A_643 = arith.index_cast %add3A_600 : i32 to index
        %get3A_644 = arith.constant 112 : index
        %get3A_645 = tpu.vector_load %arg11[%get3A_643, %get3A_644] {strides = array<i32>} : memref<128x128xf32, #tpu.memory_space<vmem>>, vector<1x16xf32>,
        %get3A_646 = vector.shape_cast %get3A_645 : vector<1x16xf32> to vector<16xf32>
        %mul3A_647 = arith.mulf %gather3A_596, %get3A_646 : vector<16xf32>
        %add3A_648 = arith.addf %add3A_592, %mul3A_647 : vector<16xf32>
        %broadcast_in_dim3A_649 = arith.constant 7 : i32
        %broadcast_in_dim3A_650 = vector.broadcast %broadcast_in_dim3A_649 : i32 to vector<16x1xi32>
        %gather3A_651 = vector.shape_cast %broadcast_in_dim3A_650 : vector<16x1xi32> to vector<16xi32>
        %gather3A_652 = tpu.dynamic_gather %get3A_257[%gather3A_651] in [0] : vector<16xf32>, vector<16xi32> -> vector<16xf32>
        %mul3A_653 = arith.constant 16 : i32
        %mul3A_654 = arith.muli %scan3A_243, %mul3A_653 : i32
        %add3A_655 = arith.constant 7 : i32
        %add3A_656 = arith.addi %mul3A_654, %add3A_655 : i32
        %get3A_657 = arith.index_cast %add3A_656 : i32 to index
        %get3A_658 = arith.constant 0 : index
        %get3A_659 = tpu.vector_load %arg11[%get3A_657, %get3A_658] {strides = array<i32>} : memref<128x128xf32, #tpu.memory_space<vmem>>, vector<1x16xf32>,
        %get3A_660 = vector.shape_cast %get3A_659 : vector<1x16xf32> to vector<16xf32>
        %mul3A_661 = arith.mulf %gather3A_652, %get3A_660 : vector<16xf32>
        %add3A_662 = arith.addf %add3A_606, %mul3A_661 : vector<16xf32>
        %get3A_663 = arith.index_cast %add3A_656 : i32 to index
        %get3A_664 = arith.constant 16 : index
        %get3A_665 = tpu.vector_load %arg11[%get3A_663, %get3A_664] {strides = array<i32>} : memref<128x128xf32, #tpu.memory_space<vmem>>, vector<1x16xf32>,
        %get3A_666 = vector.shape_cast %get3A_665 : vector<1x16xf32> to vector<16xf32>
        %mul3A_667 = arith.mulf %gather3A_652, %get3A_666 : vector<16xf32>
        %add3A_668 = arith.addf %add3A_612, %mul3A_667 : vector<16xf32>
        %get3A_669 = arith.index_cast %add3A_656 : i32 to index
        %get3A_670 = arith.constant 32 : index
        %get3A_671 = tpu.vector_load %arg11[%get3A_669, %get3A_670] {strides = array<i32>} : memref<128x128xf32, #tpu.memory_space<vmem>>, vector<1x16xf32>,
        %get3A_672 = vector.shape_cast %get3A_671 : vector<1x16xf32> to vector<16xf32>
        %mul3A_673 = arith.mulf %gather3A_652, %get3A_672 : vector<16xf32>
        %add3A_674 = arith.addf %add3A_618, %mul3A_673 : vector<16xf32>
        %get3A_675 = arith.index_cast %add3A_656 : i32 to index
        %get3A_676 = arith.constant 48 : index
        %get3A_677 = tpu.vector_load %arg11[%get3A_675, %get3A_676] {strides = array<i32>} : memref<128x128xf32, #tpu.memory_space<vmem>>, vector<1x16xf32>,
        %get3A_678 = vector.shape_cast %get3A_677 : vector<1x16xf32> to vector<16xf32>
        %mul3A_679 = arith.mulf %gather3A_652, %get3A_678 : vector<16xf32>
        %add3A_680 = arith.addf %add3A_624, %mul3A_679 : vector<16xf32>
        %get3A_681 = arith.index_cast %add3A_656 : i32 to index
        %get3A_682 = arith.constant 64 : index
        %get3A_683 = tpu.vector_load %arg11[%get3A_681, %get3A_682] {strides = array<i32>} : memref<128x128xf32, #tpu.memory_space<vmem>>, vector<1x16xf32>,
        %get3A_684 = vector.shape_cast %get3A_683 : vector<1x16xf32> to vector<16xf32>
        %mul3A_685 = arith.mulf %gather3A_652, %get3A_684 : vector<16xf32>
        %add3A_686 = arith.addf %add3A_630, %mul3A_685 : vector<16xf32>
        %get3A_687 = arith.index_cast %add3A_656 : i32 to index
        %get3A_688 = arith.constant 80 : index
        %get3A_689 = tpu.vector_load %arg11[%get3A_687, %get3A_688] {strides = array<i32>} : memref<128x128xf32, #tpu.memory_space<vmem>>, vector<1x16xf32>,
        %get3A_690 = vector.shape_cast %get3A_689 : vector<1x16xf32> to vector<16xf32>
        %mul3A_691 = arith.mulf %gather3A_652, %get3A_690 : vector<16xf32>
        %add3A_692 = arith.addf %add3A_636, %mul3A_691 : vector<16xf32>
        %get3A_693 = arith.index_cast %add3A_656 : i32 to index
        %get3A_694 = arith.constant 96 : index
        %get3A_695 = tpu.vector_load %arg11[%get3A_693, %get3A_694] {strides = array<i32>} : memref<128x128xf32, #tpu.memory_space<vmem>>, vector<1x16xf32>,
        %get3A_696 = vector.shape_cast %get3A_695 : vector<1x16xf32> to vector<16xf32>
        %mul3A_697 = arith.mulf %gather3A_652, %get3A_696 : vector<16xf32>
        %add3A_698 = arith.addf %add3A_642, %mul3A_697 : vector<16xf32>
        %get3A_699 = arith.index_cast %add3A_656 : i32 to index
        %get3A_700 = arith.constant 112 : index
        %get3A_701 = tpu.vector_load %arg11[%get3A_699, %get3A_700] {strides = array<i32>} : memref<128x128xf32, #tpu.memory_space<vmem>>, vector<1x16xf32>,
        %get3A_702 = vector.shape_cast %get3A_701 : vector<1x16xf32> to vector<16xf32>
        %mul3A_703 = arith.mulf %gather3A_652, %get3A_702 : vector<16xf32>
        %add3A_704 = arith.addf %add3A_648, %mul3A_703 : vector<16xf32>
        %broadcast_in_dim3A_705 = arith.constant 8 : i32
        %broadcast_in_dim3A_706 = vector.broadcast %broadcast_in_dim3A_705 : i32 to vector<16x1xi32>
        %gather3A_707 = vector.shape_cast %broadcast_in_dim3A_706 : vector<16x1xi32> to vector<16xi32>
        %gather3A_708 = tpu.dynamic_gather %get3A_257[%gather3A_707] in [0] : vector<16xf32>, vector<16xi32> -> vector<16xf32>
        %mul3A_709 = arith.constant 16 : i32
        %mul3A_710 = arith.muli %scan3A_243, %mul3A_709 : i32
        %add3A_711 = arith.constant 8 : i32
        %add3A_712 = arith.addi %mul3A_710, %add3A_711 : i32
        %get3A_713 = arith.index_cast %add3A_712 : i32 to index
        %get3A_714 = arith.constant 0 : index
        %get3A_715 = tpu.vector_load %arg11[%get3A_713, %get3A_714] {strides = array<i32>} : memref<128x128xf32, #tpu.memory_space<vmem>>, vector<1x16xf32>,
        %get3A_716 = vector.shape_cast %get3A_715 : vector<1x16xf32> to vector<16xf32>
        %mul3A_717 = arith.mulf %gather3A_708, %get3A_716 : vector<16xf32>
        %add3A_718 = arith.addf %add3A_662, %mul3A_717 : vector<16xf32>
        %get3A_719 = arith.index_cast %add3A_712 : i32 to index
        %get3A_720 = arith.constant 16 : index
        %get3A_721 = tpu.vector_load %arg11[%get3A_719, %get3A_720] {strides = array<i32>} : memref<128x128xf32, #tpu.memory_space<vmem>>, vector<1x16xf32>,
        %get3A_722 = vector.shape_cast %get3A_721 : vector<1x16xf32> to vector<16xf32>
        %mul3A_723 = arith.mulf %gather3A_708, %get3A_722 : vector<16xf32>
        %add3A_724 = arith.addf %add3A_668, %mul3A_723 : vector<16xf32>
        %get3A_725 = arith.index_cast %add3A_712 : i32 to index
        %get3A_726 = arith.constant 32 : index
        %get3A_727 = tpu.vector_load %arg11[%get3A_725, %get3A_726] {strides = array<i32>} : memref<128x128xf32, #tpu.memory_space<vmem>>, vector<1x16xf32>,
        %get3A_728 = vector.shape_cast %get3A_727 : vector<1x16xf32> to vector<16xf32>
        %mul3A_729 = arith.mulf %gather3A_708, %get3A_728 : vector<16xf32>
        %add3A_730 = arith.addf %add3A_674, %mul3A_729 : vector<16xf32>
        %get3A_731 = arith.index_cast %add3A_712 : i32 to index
        %get3A_732 = arith.constant 48 : index
        %get3A_733 = tpu.vector_load %arg11[%get3A_731, %get3A_732] {strides = array<i32>} : memref<128x128xf32, #tpu.memory_space<vmem>>, vector<1x16xf32>,
        %get3A_734 = vector.shape_cast %get3A_733 : vector<1x16xf32> to vector<16xf32>
        %mul3A_735 = arith.mulf %gather3A_708, %get3A_734 : vector<16xf32>
        %add3A_736 = arith.addf %add3A_680, %mul3A_735 : vector<16xf32>
        %get3A_737 = arith.index_cast %add3A_712 : i32 to index
        %get3A_738 = arith.constant 64 : index
        %get3A_739 = tpu.vector_load %arg11[%get3A_737, %get3A_738] {strides = array<i32>} : memref<128x128xf32, #tpu.memory_space<vmem>>, vector<1x16xf32>,
        %get3A_740 = vector.shape_cast %get3A_739 : vector<1x16xf32> to vector<16xf32>
        %mul3A_741 = arith.mulf %gather3A_708, %get3A_740 : vector<16xf32>
        %add3A_742 = arith.addf %add3A_686, %mul3A_741 : vector<16xf32>
        %get3A_743 = arith.index_cast %add3A_712 : i32 to index
        %get3A_744 = arith.constant 80 : index
        %get3A_745 = tpu.vector_load %arg11[%get3A_743, %get3A_744] {strides = array<i32>} : memref<128x128xf32, #tpu.memory_space<vmem>>, vector<1x16xf32>,
        %get3A_746 = vector.shape_cast %get3A_745 : vector<1x16xf32> to vector<16xf32>
        %mul3A_747 = arith.mulf %gather3A_708, %get3A_746 : vector<16xf32>
        %add3A_748 = arith.addf %add3A_692, %mul3A_747 : vector<16xf32>
        %get3A_749 = arith.index_cast %add3A_712 : i32 to index
        %get3A_750 = arith.constant 96 : index
        %get3A_751 = tpu.vector_load %arg11[%get3A_749, %get3A_750] {strides = array<i32>} : memref<128x128xf32, #tpu.memory_space<vmem>>, vector<1x16xf32>,
        %get3A_752 = vector.shape_cast %get3A_751 : vector<1x16xf32> to vector<16xf32>
        %mul3A_753 = arith.mulf %gather3A_708, %get3A_752 : vector<16xf32>
        %add3A_754 = arith.addf %add3A_698, %mul3A_753 : vector<16xf32>
        %get3A_755 = arith.index_cast %add3A_712 : i32 to index
        %get3A_756 = arith.constant 112 : index
        %get3A_757 = tpu.vector_load %arg11[%get3A_755, %get3A_756] {strides = array<i32>} : memref<128x128xf32, #tpu.memory_space<vmem>>, vector<1x16xf32>,
        %get3A_758 = vector.shape_cast %get3A_757 : vector<1x16xf32> to vector<16xf32>
        %mul3A_759 = arith.mulf %gather3A_708, %get3A_758 : vector<16xf32>
        %add3A_760 = arith.addf %add3A_704, %mul3A_759 : vector<16xf32>
        %broadcast_in_dim3A_761 = arith.constant 9 : i32
        %broadcast_in_dim3A_762 = vector.broadcast %broadcast_in_dim3A_761 : i32 to vector<16x1xi32>
        %gather3A_763 = vector.shape_cast %broadcast_in_dim3A_762 : vector<16x1xi32> to vector<16xi32>
        %gather3A_764 = tpu.dynamic_gather %get3A_257[%gather3A_763] in [0] : vector<16xf32>, vector<16xi32> -> vector<16xf32>
        %mul3A_765 = arith.constant 16 : i32
        %mul3A_766 = arith.muli %scan3A_243, %mul3A_765 : i32
        %add3A_767 = arith.constant 9 : i32
        %add3A_768 = arith.addi %mul3A_766, %add3A_767 : i32
        %get3A_769 = arith.index_cast %add3A_768 : i32 to index
        %get3A_770 = arith.constant 0 : index
        %get3A_771 = tpu.vector_load %arg11[%get3A_769, %get3A_770] {strides = array<i32>} : memref<128x128xf32, #tpu.memory_space<vmem>>, vector<1x16xf32>,
        %get3A_772 = vector.shape_cast %get3A_771 : vector<1x16xf32> to vector<16xf32>
        %mul3A_773 = arith.mulf %gather3A_764, %get3A_772 : vector<16xf32>
        %add3A_774 = arith.addf %add3A_718, %mul3A_773 : vector<16xf32>
        %get3A_775 = arith.index_cast %add3A_768 : i32 to index
        %get3A_776 = arith.constant 16 : index
        %get3A_777 = tpu.vector_load %arg11[%get3A_775, %get3A_776] {strides = array<i32>} : memref<128x128xf32, #tpu.memory_space<vmem>>, vector<1x16xf32>,
        %get3A_778 = vector.shape_cast %get3A_777 : vector<1x16xf32> to vector<16xf32>
        %mul3A_779 = arith.mulf %gather3A_764, %get3A_778 : vector<16xf32>
        %add3A_780 = arith.addf %add3A_724, %mul3A_779 : vector<16xf32>
        %get3A_781 = arith.index_cast %add3A_768 : i32 to index
        %get3A_782 = arith.constant 32 : index
        %get3A_783 = tpu.vector_load %arg11[%get3A_781, %get3A_782] {strides = array<i32>} : memref<128x128xf32, #tpu.memory_space<vmem>>, vector<1x16xf32>,
        %get3A_784 = vector.shape_cast %get3A_783 : vector<1x16xf32> to vector<16xf32>
        %mul3A_785 = arith.mulf %gather3A_764, %get3A_784 : vector<16xf32>
        %add3A_786 = arith.addf %add3A_730, %mul3A_785 : vector<16xf32>
        %get3A_787 = arith.index_cast %add3A_768 : i32 to index
        %get3A_788 = arith.constant 48 : index
        %get3A_789 = tpu.vector_load %arg11[%get3A_787, %get3A_788] {strides = array<i32>} : memref<128x128xf32, #tpu.memory_space<vmem>>, vector<1x16xf32>,
        %get3A_790 = vector.shape_cast %get3A_789 : vector<1x16xf32> to vector<16xf32>
        %mul3A_791 = arith.mulf %gather3A_764, %get3A_790 : vector<16xf32>
        %add3A_792 = arith.addf %add3A_736, %mul3A_791 : vector<16xf32>
        %get3A_793 = arith.index_cast %add3A_768 : i32 to index
        %get3A_794 = arith.constant 64 : index
        %get3A_795 = tpu.vector_load %arg11[%get3A_793, %get3A_794] {strides = array<i32>} : memref<128x128xf32, #tpu.memory_space<vmem>>, vector<1x16xf32>,
        %get3A_796 = vector.shape_cast %get3A_795 : vector<1x16xf32> to vector<16xf32>
        %mul3A_797 = arith.mulf %gather3A_764, %get3A_796 : vector<16xf32>
        %add3A_798 = arith.addf %add3A_742, %mul3A_797 : vector<16xf32>
        %get3A_799 = arith.index_cast %add3A_768 : i32 to index
        %get3A_800 = arith.constant 80 : index
        %get3A_801 = tpu.vector_load %arg11[%get3A_799, %get3A_800] {strides = array<i32>} : memref<128x128xf32, #tpu.memory_space<vmem>>, vector<1x16xf32>,
        %get3A_802 = vector.shape_cast %get3A_801 : vector<1x16xf32> to vector<16xf32>
        %mul3A_803 = arith.mulf %gather3A_764, %get3A_802 : vector<16xf32>
        %add3A_804 = arith.addf %add3A_748, %mul3A_803 : vector<16xf32>
        %get3A_805 = arith.index_cast %add3A_768 : i32 to index
        %get3A_806 = arith.constant 96 : index
        %get3A_807 = tpu.vector_load %arg11[%get3A_805, %get3A_806] {strides = array<i32>} : memref<128x128xf32, #tpu.memory_space<vmem>>, vector<1x16xf32>,
        %get3A_808 = vector.shape_cast %get3A_807 : vector<1x16xf32> to vector<16xf32>
        %mul3A_809 = arith.mulf %gather3A_764, %get3A_808 : vector<16xf32>
        %add3A_810 = arith.addf %add3A_754, %mul3A_809 : vector<16xf32>
        %get3A_811 = arith.index_cast %add3A_768 : i32 to index
        %get3A_812 = arith.constant 112 : index
        %get3A_813 = tpu.vector_load %arg11[%get3A_811, %get3A_812] {strides = array<i32>} : memref<128x128xf32, #tpu.memory_space<vmem>>, vector<1x16xf32>,
        %get3A_814 = vector.shape_cast %get3A_813 : vector<1x16xf32> to vector<16xf32>
        %mul3A_815 = arith.mulf %gather3A_764, %get3A_814 : vector<16xf32>
        %add3A_816 = arith.addf %add3A_760, %mul3A_815 : vector<16xf32>
        %broadcast_in_dim3A_817 = arith.constant 10 : i32
        %broadcast_in_dim3A_818 = vector.broadcast %broadcast_in_dim3A_817 : i32 to vector<16x1xi32>
        %gather3A_819 = vector.shape_cast %broadcast_in_dim3A_818 : vector<16x1xi32> to vector<16xi32>
        %gather3A_820 = tpu.dynamic_gather %get3A_257[%gather3A_819] in [0] : vector<16xf32>, vector<16xi32> -> vector<16xf32>
        %mul3A_821 = arith.constant 16 : i32
        %mul3A_822 = arith.muli %scan3A_243, %mul3A_821 : i32
        %add3A_823 = arith.constant 10 : i32
        %add3A_824 = arith.addi %mul3A_822, %add3A_823 : i32
        %get3A_825 = arith.index_cast %add3A_824 : i32 to index
        %get3A_826 = arith.constant 0 : index
        %get3A_827 = tpu.vector_load %arg11[%get3A_825, %get3A_826] {strides = array<i32>} : memref<128x128xf32, #tpu.memory_space<vmem>>, vector<1x16xf32>,
        %get3A_828 = vector.shape_cast %get3A_827 : vector<1x16xf32> to vector<16xf32>
        %mul3A_829 = arith.mulf %gather3A_820, %get3A_828 : vector<16xf32>
        %add3A_830 = arith.addf %add3A_774, %mul3A_829 : vector<16xf32>
        %get3A_831 = arith.index_cast %add3A_824 : i32 to index
        %get3A_832 = arith.constant 16 : index
        %get3A_833 = tpu.vector_load %arg11[%get3A_831, %get3A_832] {strides = array<i32>} : memref<128x128xf32, #tpu.memory_space<vmem>>, vector<1x16xf32>,
        %get3A_834 = vector.shape_cast %get3A_833 : vector<1x16xf32> to vector<16xf32>
        %mul3A_835 = arith.mulf %gather3A_820, %get3A_834 : vector<16xf32>
        %add3A_836 = arith.addf %add3A_780, %mul3A_835 : vector<16xf32>
        %get3A_837 = arith.index_cast %add3A_824 : i32 to index
        %get3A_838 = arith.constant 32 : index
        %get3A_839 = tpu.vector_load %arg11[%get3A_837, %get3A_838] {strides = array<i32>} : memref<128x128xf32, #tpu.memory_space<vmem>>, vector<1x16xf32>,
        %get3A_840 = vector.shape_cast %get3A_839 : vector<1x16xf32> to vector<16xf32>
        %mul3A_841 = arith.mulf %gather3A_820, %get3A_840 : vector<16xf32>
        %add3A_842 = arith.addf %add3A_786, %mul3A_841 : vector<16xf32>
        %get3A_843 = arith.index_cast %add3A_824 : i32 to index
        %get3A_844 = arith.constant 48 : index
        %get3A_845 = tpu.vector_load %arg11[%get3A_843, %get3A_844] {strides = array<i32>} : memref<128x128xf32, #tpu.memory_space<vmem>>, vector<1x16xf32>,
        %get3A_846 = vector.shape_cast %get3A_845 : vector<1x16xf32> to vector<16xf32>
        %mul3A_847 = arith.mulf %gather3A_820, %get3A_846 : vector<16xf32>
        %add3A_848 = arith.addf %add3A_792, %mul3A_847 : vector<16xf32>
        %get3A_849 = arith.index_cast %add3A_824 : i32 to index
        %get3A_850 = arith.constant 64 : index
        %get3A_851 = tpu.vector_load %arg11[%get3A_849, %get3A_850] {strides = array<i32>} : memref<128x128xf32, #tpu.memory_space<vmem>>, vector<1x16xf32>,
        %get3A_852 = vector.shape_cast %get3A_851 : vector<1x16xf32> to vector<16xf32>
        %mul3A_853 = arith.mulf %gather3A_820, %get3A_852 : vector<16xf32>
        %add3A_854 = arith.addf %add3A_798, %mul3A_853 : vector<16xf32>
        %get3A_855 = arith.index_cast %add3A_824 : i32 to index
        %get3A_856 = arith.constant 80 : index
        %get3A_857 = tpu.vector_load %arg11[%get3A_855, %get3A_856] {strides = array<i32>} : memref<128x128xf32, #tpu.memory_space<vmem>>, vector<1x16xf32>,
        %get3A_858 = vector.shape_cast %get3A_857 : vector<1x16xf32> to vector<16xf32>
        %mul3A_859 = arith.mulf %gather3A_820, %get3A_858 : vector<16xf32>
        %add3A_860 = arith.addf %add3A_804, %mul3A_859 : vector<16xf32>
        %get3A_861 = arith.index_cast %add3A_824 : i32 to index
        %get3A_862 = arith.constant 96 : index
        %get3A_863 = tpu.vector_load %arg11[%get3A_861, %get3A_862] {strides = array<i32>} : memref<128x128xf32, #tpu.memory_space<vmem>>, vector<1x16xf32>,
        %get3A_864 = vector.shape_cast %get3A_863 : vector<1x16xf32> to vector<16xf32>
        %mul3A_865 = arith.mulf %gather3A_820, %get3A_864 : vector<16xf32>
        %add3A_866 = arith.addf %add3A_810, %mul3A_865 : vector<16xf32>
        %get3A_867 = arith.index_cast %add3A_824 : i32 to index
        %get3A_868 = arith.constant 112 : index
        %get3A_869 = tpu.vector_load %arg11[%get3A_867, %get3A_868] {strides = array<i32>} : memref<128x128xf32, #tpu.memory_space<vmem>>, vector<1x16xf32>,
        %get3A_870 = vector.shape_cast %get3A_869 : vector<1x16xf32> to vector<16xf32>
        %mul3A_871 = arith.mulf %gather3A_820, %get3A_870 : vector<16xf32>
        %add3A_872 = arith.addf %add3A_816, %mul3A_871 : vector<16xf32>
        %broadcast_in_dim3A_873 = arith.constant 11 : i32
        %broadcast_in_dim3A_874 = vector.broadcast %broadcast_in_dim3A_873 : i32 to vector<16x1xi32>
        %gather3A_875 = vector.shape_cast %broadcast_in_dim3A_874 : vector<16x1xi32> to vector<16xi32>
        %gather3A_876 = tpu.dynamic_gather %get3A_257[%gather3A_875] in [0] : vector<16xf32>, vector<16xi32> -> vector<16xf32>
        %mul3A_877 = arith.constant 16 : i32
        %mul3A_878 = arith.muli %scan3A_243, %mul3A_877 : i32
        %add3A_879 = arith.constant 11 : i32
        %add3A_880 = arith.addi %mul3A_878, %add3A_879 : i32
        %get3A_881 = arith.index_cast %add3A_880 : i32 to index
        %get3A_882 = arith.constant 0 : index
        %get3A_883 = tpu.vector_load %arg11[%get3A_881, %get3A_882] {strides = array<i32>} : memref<128x128xf32, #tpu.memory_space<vmem>>, vector<1x16xf32>,
        %get3A_884 = vector.shape_cast %get3A_883 : vector<1x16xf32> to vector<16xf32>
        %mul3A_885 = arith.mulf %gather3A_876, %get3A_884 : vector<16xf32>
        %add3A_886 = arith.addf %add3A_830, %mul3A_885 : vector<16xf32>
        %get3A_887 = arith.index_cast %add3A_880 : i32 to index
        %get3A_888 = arith.constant 16 : index
        %get3A_889 = tpu.vector_load %arg11[%get3A_887, %get3A_888] {strides = array<i32>} : memref<128x128xf32, #tpu.memory_space<vmem>>, vector<1x16xf32>,
        %get3A_890 = vector.shape_cast %get3A_889 : vector<1x16xf32> to vector<16xf32>
        %mul3A_891 = arith.mulf %gather3A_876, %get3A_890 : vector<16xf32>
        %add3A_892 = arith.addf %add3A_836, %mul3A_891 : vector<16xf32>
        %get3A_893 = arith.index_cast %add3A_880 : i32 to index
        %get3A_894 = arith.constant 32 : index
        %get3A_895 = tpu.vector_load %arg11[%get3A_893, %get3A_894] {strides = array<i32>} : memref<128x128xf32, #tpu.memory_space<vmem>>, vector<1x16xf32>,
        %get3A_896 = vector.shape_cast %get3A_895 : vector<1x16xf32> to vector<16xf32>
        %mul3A_897 = arith.mulf %gather3A_876, %get3A_896 : vector<16xf32>
        %add3A_898 = arith.addf %add3A_842, %mul3A_897 : vector<16xf32>
        %get3A_899 = arith.index_cast %add3A_880 : i32 to index
        %get3A_900 = arith.constant 48 : index
        %get3A_901 = tpu.vector_load %arg11[%get3A_899, %get3A_900] {strides = array<i32>} : memref<128x128xf32, #tpu.memory_space<vmem>>, vector<1x16xf32>,
        %get3A_902 = vector.shape_cast %get3A_901 : vector<1x16xf32> to vector<16xf32>
        %mul3A_903 = arith.mulf %gather3A_876, %get3A_902 : vector<16xf32>
        %add3A_904 = arith.addf %add3A_848, %mul3A_903 : vector<16xf32>
        %get3A_905 = arith.index_cast %add3A_880 : i32 to index
        %get3A_906 = arith.constant 64 : index
        %get3A_907 = tpu.vector_load %arg11[%get3A_905, %get3A_906] {strides = array<i32>} : memref<128x128xf32, #tpu.memory_space<vmem>>, vector<1x16xf32>,
        %get3A_908 = vector.shape_cast %get3A_907 : vector<1x16xf32> to vector<16xf32>
        %mul3A_909 = arith.mulf %gather3A_876, %get3A_908 : vector<16xf32>
        %add3A_910 = arith.addf %add3A_854, %mul3A_909 : vector<16xf32>
        %get3A_911 = arith.index_cast %add3A_880 : i32 to index
        %get3A_912 = arith.constant 80 : index
        %get3A_913 = tpu.vector_load %arg11[%get3A_911, %get3A_912] {strides = array<i32>} : memref<128x128xf32, #tpu.memory_space<vmem>>, vector<1x16xf32>,
        %get3A_914 = vector.shape_cast %get3A_913 : vector<1x16xf32> to vector<16xf32>
        %mul3A_915 = arith.mulf %gather3A_876, %get3A_914 : vector<16xf32>
        %add3A_916 = arith.addf %add3A_860, %mul3A_915 : vector<16xf32>
        %get3A_917 = arith.index_cast %add3A_880 : i32 to index
        %get3A_918 = arith.constant 96 : index
        %get3A_919 = tpu.vector_load %arg11[%get3A_917, %get3A_918] {strides = array<i32>} : memref<128x128xf32, #tpu.memory_space<vmem>>, vector<1x16xf32>,
        %get3A_920 = vector.shape_cast %get3A_919 : vector<1x16xf32> to vector<16xf32>
        %mul3A_921 = arith.mulf %gather3A_876, %get3A_920 : vector<16xf32>
        %add3A_922 = arith.addf %add3A_866, %mul3A_921 : vector<16xf32>
        %get3A_923 = arith.index_cast %add3A_880 : i32 to index
        %get3A_924 = arith.constant 112 : index
        %get3A_925 = tpu.vector_load %arg11[%get3A_923, %get3A_924] {strides = array<i32>} : memref<128x128xf32, #tpu.memory_space<vmem>>, vector<1x16xf32>,
        %get3A_926 = vector.shape_cast %get3A_925 : vector<1x16xf32> to vector<16xf32>
        %mul3A_927 = arith.mulf %gather3A_876, %get3A_926 : vector<16xf32>
        %add3A_928 = arith.addf %add3A_872, %mul3A_927 : vector<16xf32>
        %broadcast_in_dim3A_929 = arith.constant 12 : i32
        %broadcast_in_dim3A_930 = vector.broadcast %broadcast_in_dim3A_929 : i32 to vector<16x1xi32>
        %gather3A_931 = vector.shape_cast %broadcast_in_dim3A_930 : vector<16x1xi32> to vector<16xi32>
        %gather3A_932 = tpu.dynamic_gather %get3A_257[%gather3A_931] in [0] : vector<16xf32>, vector<16xi32> -> vector<16xf32>
        %mul3A_933 = arith.constant 16 : i32
        %mul3A_934 = arith.muli %scan3A_243, %mul3A_933 : i32
        %add3A_935 = arith.constant 12 : i32
        %add3A_936 = arith.addi %mul3A_934, %add3A_935 : i32
        %get3A_937 = arith.index_cast %add3A_936 : i32 to index
        %get3A_938 = arith.constant 0 : index
        %get3A_939 = tpu.vector_load %arg11[%get3A_937, %get3A_938] {strides = array<i32>} : memref<128x128xf32, #tpu.memory_space<vmem>>, vector<1x16xf32>,
        %get3A_940 = vector.shape_cast %get3A_939 : vector<1x16xf32> to vector<16xf32>
        %mul3A_941 = arith.mulf %gather3A_932, %get3A_940 : vector<16xf32>
        %add3A_942 = arith.addf %add3A_886, %mul3A_941 : vector<16xf32>
        %get3A_943 = arith.index_cast %add3A_936 : i32 to index
        %get3A_944 = arith.constant 16 : index
        %get3A_945 = tpu.vector_load %arg11[%get3A_943, %get3A_944] {strides = array<i32>} : memref<128x128xf32, #tpu.memory_space<vmem>>, vector<1x16xf32>,
        %get3A_946 = vector.shape_cast %get3A_945 : vector<1x16xf32> to vector<16xf32>
        %mul3A_947 = arith.mulf %gather3A_932, %get3A_946 : vector<16xf32>
        %add3A_948 = arith.addf %add3A_892, %mul3A_947 : vector<16xf32>
        %get3A_949 = arith.index_cast %add3A_936 : i32 to index
        %get3A_950 = arith.constant 32 : index
        %get3A_951 = tpu.vector_load %arg11[%get3A_949, %get3A_950] {strides = array<i32>} : memref<128x128xf32, #tpu.memory_space<vmem>>, vector<1x16xf32>,
        %get3A_952 = vector.shape_cast %get3A_951 : vector<1x16xf32> to vector<16xf32>
        %mul3A_953 = arith.mulf %gather3A_932, %get3A_952 : vector<16xf32>
        %add3A_954 = arith.addf %add3A_898, %mul3A_953 : vector<16xf32>
        %get3A_955 = arith.index_cast %add3A_936 : i32 to index
        %get3A_956 = arith.constant 48 : index
        %get3A_957 = tpu.vector_load %arg11[%get3A_955, %get3A_956] {strides = array<i32>} : memref<128x128xf32, #tpu.memory_space<vmem>>, vector<1x16xf32>,
        %get3A_958 = vector.shape_cast %get3A_957 : vector<1x16xf32> to vector<16xf32>
        %mul3A_959 = arith.mulf %gather3A_932, %get3A_958 : vector<16xf32>
        %add3A_960 = arith.addf %add3A_904, %mul3A_959 : vector<16xf32>
        %get3A_961 = arith.index_cast %add3A_936 : i32 to index
        %get3A_962 = arith.constant 64 : index
        %get3A_963 = tpu.vector_load %arg11[%get3A_961, %get3A_962] {strides = array<i32>} : memref<128x128xf32, #tpu.memory_space<vmem>>, vector<1x16xf32>,
        %get3A_964 = vector.shape_cast %get3A_963 : vector<1x16xf32> to vector<16xf32>
        %mul3A_965 = arith.mulf %gather3A_932, %get3A_964 : vector<16xf32>
        %add3A_966 = arith.addf %add3A_910, %mul3A_965 : vector<16xf32>
        %get3A_967 = arith.index_cast %add3A_936 : i32 to index
        %get3A_968 = arith.constant 80 : index
        %get3A_969 = tpu.vector_load %arg11[%get3A_967, %get3A_968] {strides = array<i32>} : memref<128x128xf32, #tpu.memory_space<vmem>>, vector<1x16xf32>,
        %get3A_970 = vector.shape_cast %get3A_969 : vector<1x16xf32> to vector<16xf32>
        %mul3A_971 = arith.mulf %gather3A_932, %get3A_970 : vector<16xf32>
        %add3A_972 = arith.addf %add3A_916, %mul3A_971 : vector<16xf32>
        %get3A_973 = arith.index_cast %add3A_936 : i32 to index
        %get3A_974 = arith.constant 96 : index
        %get3A_975 = tpu.vector_load %arg11[%get3A_973, %get3A_974] {strides = array<i32>} : memref<128x128xf32, #tpu.memory_space<vmem>>, vector<1x16xf32>,
        %get3A_976 = vector.shape_cast %get3A_975 : vector<1x16xf32> to vector<16xf32>
        %mul3A_977 = arith.mulf %gather3A_932, %get3A_976 : vector<16xf32>
        %add3A_978 = arith.addf %add3A_922, %mul3A_977 : vector<16xf32>
        %get3A_979 = arith.index_cast %add3A_936 : i32 to index
        %get3A_980 = arith.constant 112 : index
        %get3A_981 = tpu.vector_load %arg11[%get3A_979, %get3A_980] {strides = array<i32>} : memref<128x128xf32, #tpu.memory_space<vmem>>, vector<1x16xf32>,
        %get3A_982 = vector.shape_cast %get3A_981 : vector<1x16xf32> to vector<16xf32>
        %mul3A_983 = arith.mulf %gather3A_932, %get3A_982 : vector<16xf32>
        %add3A_984 = arith.addf %add3A_928, %mul3A_983 : vector<16xf32>
        %broadcast_in_dim3A_985 = arith.constant 13 : i32
        %broadcast_in_dim3A_986 = vector.broadcast %broadcast_in_dim3A_985 : i32 to vector<16x1xi32>
        %gather3A_987 = vector.shape_cast %broadcast_in_dim3A_986 : vector<16x1xi32> to vector<16xi32>
        %gather3A_988 = tpu.dynamic_gather %get3A_257[%gather3A_987] in [0] : vector<16xf32>, vector<16xi32> -> vector<16xf32>
        %mul3A_989 = arith.constant 16 : i32
        %mul3A_990 = arith.muli %scan3A_243, %mul3A_989 : i32
        %add3A_991 = arith.constant 13 : i32
        %add3A_992 = arith.addi %mul3A_990, %add3A_991 : i32
        %get3A_993 = arith.index_cast %add3A_992 : i32 to index
        %get3A_994 = arith.constant 0 : index
        %get3A_995 = tpu.vector_load %arg11[%get3A_993, %get3A_994] {strides = array<i32>} : memref<128x128xf32, #tpu.memory_space<vmem>>, vector<1x16xf32>,
        %get3A_996 = vector.shape_cast %get3A_995 : vector<1x16xf32> to vector<16xf32>
        %mul3A_997 = arith.mulf %gather3A_988, %get3A_996 : vector<16xf32>
        %add3A_998 = arith.addf %add3A_942, %mul3A_997 : vector<16xf32>
        %get3A_999 = arith.index_cast %add3A_992 : i32 to index
        %get3A_1000 = arith.constant 16 : index
        %get3A_1001 = tpu.vector_load %arg11[%get3A_999, %get3A_1000] {strides = array<i32>} : memref<128x128xf32, #tpu.memory_space<vmem>>, vector<1x16xf32>,
        %get3A_1002 = vector.shape_cast %get3A_1001 : vector<1x16xf32> to vector<16xf32>
        %mul3A_1003 = arith.mulf %gather3A_988, %get3A_1002 : vector<16xf32>
        %add3A_1004 = arith.addf %add3A_948, %mul3A_1003 : vector<16xf32>
        %get3A_1005 = arith.index_cast %add3A_992 : i32 to index
        %get3A_1006 = arith.constant 32 : index
        %get3A_1007 = tpu.vector_load %arg11[%get3A_1005, %get3A_1006] {strides = array<i32>} : memref<128x128xf32, #tpu.memory_space<vmem>>, vector<1x16xf32>,
        %get3A_1008 = vector.shape_cast %get3A_1007 : vector<1x16xf32> to vector<16xf32>
        %mul3A_1009 = arith.mulf %gather3A_988, %get3A_1008 : vector<16xf32>
        %add3A_1010 = arith.addf %add3A_954, %mul3A_1009 : vector<16xf32>
        %get3A_1011 = arith.index_cast %add3A_992 : i32 to index
        %get3A_1012 = arith.constant 48 : index
        %get3A_1013 = tpu.vector_load %arg11[%get3A_1011, %get3A_1012] {strides = array<i32>} : memref<128x128xf32, #tpu.memory_space<vmem>>, vector<1x16xf32>,
        %get3A_1014 = vector.shape_cast %get3A_1013 : vector<1x16xf32> to vector<16xf32>
        %mul3A_1015 = arith.mulf %gather3A_988, %get3A_1014 : vector<16xf32>
        %add3A_1016 = arith.addf %add3A_960, %mul3A_1015 : vector<16xf32>
        %get3A_1017 = arith.index_cast %add3A_992 : i32 to index
        %get3A_1018 = arith.constant 64 : index
        %get3A_1019 = tpu.vector_load %arg11[%get3A_1017, %get3A_1018] {strides = array<i32>} : memref<128x128xf32, #tpu.memory_space<vmem>>, vector<1x16xf32>,
        %get3A_1020 = vector.shape_cast %get3A_1019 : vector<1x16xf32> to vector<16xf32>
        %mul3A_1021 = arith.mulf %gather3A_988, %get3A_1020 : vector<16xf32>
        %add3A_1022 = arith.addf %add3A_966, %mul3A_1021 : vector<16xf32>
        %get3A_1023 = arith.index_cast %add3A_992 : i32 to index
        %get3A_1024 = arith.constant 80 : index
        %get3A_1025 = tpu.vector_load %arg11[%get3A_1023, %get3A_1024] {strides = array<i32>} : memref<128x128xf32, #tpu.memory_space<vmem>>, vector<1x16xf32>,
        %get3A_1026 = vector.shape_cast %get3A_1025 : vector<1x16xf32> to vector<16xf32>
        %mul3A_1027 = arith.mulf %gather3A_988, %get3A_1026 : vector<16xf32>
        %add3A_1028 = arith.addf %add3A_972, %mul3A_1027 : vector<16xf32>
        %get3A_1029 = arith.index_cast %add3A_992 : i32 to index
        %get3A_1030 = arith.constant 96 : index
        %get3A_1031 = tpu.vector_load %arg11[%get3A_1029, %get3A_1030] {strides = array<i32>} : memref<128x128xf32, #tpu.memory_space<vmem>>, vector<1x16xf32>,
        %get3A_1032 = vector.shape_cast %get3A_1031 : vector<1x16xf32> to vector<16xf32>
        %mul3A_1033 = arith.mulf %gather3A_988, %get3A_1032 : vector<16xf32>
        %add3A_1034 = arith.addf %add3A_978, %mul3A_1033 : vector<16xf32>
        %get3A_1035 = arith.index_cast %add3A_992 : i32 to index
        %get3A_1036 = arith.constant 112 : index
        %get3A_1037 = tpu.vector_load %arg11[%get3A_1035, %get3A_1036] {strides = array<i32>} : memref<128x128xf32, #tpu.memory_space<vmem>>, vector<1x16xf32>,
        %get3A_1038 = vector.shape_cast %get3A_1037 : vector<1x16xf32> to vector<16xf32>
        %mul3A_1039 = arith.mulf %gather3A_988, %get3A_1038 : vector<16xf32>
        %add3A_1040 = arith.addf %add3A_984, %mul3A_1039 : vector<16xf32>
        %broadcast_in_dim3A_1041 = arith.constant 14 : i32
        %broadcast_in_dim3A_1042 = vector.broadcast %broadcast_in_dim3A_1041 : i32 to vector<16x1xi32>
        %gather3A_1043 = vector.shape_cast %broadcast_in_dim3A_1042 : vector<16x1xi32> to vector<16xi32>
        %gather3A_1044 = tpu.dynamic_gather %get3A_257[%gather3A_1043] in [0] : vector<16xf32>, vector<16xi32> -> vector<16xf32>
        %mul3A_1045 = arith.constant 16 : i32
        %mul3A_1046 = arith.muli %scan3A_243, %mul3A_1045 : i32
        %add3A_1047 = arith.constant 14 : i32
        %add3A_1048 = arith.addi %mul3A_1046, %add3A_1047 : i32
        %get3A_1049 = arith.index_cast %add3A_1048 : i32 to index
        %get3A_1050 = arith.constant 0 : index
        %get3A_1051 = tpu.vector_load %arg11[%get3A_1049, %get3A_1050] {strides = array<i32>} : memref<128x128xf32, #tpu.memory_space<vmem>>, vector<1x16xf32>,
        %get3A_1052 = vector.shape_cast %get3A_1051 : vector<1x16xf32> to vector<16xf32>
        %mul3A_1053 = arith.mulf %gather3A_1044, %get3A_1052 : vector<16xf32>
        %add3A_1054 = arith.addf %add3A_998, %mul3A_1053 : vector<16xf32>
        %get3A_1055 = arith.index_cast %add3A_1048 : i32 to index
        %get3A_1056 = arith.constant 16 : index
        %get3A_1057 = tpu.vector_load %arg11[%get3A_1055, %get3A_1056] {strides = array<i32>} : memref<128x128xf32, #tpu.memory_space<vmem>>, vector<1x16xf32>,
        %get3A_1058 = vector.shape_cast %get3A_1057 : vector<1x16xf32> to vector<16xf32>
        %mul3A_1059 = arith.mulf %gather3A_1044, %get3A_1058 : vector<16xf32>
        %add3A_1060 = arith.addf %add3A_1004, %mul3A_1059 : vector<16xf32>
        %get3A_1061 = arith.index_cast %add3A_1048 : i32 to index
        %get3A_1062 = arith.constant 32 : index
        %get3A_1063 = tpu.vector_load %arg11[%get3A_1061, %get3A_1062] {strides = array<i32>} : memref<128x128xf32, #tpu.memory_space<vmem>>, vector<1x16xf32>,
        %get3A_1064 = vector.shape_cast %get3A_1063 : vector<1x16xf32> to vector<16xf32>
        %mul3A_1065 = arith.mulf %gather3A_1044, %get3A_1064 : vector<16xf32>
        %add3A_1066 = arith.addf %add3A_1010, %mul3A_1065 : vector<16xf32>
        %get3A_1067 = arith.index_cast %add3A_1048 : i32 to index
        %get3A_1068 = arith.constant 48 : index
        %get3A_1069 = tpu.vector_load %arg11[%get3A_1067, %get3A_1068] {strides = array<i32>} : memref<128x128xf32, #tpu.memory_space<vmem>>, vector<1x16xf32>,
        %get3A_1070 = vector.shape_cast %get3A_1069 : vector<1x16xf32> to vector<16xf32>
        %mul3A_1071 = arith.mulf %gather3A_1044, %get3A_1070 : vector<16xf32>
        %add3A_1072 = arith.addf %add3A_1016, %mul3A_1071 : vector<16xf32>
        %get3A_1073 = arith.index_cast %add3A_1048 : i32 to index
        %get3A_1074 = arith.constant 64 : index
        %get3A_1075 = tpu.vector_load %arg11[%get3A_1073, %get3A_1074] {strides = array<i32>} : memref<128x128xf32, #tpu.memory_space<vmem>>, vector<1x16xf32>,
        %get3A_1076 = vector.shape_cast %get3A_1075 : vector<1x16xf32> to vector<16xf32>
        %mul3A_1077 = arith.mulf %gather3A_1044, %get3A_1076 : vector<16xf32>
        %add3A_1078 = arith.addf %add3A_1022, %mul3A_1077 : vector<16xf32>
        %get3A_1079 = arith.index_cast %add3A_1048 : i32 to index
        %get3A_1080 = arith.constant 80 : index
        %get3A_1081 = tpu.vector_load %arg11[%get3A_1079, %get3A_1080] {strides = array<i32>} : memref<128x128xf32, #tpu.memory_space<vmem>>, vector<1x16xf32>,
        %get3A_1082 = vector.shape_cast %get3A_1081 : vector<1x16xf32> to vector<16xf32>
        %mul3A_1083 = arith.mulf %gather3A_1044, %get3A_1082 : vector<16xf32>
        %add3A_1084 = arith.addf %add3A_1028, %mul3A_1083 : vector<16xf32>
        %get3A_1085 = arith.index_cast %add3A_1048 : i32 to index
        %get3A_1086 = arith.constant 96 : index
        %get3A_1087 = tpu.vector_load %arg11[%get3A_1085, %get3A_1086] {strides = array<i32>} : memref<128x128xf32, #tpu.memory_space<vmem>>, vector<1x16xf32>,
        %get3A_1088 = vector.shape_cast %get3A_1087 : vector<1x16xf32> to vector<16xf32>
        %mul3A_1089 = arith.mulf %gather3A_1044, %get3A_1088 : vector<16xf32>
        %add3A_1090 = arith.addf %add3A_1034, %mul3A_1089 : vector<16xf32>
        %get3A_1091 = arith.index_cast %add3A_1048 : i32 to index
        %get3A_1092 = arith.constant 112 : index
        %get3A_1093 = tpu.vector_load %arg11[%get3A_1091, %get3A_1092] {strides = array<i32>} : memref<128x128xf32, #tpu.memory_space<vmem>>, vector<1x16xf32>,
        %get3A_1094 = vector.shape_cast %get3A_1093 : vector<1x16xf32> to vector<16xf32>
        %mul3A_1095 = arith.mulf %gather3A_1044, %get3A_1094 : vector<16xf32>
        %add3A_1096 = arith.addf %add3A_1040, %mul3A_1095 : vector<16xf32>
        %broadcast_in_dim3A_1097 = arith.constant 15 : i32
        %broadcast_in_dim3A_1098 = vector.broadcast %broadcast_in_dim3A_1097 : i32 to vector<16x1xi32>
        %gather3A_1099 = vector.shape_cast %broadcast_in_dim3A_1098 : vector<16x1xi32> to vector<16xi32>
        %gather3A_1100 = tpu.dynamic_gather %get3A_257[%gather3A_1099] in [0] : vector<16xf32>, vector<16xi32> -> vector<16xf32>
        %mul3A_1101 = arith.constant 16 : i32
        %mul3A_1102 = arith.muli %scan3A_243, %mul3A_1101 : i32
        %add3A_1103 = arith.constant 15 : i32
        %add3A_1104 = arith.addi %mul3A_1102, %add3A_1103 : i32
        %get3A_1105 = arith.index_cast %add3A_1104 : i32 to index
        %get3A_1106 = arith.constant 0 : index
        %get3A_1107 = tpu.vector_load %arg11[%get3A_1105, %get3A_1106] {strides = array<i32>} : memref<128x128xf32, #tpu.memory_space<vmem>>, vector<1x16xf32>,
        %get3A_1108 = vector.shape_cast %get3A_1107 : vector<1x16xf32> to vector<16xf32>
        %mul3A_1109 = arith.mulf %gather3A_1100, %get3A_1108 : vector<16xf32>
        %add3A_1110 = arith.addf %add3A_1054, %mul3A_1109 : vector<16xf32>
        %get3A_1111 = arith.index_cast %add3A_1104 : i32 to index
        %get3A_1112 = arith.constant 16 : index
        %get3A_1113 = tpu.vector_load %arg11[%get3A_1111, %get3A_1112] {strides = array<i32>} : memref<128x128xf32, #tpu.memory_space<vmem>>, vector<1x16xf32>,
        %get3A_1114 = vector.shape_cast %get3A_1113 : vector<1x16xf32> to vector<16xf32>
        %mul3A_1115 = arith.mulf %gather3A_1100, %get3A_1114 : vector<16xf32>
        %add3A_1116 = arith.addf %add3A_1060, %mul3A_1115 : vector<16xf32>
        %get3A_1117 = arith.index_cast %add3A_1104 : i32 to index
        %get3A_1118 = arith.constant 32 : index
        %get3A_1119 = tpu.vector_load %arg11[%get3A_1117, %get3A_1118] {strides = array<i32>} : memref<128x128xf32, #tpu.memory_space<vmem>>, vector<1x16xf32>,
        %get3A_1120 = vector.shape_cast %get3A_1119 : vector<1x16xf32> to vector<16xf32>
        %mul3A_1121 = arith.mulf %gather3A_1100, %get3A_1120 : vector<16xf32>
        %add3A_1122 = arith.addf %add3A_1066, %mul3A_1121 : vector<16xf32>
        %get3A_1123 = arith.index_cast %add3A_1104 : i32 to index
        %get3A_1124 = arith.constant 48 : index
        %get3A_1125 = tpu.vector_load %arg11[%get3A_1123, %get3A_1124] {strides = array<i32>} : memref<128x128xf32, #tpu.memory_space<vmem>>, vector<1x16xf32>,
        %get3A_1126 = vector.shape_cast %get3A_1125 : vector<1x16xf32> to vector<16xf32>
        %mul3A_1127 = arith.mulf %gather3A_1100, %get3A_1126 : vector<16xf32>
        %add3A_1128 = arith.addf %add3A_1072, %mul3A_1127 : vector<16xf32>
        %get3A_1129 = arith.index_cast %add3A_1104 : i32 to index
        %get3A_1130 = arith.constant 64 : index
        %get3A_1131 = tpu.vector_load %arg11[%get3A_1129, %get3A_1130] {strides = array<i32>} : memref<128x128xf32, #tpu.memory_space<vmem>>, vector<1x16xf32>,
        %get3A_1132 = vector.shape_cast %get3A_1131 : vector<1x16xf32> to vector<16xf32>
        %mul3A_1133 = arith.mulf %gather3A_1100, %get3A_1132 : vector<16xf32>
        %add3A_1134 = arith.addf %add3A_1078, %mul3A_1133 : vector<16xf32>
        %get3A_1135 = arith.index_cast %add3A_1104 : i32 to index
        %get3A_1136 = arith.constant 80 : index
        %get3A_1137 = tpu.vector_load %arg11[%get3A_1135, %get3A_1136] {strides = array<i32>} : memref<128x128xf32, #tpu.memory_space<vmem>>, vector<1x16xf32>,
        %get3A_1138 = vector.shape_cast %get3A_1137 : vector<1x16xf32> to vector<16xf32>
        %mul3A_1139 = arith.mulf %gather3A_1100, %get3A_1138 : vector<16xf32>
        %add3A_1140 = arith.addf %add3A_1084, %mul3A_1139 : vector<16xf32>
        %get3A_1141 = arith.index_cast %add3A_1104 : i32 to index
        %get3A_1142 = arith.constant 96 : index
        %get3A_1143 = tpu.vector_load %arg11[%get3A_1141, %get3A_1142] {strides = array<i32>} : memref<128x128xf32, #tpu.memory_space<vmem>>, vector<1x16xf32>,
        %get3A_1144 = vector.shape_cast %get3A_1143 : vector<1x16xf32> to vector<16xf32>
        %mul3A_1145 = arith.mulf %gather3A_1100, %get3A_1144 : vector<16xf32>
        %add3A_1146 = arith.addf %add3A_1090, %mul3A_1145 : vector<16xf32>
        %get3A_1147 = arith.index_cast %add3A_1104 : i32 to index
        %get3A_1148 = arith.constant 112 : index
        %get3A_1149 = tpu.vector_load %arg11[%get3A_1147, %get3A_1148] {strides = array<i32>} : memref<128x128xf32, #tpu.memory_space<vmem>>, vector<1x16xf32>,
        %get3A_1150 = vector.shape_cast %get3A_1149 : vector<1x16xf32> to vector<16xf32>
        %mul3A_1151 = arith.mulf %gather3A_1100, %get3A_1150 : vector<16xf32>
        %add3A_1152 = arith.addf %add3A_1096, %mul3A_1151 : vector<16xf32>
        scf.yield %add3A_1110, %add3A_1116, %add3A_1122, %add3A_1128, %add3A_1134, %add3A_1140, %add3A_1146, %add3A_1152 : vector<16xf32>, vector<16xf32>, vector<16xf32>, vector<16xf32>, vector<16xf32>, vector<16xf32>, vector<16xf32>, vector<16xf32>
      }
      %scan3A_202 = arith.constant 8 : i32
      %swap3A_203 = arith.index_cast %select_n3A_162 : i32 to index
      %swap3A_204 = arith.constant 0 : index
      %swap3A_205 = tpu.vector_load %arg9[%swap3A_203, %swap3A_204] {strides = array<i32>} : memref<32x128xf32, #tpu.memory_space<vmem>>, vector<1x16xf32>,
      %swap3A_206 = vector.shape_cast %swap3A_205 : vector<1x16xf32> to vector<16xf32>
      %swap3A_207 = vector.shape_cast %scan3A_201#0 : vector<16xf32> to vector<1x16xf32>
      tpu.vector_store %arg9[%swap3A_203, %swap3A_204], %swap3A_207 {add = true, strides = array<i32>} : memref<32x128xf32, #tpu.memory_space<vmem>>, vector<1x16xf32>,
      %swap3A_208 = arith.index_cast %select_n3A_162 : i32 to index
      %swap3A_209 = arith.constant 16 : index
      %swap3A_210 = tpu.vector_load %arg9[%swap3A_208, %swap3A_209] {strides = array<i32>} : memref<32x128xf32, #tpu.memory_space<vmem>>, vector<1x16xf32>,
      %swap3A_211 = vector.shape_cast %swap3A_210 : vector<1x16xf32> to vector<16xf32>
      %swap3A_212 = vector.shape_cast %scan3A_201#1 : vector<16xf32> to vector<1x16xf32>
      tpu.vector_store %arg9[%swap3A_208, %swap3A_209], %swap3A_212 {add = true, strides = array<i32>} : memref<32x128xf32, #tpu.memory_space<vmem>>, vector<1x16xf32>,
      %swap3A_213 = arith.index_cast %select_n3A_162 : i32 to index
      %swap3A_214 = arith.constant 32 : index
      %swap3A_215 = tpu.vector_load %arg9[%swap3A_213, %swap3A_214] {strides = array<i32>} : memref<32x128xf32, #tpu.memory_space<vmem>>, vector<1x16xf32>,
      %swap3A_216 = vector.shape_cast %swap3A_215 : vector<1x16xf32> to vector<16xf32>
      %swap3A_217 = vector.shape_cast %scan3A_201#2 : vector<16xf32> to vector<1x16xf32>
      tpu.vector_store %arg9[%swap3A_213, %swap3A_214], %swap3A_217 {add = true, strides = array<i32>} : memref<32x128xf32, #tpu.memory_space<vmem>>, vector<1x16xf32>,
      %swap3A_218 = arith.index_cast %select_n3A_162 : i32 to index
      %swap3A_219 = arith.constant 48 : index
      %swap3A_220 = tpu.vector_load %arg9[%swap3A_218, %swap3A_219] {strides = array<i32>} : memref<32x128xf32, #tpu.memory_space<vmem>>, vector<1x16xf32>,
      %swap3A_221 = vector.shape_cast %swap3A_220 : vector<1x16xf32> to vector<16xf32>
      %swap3A_222 = vector.shape_cast %scan3A_201#3 : vector<16xf32> to vector<1x16xf32>
      tpu.vector_store %arg9[%swap3A_218, %swap3A_219], %swap3A_222 {add = true, strides = array<i32>} : memref<32x128xf32, #tpu.memory_space<vmem>>, vector<1x16xf32>,
      %swap3A_223 = arith.index_cast %select_n3A_162 : i32 to index
      %swap3A_224 = arith.constant 64 : index
      %swap3A_225 = tpu.vector_load %arg9[%swap3A_223, %swap3A_224] {strides = array<i32>} : memref<32x128xf32, #tpu.memory_space<vmem>>, vector<1x16xf32>,
      %swap3A_226 = vector.shape_cast %swap3A_225 : vector<1x16xf32> to vector<16xf32>
      %swap3A_227 = vector.shape_cast %scan3A_201#4 : vector<16xf32> to vector<1x16xf32>
      tpu.vector_store %arg9[%swap3A_223, %swap3A_224], %swap3A_227 {add = true, strides = array<i32>} : memref<32x128xf32, #tpu.memory_space<vmem>>, vector<1x16xf32>,
      %swap3A_228 = arith.index_cast %select_n3A_162 : i32 to index
      %swap3A_229 = arith.constant 80 : index
      %swap3A_230 = tpu.vector_load %arg9[%swap3A_228, %swap3A_229] {strides = array<i32>} : memref<32x128xf32, #tpu.memory_space<vmem>>, vector<1x16xf32>,
      %swap3A_231 = vector.shape_cast %swap3A_230 : vector<1x16xf32> to vector<16xf32>
      %swap3A_232 = vector.shape_cast %scan3A_201#5 : vector<16xf32> to vector<1x16xf32>
      tpu.vector_store %arg9[%swap3A_228, %swap3A_229], %swap3A_232 {add = true, strides = array<i32>} : memref<32x128xf32, #tpu.memory_space<vmem>>, vector<1x16xf32>,
      %swap3A_233 = arith.index_cast %select_n3A_162 : i32 to index
      %swap3A_234 = arith.constant 96 : index
      %swap3A_235 = tpu.vector_load %arg9[%swap3A_233, %swap3A_234] {strides = array<i32>} : memref<32x128xf32, #tpu.memory_space<vmem>>, vector<1x16xf32>,
      %swap3A_236 = vector.shape_cast %swap3A_235 : vector<1x16xf32> to vector<16xf32>
      %swap3A_237 = vector.shape_cast %scan3A_201#6 : vector<16xf32> to vector<1x16xf32>
      tpu.vector_store %arg9[%swap3A_233, %swap3A_234], %swap3A_237 {add = true, strides = array<i32>} : memref<32x128xf32, #tpu.memory_space<vmem>>, vector<1x16xf32>,
      %swap3A_238 = arith.index_cast %select_n3A_162 : i32 to index
      %swap3A_239 = arith.constant 112 : index
      %swap3A_240 = tpu.vector_load %arg9[%swap3A_238, %swap3A_239] {strides = array<i32>} : memref<32x128xf32, #tpu.memory_space<vmem>>, vector<1x16xf32>,
      %swap3A_241 = vector.shape_cast %swap3A_240 : vector<1x16xf32> to vector<16xf32>
      %swap3A_242 = vector.shape_cast %scan3A_201#7 : vector<16xf32> to vector<1x16xf32>
      tpu.vector_store %arg9[%swap3A_238, %swap3A_239], %swap3A_242 {add = true, strides = array<i32>} : memref<32x128xf32, #tpu.memory_space<vmem>>, vector<1x16xf32>,
    }
    %scan3A_15 = arith.constant 64 : i32
    "tpu.region"() ({
      %run_scoped3A = tpu.sem_alloc : memref<!tpu.dma_semaphore, #tpu.memory_space<semaphore_mem>>
      %dma_start3A_16 = arith.constant 0 : i32
      %dma_start3A_17 = tpu.memref_slice %arg6[%mul3A_2, %dma_start3A_16] : memref<1024x128xf32, #tpu.memory_space<hbm>> -> memref<32x128xf32, #tpu.memory_space<hbm>>
      %dma_start3A_18 = arith.constant 0 : i32
      %dma_start3A_19 = tpu.memref_slice %arg6[%mul3A_2, %dma_start3A_18] : memref<1024x128xf32, #tpu.memory_space<hbm>> -> memref<32x128xf32, #tpu.memory_space<hbm>>
      tpu.enqueue_dma source(%arg9 : memref<32x128xf32, #tpu.memory_space<vmem>>) target(%dma_start3A_19 : memref<32x128xf32, #tpu.memory_space<hbm>>) target_semaphore(%run_scoped3A : memref<!tpu.dma_semaphore, #tpu.memory_space<semaphore_mem>>)
      %dma_wait3A = arith.constant 0 : i32
      %dma_wait3A_20 = tpu.memref_slice %arg6[%mul3A_2, %dma_wait3A] : memref<1024x128xf32, #tpu.memory_space<hbm>> -> memref<32x128xf32, #tpu.memory_space<hbm>>
      %dma_wait3A_21 = arith.constant 0 : i32
      %dma_wait3A_22 = tpu.memref_slice %arg6[%mul3A_2, %dma_wait3A_21] : memref<1024x128xf32, #tpu.memory_space<hbm>> -> memref<32x128xf32, #tpu.memory_space<hbm>>
      tpu.wait_dma2 semaphore(%run_scoped3A : memref<!tpu.dma_semaphore, #tpu.memory_space<semaphore_mem>>) src(%arg9 : memref<32x128xf32, #tpu.memory_space<vmem>>) dst(%dma_wait3A_22 : memref<32x128xf32, #tpu.memory_space<hbm>>)
      tpu.yield
    }) : () -> ()
    return
  }
}

module attributes {stable_mosaic.version = 14 : i64} {
  func.func @_prep_body(%arg0: memref<1024x128xf32, #tpu.memory_space<vmem>>, %arg1: memref<128x128xf32, #tpu.memory_space<vmem>>, %arg2: memref<1024x128xf32, #tpu.memory_space<vmem>>, %arg3: memref<1024x4x128xi32, #tpu.memory_space<vmem>>, %arg4: memref<1024x4x128xf32, #tpu.memory_space<vmem>>) attributes {dimension_semantics = [], scalar_prefetch = 0 : i64, scratch_operands = 0 : i64, tpu.core_type = #tpu.core_type<tc>} {
    %get3A = arith.constant 0 : index
    %get3A_0 = arith.constant 0 : index
    %get3A_1 = vector.load %arg0[%get3A, %get3A_0] : memref<1024x128xf32, #tpu.memory_space<vmem>>, vector<1024x128xf32>
    %add3A = arith.constant 1.000000e+00 : f32
    %add3A_2 = vector.broadcast %add3A : f32 to vector<1024x128xf32>
    %add3A_3 = arith.addf %get3A_1, %add3A_2 : vector<1024x128xf32>
    %mul3A = arith.constant 2.560000e+02 : f32
    %mul3A_4 = vector.broadcast %mul3A : f32 to vector<1024x128xf32>
    %mul3A_5 = arith.mulf %add3A_3, %mul3A_4 : vector<1024x128xf32>
    %floor3A = math.floor %mul3A_5 : vector<1024x128xf32>
    %jit3A = arith.constant 0.000000e+00 : f32
    %jit3A_6 = arith.constant 5.110000e+02 : f32
    %max3A = vector.broadcast %jit3A : f32 to vector<1024x128xf32>
    %max3A_7 = arith.maximumf %max3A, %floor3A : vector<1024x128xf32>
    %min3A = vector.broadcast %jit3A_6 : f32 to vector<1024x128xf32>
    %min3A_8 = arith.minimumf %min3A, %max3A_7 : vector<1024x128xf32>
    %convert_element_type3A = arith.fptosi %min3A_8 : vector<1024x128xf32> to vector<1024x128xi32>
    %add3A_9 = arith.constant 3 : i32
    %add3A_10 = vector.broadcast %add3A_9 : i32 to vector<1024x128xi32>
    %add3A_11 = arith.addi %convert_element_type3A, %add3A_10 : vector<1024x128xi32>
    %broadcast_in_dim3A = arith.constant 1.000000e+00 : f32
    %broadcast_in_dim3A_12 = vector.broadcast %broadcast_in_dim3A : f32 to vector<1024x128xf32>
    %broadcast_in_dim3A_13 = arith.constant 0.000000e+00 : f32
    %broadcast_in_dim3A_14 = vector.broadcast %broadcast_in_dim3A_13 : f32 to vector<1024x128xf32>
    %add3A_15 = arith.constant 0 : i32
    %add3A_16 = vector.broadcast %add3A_15 : i32 to vector<1024x128xi32>
    %add3A_17 = arith.addi %add3A_11, %add3A_16 : vector<1024x128xi32>
    %add3A_18 = arith.constant 1 : i32
    %add3A_19 = vector.broadcast %add3A_18 : i32 to vector<1024x128xi32>
    %add3A_20 = arith.addi %add3A_17, %add3A_19 : vector<1024x128xi32>
    %convert_element_type3A_21 = arith.sitofp %add3A_20 : vector<1024x128xi32> to vector<1024x128xf32>
    %sub3A = arith.constant 2.590000e+02 : f32
    %sub3A_22 = vector.broadcast %sub3A : f32 to vector<1024x128xf32>
    %sub3A_23 = arith.subf %convert_element_type3A_21, %sub3A_22 : vector<1024x128xf32>
    %mul3A_24 = arith.constant 3.906250e-03 : f32
    %mul3A_25 = vector.broadcast %mul3A_24 : f32 to vector<1024x128xf32>
    %mul3A_26 = arith.mulf %sub3A_23, %mul3A_25 : vector<1024x128xf32>
    %jit3A_27 = arith.constant -1.000000e+00 : f32
    %jit3A_28 = arith.constant 1.000000e+00 : f32
    %max3A_29 = vector.broadcast %jit3A_27 : f32 to vector<1024x128xf32>
    %max3A_30 = arith.maximumf %max3A_29, %mul3A_26 : vector<1024x128xf32>
    %min3A_31 = vector.broadcast %jit3A_28 : f32 to vector<1024x128xf32>
    %min3A_32 = arith.minimumf %min3A_31, %max3A_30 : vector<1024x128xf32>
    %sub3A_33 = arith.subf %min3A_32, %get3A_1 : vector<1024x128xf32>
    %add3A_34 = arith.constant 1 : i32
    %add3A_35 = vector.broadcast %add3A_34 : i32 to vector<1024x128xi32>
    %add3A_36 = arith.addi %add3A_11, %add3A_35 : vector<1024x128xi32>
    %sub3A_37 = arith.constant 1 : i32
    %sub3A_38 = vector.broadcast %sub3A_37 : i32 to vector<1024x128xi32>
    %sub3A_39 = arith.subi %add3A_36, %sub3A_38 : vector<1024x128xi32>
    %add3A_40 = arith.constant 0 : i32
    %add3A_41 = vector.broadcast %add3A_40 : i32 to vector<1024x128xi32>
    %add3A_42 = arith.addi %sub3A_39, %add3A_41 : vector<1024x128xi32>
    %convert_element_type3A_43 = arith.sitofp %add3A_42 : vector<1024x128xi32> to vector<1024x128xf32>
    %sub3A_44 = arith.constant 2.590000e+02 : f32
    %sub3A_45 = vector.broadcast %sub3A_44 : f32 to vector<1024x128xf32>
    %sub3A_46 = arith.subf %convert_element_type3A_43, %sub3A_45 : vector<1024x128xf32>
    %mul3A_47 = arith.constant 3.906250e-03 : f32
    %mul3A_48 = vector.broadcast %mul3A_47 : f32 to vector<1024x128xf32>
    %mul3A_49 = arith.mulf %sub3A_46, %mul3A_48 : vector<1024x128xf32>
    %jit3A_50 = arith.constant -1.000000e+00 : f32
    %jit3A_51 = arith.constant 1.000000e+00 : f32
    %max3A_52 = vector.broadcast %jit3A_50 : f32 to vector<1024x128xf32>
    %max3A_53 = arith.maximumf %max3A_52, %mul3A_49 : vector<1024x128xf32>
    %min3A_54 = vector.broadcast %jit3A_51 : f32 to vector<1024x128xf32>
    %min3A_55 = arith.minimumf %min3A_54, %max3A_53 : vector<1024x128xf32>
    %sub3A_56 = arith.subf %get3A_1, %min3A_55 : vector<1024x128xf32>
    %add3A_57 = arith.addf %sub3A_33, %sub3A_56 : vector<1024x128xf32>
    %ne3A = arith.constant 0.000000e+00 : f32
    %ne3A_58 = vector.broadcast %ne3A : f32 to vector<1024x128xf32>
    %ne3A_59 = arith.cmpf one, %add3A_57, %ne3A_58 : vector<1024x128xf32>
    %jit3A_60 = arith.constant 1.000000e+00 : f32
    %broadcast_in_dim3A_61 = vector.broadcast %jit3A_60 : f32 to vector<1024x128xf32>
    %select_n3A = arith.select %ne3A_59, %add3A_57, %broadcast_in_dim3A_61 : vector<1024x128xi1>, vector<1024x128xf32>
    %ne3A_62 = arith.constant 0.000000e+00 : f32
    %ne3A_63 = vector.broadcast %ne3A_62 : f32 to vector<1024x128xf32>
    %ne3A_64 = arith.cmpf one, %add3A_57, %ne3A_63 : vector<1024x128xf32>
    %div3A = arith.divf %broadcast_in_dim3A_12, %select_n3A : vector<1024x128xf32>
    %jit3A_65 = arith.constant 0.000000e+00 : f32
    %broadcast_in_dim3A_66 = vector.broadcast %jit3A_65 : f32 to vector<1024x128xf32>
    %select_n3A_67 = arith.select %ne3A_64, %div3A, %broadcast_in_dim3A_66 : vector<1024x128xi1>, vector<1024x128xf32>
    %mul3A_68 = arith.mulf %sub3A_33, %select_n3A_67 : vector<1024x128xf32>
    %add3A_69 = arith.addf %broadcast_in_dim3A_14, %mul3A_68 : vector<1024x128xf32>
    %mul3A_70 = arith.mulf %sub3A_56, %select_n3A_67 : vector<1024x128xf32>
    %broadcast_in_dim3A_71 = arith.constant 0.000000e+00 : f32
    %broadcast_in_dim3A_72 = vector.broadcast %broadcast_in_dim3A_71 : f32 to vector<1024x128xf32>
    %add3A_73 = arith.constant 0 : i32
    %add3A_74 = vector.broadcast %add3A_73 : i32 to vector<1024x128xi32>
    %add3A_75 = arith.addi %add3A_11, %add3A_74 : vector<1024x128xi32>
    %add3A_76 = arith.constant 1 : i32
    %add3A_77 = vector.broadcast %add3A_76 : i32 to vector<1024x128xi32>
    %add3A_78 = arith.addi %add3A_75, %add3A_77 : vector<1024x128xi32>
    %convert_element_type3A_79 = arith.sitofp %add3A_78 : vector<1024x128xi32> to vector<1024x128xf32>
    %sub3A_80 = arith.constant 2.590000e+02 : f32
    %sub3A_81 = vector.broadcast %sub3A_80 : f32 to vector<1024x128xf32>
    %sub3A_82 = arith.subf %convert_element_type3A_79, %sub3A_81 : vector<1024x128xf32>
    %mul3A_83 = arith.constant 3.906250e-03 : f32
    %mul3A_84 = vector.broadcast %mul3A_83 : f32 to vector<1024x128xf32>
    %mul3A_85 = arith.mulf %sub3A_82, %mul3A_84 : vector<1024x128xf32>
    %jit3A_86 = arith.constant -1.000000e+00 : f32
    %jit3A_87 = arith.constant 1.000000e+00 : f32
    %max3A_88 = vector.broadcast %jit3A_86 : f32 to vector<1024x128xf32>
    %max3A_89 = arith.maximumf %max3A_88, %mul3A_85 : vector<1024x128xf32>
    %min3A_90 = vector.broadcast %jit3A_87 : f32 to vector<1024x128xf32>
    %min3A_91 = arith.minimumf %min3A_90, %max3A_89 : vector<1024x128xf32>
    %sub3A_92 = arith.subf %min3A_91, %get3A_1 : vector<1024x128xf32>
    %add3A_93 = arith.constant 1 : i32
    %add3A_94 = vector.broadcast %add3A_93 : i32 to vector<1024x128xi32>
    %add3A_95 = arith.addi %add3A_11, %add3A_94 : vector<1024x128xi32>
    %sub3A_96 = arith.constant 2 : i32
    %sub3A_97 = vector.broadcast %sub3A_96 : i32 to vector<1024x128xi32>
    %sub3A_98 = arith.subi %add3A_95, %sub3A_97 : vector<1024x128xi32>
    %add3A_99 = arith.constant 0 : i32
    %add3A_100 = vector.broadcast %add3A_99 : i32 to vector<1024x128xi32>
    %add3A_101 = arith.addi %sub3A_98, %add3A_100 : vector<1024x128xi32>
    %convert_element_type3A_102 = arith.sitofp %add3A_101 : vector<1024x128xi32> to vector<1024x128xf32>
    %sub3A_103 = arith.constant 2.590000e+02 : f32
    %sub3A_104 = vector.broadcast %sub3A_103 : f32 to vector<1024x128xf32>
    %sub3A_105 = arith.subf %convert_element_type3A_102, %sub3A_104 : vector<1024x128xf32>
    %mul3A_106 = arith.constant 3.906250e-03 : f32
    %mul3A_107 = vector.broadcast %mul3A_106 : f32 to vector<1024x128xf32>
    %mul3A_108 = arith.mulf %sub3A_105, %mul3A_107 : vector<1024x128xf32>
    %jit3A_109 = arith.constant -1.000000e+00 : f32
    %jit3A_110 = arith.constant 1.000000e+00 : f32
    %max3A_111 = vector.broadcast %jit3A_109 : f32 to vector<1024x128xf32>
    %max3A_112 = arith.maximumf %max3A_111, %mul3A_108 : vector<1024x128xf32>
    %min3A_113 = vector.broadcast %jit3A_110 : f32 to vector<1024x128xf32>
    %min3A_114 = arith.minimumf %min3A_113, %max3A_112 : vector<1024x128xf32>
    %sub3A_115 = arith.subf %get3A_1, %min3A_114 : vector<1024x128xf32>
    %add3A_116 = arith.addf %sub3A_92, %sub3A_115 : vector<1024x128xf32>
    %ne3A_117 = arith.constant 0.000000e+00 : f32
    %ne3A_118 = vector.broadcast %ne3A_117 : f32 to vector<1024x128xf32>
    %ne3A_119 = arith.cmpf one, %add3A_116, %ne3A_118 : vector<1024x128xf32>
    %jit3A_120 = arith.constant 1.000000e+00 : f32
    %broadcast_in_dim3A_121 = vector.broadcast %jit3A_120 : f32 to vector<1024x128xf32>
    %select_n3A_122 = arith.select %ne3A_119, %add3A_116, %broadcast_in_dim3A_121 : vector<1024x128xi1>, vector<1024x128xf32>
    %ne3A_123 = arith.constant 0.000000e+00 : f32
    %ne3A_124 = vector.broadcast %ne3A_123 : f32 to vector<1024x128xf32>
    %ne3A_125 = arith.cmpf one, %add3A_116, %ne3A_124 : vector<1024x128xf32>
    %div3A_126 = arith.divf %add3A_69, %select_n3A_122 : vector<1024x128xf32>
    %jit3A_127 = arith.constant 0.000000e+00 : f32
    %broadcast_in_dim3A_128 = vector.broadcast %jit3A_127 : f32 to vector<1024x128xf32>
    %select_n3A_129 = arith.select %ne3A_125, %div3A_126, %broadcast_in_dim3A_128 : vector<1024x128xi1>, vector<1024x128xf32>
    %mul3A_130 = arith.mulf %sub3A_92, %select_n3A_129 : vector<1024x128xf32>
    %add3A_131 = arith.addf %broadcast_in_dim3A_72, %mul3A_130 : vector<1024x128xf32>
    %mul3A_132 = arith.mulf %sub3A_115, %select_n3A_129 : vector<1024x128xf32>
    %add3A_133 = arith.constant 1 : i32
    %add3A_134 = vector.broadcast %add3A_133 : i32 to vector<1024x128xi32>
    %add3A_135 = arith.addi %add3A_11, %add3A_134 : vector<1024x128xi32>
    %add3A_136 = arith.constant 1 : i32
    %add3A_137 = vector.broadcast %add3A_136 : i32 to vector<1024x128xi32>
    %add3A_138 = arith.addi %add3A_135, %add3A_137 : vector<1024x128xi32>
    %convert_element_type3A_139 = arith.sitofp %add3A_138 : vector<1024x128xi32> to vector<1024x128xf32>
    %sub3A_140 = arith.constant 2.590000e+02 : f32
    %sub3A_141 = vector.broadcast %sub3A_140 : f32 to vector<1024x128xf32>
    %sub3A_142 = arith.subf %convert_element_type3A_139, %sub3A_141 : vector<1024x128xf32>
    %mul3A_143 = arith.constant 3.906250e-03 : f32
    %mul3A_144 = vector.broadcast %mul3A_143 : f32 to vector<1024x128xf32>
    %mul3A_145 = arith.mulf %sub3A_142, %mul3A_144 : vector<1024x128xf32>
    %jit3A_146 = arith.constant -1.000000e+00 : f32
    %jit3A_147 = arith.constant 1.000000e+00 : f32
    %max3A_148 = vector.broadcast %jit3A_146 : f32 to vector<1024x128xf32>
    %max3A_149 = arith.maximumf %max3A_148, %mul3A_145 : vector<1024x128xf32>
    %min3A_150 = vector.broadcast %jit3A_147 : f32 to vector<1024x128xf32>
    %min3A_151 = arith.minimumf %min3A_150, %max3A_149 : vector<1024x128xf32>
    %sub3A_152 = arith.subf %min3A_151, %get3A_1 : vector<1024x128xf32>
    %add3A_153 = arith.constant 1 : i32
    %add3A_154 = vector.broadcast %add3A_153 : i32 to vector<1024x128xi32>
    %add3A_155 = arith.addi %add3A_11, %add3A_154 : vector<1024x128xi32>
    %sub3A_156 = arith.constant 2 : i32
    %sub3A_157 = vector.broadcast %sub3A_156 : i32 to vector<1024x128xi32>
    %sub3A_158 = arith.subi %add3A_155, %sub3A_157 : vector<1024x128xi32>
    %add3A_159 = arith.constant 1 : i32
    %add3A_160 = vector.broadcast %add3A_159 : i32 to vector<1024x128xi32>
    %add3A_161 = arith.addi %sub3A_158, %add3A_160 : vector<1024x128xi32>
    %convert_element_type3A_162 = arith.sitofp %add3A_161 : vector<1024x128xi32> to vector<1024x128xf32>
    %sub3A_163 = arith.constant 2.590000e+02 : f32
    %sub3A_164 = vector.broadcast %sub3A_163 : f32 to vector<1024x128xf32>
    %sub3A_165 = arith.subf %convert_element_type3A_162, %sub3A_164 : vector<1024x128xf32>
    %mul3A_166 = arith.constant 3.906250e-03 : f32
    %mul3A_167 = vector.broadcast %mul3A_166 : f32 to vector<1024x128xf32>
    %mul3A_168 = arith.mulf %sub3A_165, %mul3A_167 : vector<1024x128xf32>
    %jit3A_169 = arith.constant -1.000000e+00 : f32
    %jit3A_170 = arith.constant 1.000000e+00 : f32
    %max3A_171 = vector.broadcast %jit3A_169 : f32 to vector<1024x128xf32>
    %max3A_172 = arith.maximumf %max3A_171, %mul3A_168 : vector<1024x128xf32>
    %min3A_173 = vector.broadcast %jit3A_170 : f32 to vector<1024x128xf32>
    %min3A_174 = arith.minimumf %min3A_173, %max3A_172 : vector<1024x128xf32>
    %sub3A_175 = arith.subf %get3A_1, %min3A_174 : vector<1024x128xf32>
    %add3A_176 = arith.addf %sub3A_152, %sub3A_175 : vector<1024x128xf32>
    %ne3A_177 = arith.constant 0.000000e+00 : f32
    %ne3A_178 = vector.broadcast %ne3A_177 : f32 to vector<1024x128xf32>
    %ne3A_179 = arith.cmpf one, %add3A_176, %ne3A_178 : vector<1024x128xf32>
    %jit3A_180 = arith.constant 1.000000e+00 : f32
    %broadcast_in_dim3A_181 = vector.broadcast %jit3A_180 : f32 to vector<1024x128xf32>
    %select_n3A_182 = arith.select %ne3A_179, %add3A_176, %broadcast_in_dim3A_181 : vector<1024x128xi1>, vector<1024x128xf32>
    %ne3A_183 = arith.constant 0.000000e+00 : f32
    %ne3A_184 = vector.broadcast %ne3A_183 : f32 to vector<1024x128xf32>
    %ne3A_185 = arith.cmpf one, %add3A_176, %ne3A_184 : vector<1024x128xf32>
    %div3A_186 = arith.divf %mul3A_70, %select_n3A_182 : vector<1024x128xf32>
    %jit3A_187 = arith.constant 0.000000e+00 : f32
    %broadcast_in_dim3A_188 = vector.broadcast %jit3A_187 : f32 to vector<1024x128xf32>
    %select_n3A_189 = arith.select %ne3A_185, %div3A_186, %broadcast_in_dim3A_188 : vector<1024x128xi1>, vector<1024x128xf32>
    %mul3A_190 = arith.mulf %sub3A_152, %select_n3A_189 : vector<1024x128xf32>
    %add3A_191 = arith.addf %mul3A_132, %mul3A_190 : vector<1024x128xf32>
    %mul3A_192 = arith.mulf %sub3A_175, %select_n3A_189 : vector<1024x128xf32>
    %broadcast_in_dim3A_193 = arith.constant 0.000000e+00 : f32
    %broadcast_in_dim3A_194 = vector.broadcast %broadcast_in_dim3A_193 : f32 to vector<1024x128xf32>
    %add3A_195 = arith.constant 0 : i32
    %add3A_196 = vector.broadcast %add3A_195 : i32 to vector<1024x128xi32>
    %add3A_197 = arith.addi %add3A_11, %add3A_196 : vector<1024x128xi32>
    %add3A_198 = arith.constant 1 : i32
    %add3A_199 = vector.broadcast %add3A_198 : i32 to vector<1024x128xi32>
    %add3A_200 = arith.addi %add3A_197, %add3A_199 : vector<1024x128xi32>
    %convert_element_type3A_201 = arith.sitofp %add3A_200 : vector<1024x128xi32> to vector<1024x128xf32>
    %sub3A_202 = arith.constant 2.590000e+02 : f32
    %sub3A_203 = vector.broadcast %sub3A_202 : f32 to vector<1024x128xf32>
    %sub3A_204 = arith.subf %convert_element_type3A_201, %sub3A_203 : vector<1024x128xf32>
    %mul3A_205 = arith.constant 3.906250e-03 : f32
    %mul3A_206 = vector.broadcast %mul3A_205 : f32 to vector<1024x128xf32>
    %mul3A_207 = arith.mulf %sub3A_204, %mul3A_206 : vector<1024x128xf32>
    %jit3A_208 = arith.constant -1.000000e+00 : f32
    %jit3A_209 = arith.constant 1.000000e+00 : f32
    %max3A_210 = vector.broadcast %jit3A_208 : f32 to vector<1024x128xf32>
    %max3A_211 = arith.maximumf %max3A_210, %mul3A_207 : vector<1024x128xf32>
    %min3A_212 = vector.broadcast %jit3A_209 : f32 to vector<1024x128xf32>
    %min3A_213 = arith.minimumf %min3A_212, %max3A_211 : vector<1024x128xf32>
    %sub3A_214 = arith.subf %min3A_213, %get3A_1 : vector<1024x128xf32>
    %add3A_215 = arith.constant 1 : i32
    %add3A_216 = vector.broadcast %add3A_215 : i32 to vector<1024x128xi32>
    %add3A_217 = arith.addi %add3A_11, %add3A_216 : vector<1024x128xi32>
    %sub3A_218 = arith.constant 3 : i32
    %sub3A_219 = vector.broadcast %sub3A_218 : i32 to vector<1024x128xi32>
    %sub3A_220 = arith.subi %add3A_217, %sub3A_219 : vector<1024x128xi32>
    %add3A_221 = arith.constant 0 : i32
    %add3A_222 = vector.broadcast %add3A_221 : i32 to vector<1024x128xi32>
    %add3A_223 = arith.addi %sub3A_220, %add3A_222 : vector<1024x128xi32>
    %convert_element_type3A_224 = arith.sitofp %add3A_223 : vector<1024x128xi32> to vector<1024x128xf32>
    %sub3A_225 = arith.constant 2.590000e+02 : f32
    %sub3A_226 = vector.broadcast %sub3A_225 : f32 to vector<1024x128xf32>
    %sub3A_227 = arith.subf %convert_element_type3A_224, %sub3A_226 : vector<1024x128xf32>
    %mul3A_228 = arith.constant 3.906250e-03 : f32
    %mul3A_229 = vector.broadcast %mul3A_228 : f32 to vector<1024x128xf32>
    %mul3A_230 = arith.mulf %sub3A_227, %mul3A_229 : vector<1024x128xf32>
    %jit3A_231 = arith.constant -1.000000e+00 : f32
    %jit3A_232 = arith.constant 1.000000e+00 : f32
    %max3A_233 = vector.broadcast %jit3A_231 : f32 to vector<1024x128xf32>
    %max3A_234 = arith.maximumf %max3A_233, %mul3A_230 : vector<1024x128xf32>
    %min3A_235 = vector.broadcast %jit3A_232 : f32 to vector<1024x128xf32>
    %min3A_236 = arith.minimumf %min3A_235, %max3A_234 : vector<1024x128xf32>
    %sub3A_237 = arith.subf %get3A_1, %min3A_236 : vector<1024x128xf32>
    %add3A_238 = arith.addf %sub3A_214, %sub3A_237 : vector<1024x128xf32>
    %ne3A_239 = arith.constant 0.000000e+00 : f32
    %ne3A_240 = vector.broadcast %ne3A_239 : f32 to vector<1024x128xf32>
    %ne3A_241 = arith.cmpf one, %add3A_238, %ne3A_240 : vector<1024x128xf32>
    %jit3A_242 = arith.constant 1.000000e+00 : f32
    %broadcast_in_dim3A_243 = vector.broadcast %jit3A_242 : f32 to vector<1024x128xf32>
    %select_n3A_244 = arith.select %ne3A_241, %add3A_238, %broadcast_in_dim3A_243 : vector<1024x128xi1>, vector<1024x128xf32>
    %ne3A_245 = arith.constant 0.000000e+00 : f32
    %ne3A_246 = vector.broadcast %ne3A_245 : f32 to vector<1024x128xf32>
    %ne3A_247 = arith.cmpf one, %add3A_238, %ne3A_246 : vector<1024x128xf32>
    %div3A_248 = arith.divf %add3A_131, %select_n3A_244 : vector<1024x128xf32>
    %jit3A_249 = arith.constant 0.000000e+00 : f32
    %broadcast_in_dim3A_250 = vector.broadcast %jit3A_249 : f32 to vector<1024x128xf32>
    %select_n3A_251 = arith.select %ne3A_247, %div3A_248, %broadcast_in_dim3A_250 : vector<1024x128xi1>, vector<1024x128xf32>
    %mul3A_252 = arith.mulf %sub3A_214, %select_n3A_251 : vector<1024x128xf32>
    %add3A_253 = arith.addf %broadcast_in_dim3A_194, %mul3A_252 : vector<1024x128xf32>
    %mul3A_254 = arith.mulf %sub3A_237, %select_n3A_251 : vector<1024x128xf32>
    %add3A_255 = arith.constant 1 : i32
    %add3A_256 = vector.broadcast %add3A_255 : i32 to vector<1024x128xi32>
    %add3A_257 = arith.addi %add3A_11, %add3A_256 : vector<1024x128xi32>
    %add3A_258 = arith.constant 1 : i32
    %add3A_259 = vector.broadcast %add3A_258 : i32 to vector<1024x128xi32>
    %add3A_260 = arith.addi %add3A_257, %add3A_259 : vector<1024x128xi32>
    %convert_element_type3A_261 = arith.sitofp %add3A_260 : vector<1024x128xi32> to vector<1024x128xf32>
    %sub3A_262 = arith.constant 2.590000e+02 : f32
    %sub3A_263 = vector.broadcast %sub3A_262 : f32 to vector<1024x128xf32>
    %sub3A_264 = arith.subf %convert_element_type3A_261, %sub3A_263 : vector<1024x128xf32>
    %mul3A_265 = arith.constant 3.906250e-03 : f32
    %mul3A_266 = vector.broadcast %mul3A_265 : f32 to vector<1024x128xf32>
    %mul3A_267 = arith.mulf %sub3A_264, %mul3A_266 : vector<1024x128xf32>
    %jit3A_268 = arith.constant -1.000000e+00 : f32
    %jit3A_269 = arith.constant 1.000000e+00 : f32
    %max3A_270 = vector.broadcast %jit3A_268 : f32 to vector<1024x128xf32>
    %max3A_271 = arith.maximumf %max3A_270, %mul3A_267 : vector<1024x128xf32>
    %min3A_272 = vector.broadcast %jit3A_269 : f32 to vector<1024x128xf32>
    %min3A_273 = arith.minimumf %min3A_272, %max3A_271 : vector<1024x128xf32>
    %sub3A_274 = arith.subf %min3A_273, %get3A_1 : vector<1024x128xf32>
    %add3A_275 = arith.constant 1 : i32
    %add3A_276 = vector.broadcast %add3A_275 : i32 to vector<1024x128xi32>
    %add3A_277 = arith.addi %add3A_11, %add3A_276 : vector<1024x128xi32>
    %sub3A_278 = arith.constant 3 : i32
    %sub3A_279 = vector.broadcast %sub3A_278 : i32 to vector<1024x128xi32>
    %sub3A_280 = arith.subi %add3A_277, %sub3A_279 : vector<1024x128xi32>
    %add3A_281 = arith.constant 1 : i32
    %add3A_282 = vector.broadcast %add3A_281 : i32 to vector<1024x128xi32>
    %add3A_283 = arith.addi %sub3A_280, %add3A_282 : vector<1024x128xi32>
    %convert_element_type3A_284 = arith.sitofp %add3A_283 : vector<1024x128xi32> to vector<1024x128xf32>
    %sub3A_285 = arith.constant 2.590000e+02 : f32
    %sub3A_286 = vector.broadcast %sub3A_285 : f32 to vector<1024x128xf32>
    %sub3A_287 = arith.subf %convert_element_type3A_284, %sub3A_286 : vector<1024x128xf32>
    %mul3A_288 = arith.constant 3.906250e-03 : f32
    %mul3A_289 = vector.broadcast %mul3A_288 : f32 to vector<1024x128xf32>
    %mul3A_290 = arith.mulf %sub3A_287, %mul3A_289 : vector<1024x128xf32>
    %jit3A_291 = arith.constant -1.000000e+00 : f32
    %jit3A_292 = arith.constant 1.000000e+00 : f32
    %max3A_293 = vector.broadcast %jit3A_291 : f32 to vector<1024x128xf32>
    %max3A_294 = arith.maximumf %max3A_293, %mul3A_290 : vector<1024x128xf32>
    %min3A_295 = vector.broadcast %jit3A_292 : f32 to vector<1024x128xf32>
    %min3A_296 = arith.minimumf %min3A_295, %max3A_294 : vector<1024x128xf32>
    %sub3A_297 = arith.subf %get3A_1, %min3A_296 : vector<1024x128xf32>
    %add3A_298 = arith.addf %sub3A_274, %sub3A_297 : vector<1024x128xf32>
    %ne3A_299 = arith.constant 0.000000e+00 : f32
    %ne3A_300 = vector.broadcast %ne3A_299 : f32 to vector<1024x128xf32>
    %ne3A_301 = arith.cmpf one, %add3A_298, %ne3A_300 : vector<1024x128xf32>
    %jit3A_302 = arith.constant 1.000000e+00 : f32
    %broadcast_in_dim3A_303 = vector.broadcast %jit3A_302 : f32 to vector<1024x128xf32>
    %select_n3A_304 = arith.select %ne3A_301, %add3A_298, %broadcast_in_dim3A_303 : vector<1024x128xi1>, vector<1024x128xf32>
    %ne3A_305 = arith.constant 0.000000e+00 : f32
    %ne3A_306 = vector.broadcast %ne3A_305 : f32 to vector<1024x128xf32>
    %ne3A_307 = arith.cmpf one, %add3A_298, %ne3A_306 : vector<1024x128xf32>
    %div3A_308 = arith.divf %add3A_191, %select_n3A_304 : vector<1024x128xf32>
    %jit3A_309 = arith.constant 0.000000e+00 : f32
    %broadcast_in_dim3A_310 = vector.broadcast %jit3A_309 : f32 to vector<1024x128xf32>
    %select_n3A_311 = arith.select %ne3A_307, %div3A_308, %broadcast_in_dim3A_310 : vector<1024x128xi1>, vector<1024x128xf32>
    %mul3A_312 = arith.mulf %sub3A_274, %select_n3A_311 : vector<1024x128xf32>
    %add3A_313 = arith.addf %mul3A_254, %mul3A_312 : vector<1024x128xf32>
    %mul3A_314 = arith.mulf %sub3A_297, %select_n3A_311 : vector<1024x128xf32>
    %add3A_315 = arith.constant 2 : i32
    %add3A_316 = vector.broadcast %add3A_315 : i32 to vector<1024x128xi32>
    %add3A_317 = arith.addi %add3A_11, %add3A_316 : vector<1024x128xi32>
    %add3A_318 = arith.constant 1 : i32
    %add3A_319 = vector.broadcast %add3A_318 : i32 to vector<1024x128xi32>
    %add3A_320 = arith.addi %add3A_317, %add3A_319 : vector<1024x128xi32>
    %convert_element_type3A_321 = arith.sitofp %add3A_320 : vector<1024x128xi32> to vector<1024x128xf32>
    %sub3A_322 = arith.constant 2.590000e+02 : f32
    %sub3A_323 = vector.broadcast %sub3A_322 : f32 to vector<1024x128xf32>
    %sub3A_324 = arith.subf %convert_element_type3A_321, %sub3A_323 : vector<1024x128xf32>
    %mul3A_325 = arith.constant 3.906250e-03 : f32
    %mul3A_326 = vector.broadcast %mul3A_325 : f32 to vector<1024x128xf32>
    %mul3A_327 = arith.mulf %sub3A_324, %mul3A_326 : vector<1024x128xf32>
    %jit3A_328 = arith.constant -1.000000e+00 : f32
    %jit3A_329 = arith.constant 1.000000e+00 : f32
    %max3A_330 = vector.broadcast %jit3A_328 : f32 to vector<1024x128xf32>
    %max3A_331 = arith.maximumf %max3A_330, %mul3A_327 : vector<1024x128xf32>
    %min3A_332 = vector.broadcast %jit3A_329 : f32 to vector<1024x128xf32>
    %min3A_333 = arith.minimumf %min3A_332, %max3A_331 : vector<1024x128xf32>
    %sub3A_334 = arith.subf %min3A_333, %get3A_1 : vector<1024x128xf32>
    %add3A_335 = arith.constant 1 : i32
    %add3A_336 = vector.broadcast %add3A_335 : i32 to vector<1024x128xi32>
    %add3A_337 = arith.addi %add3A_11, %add3A_336 : vector<1024x128xi32>
    %sub3A_338 = arith.constant 3 : i32
    %sub3A_339 = vector.broadcast %sub3A_338 : i32 to vector<1024x128xi32>
    %sub3A_340 = arith.subi %add3A_337, %sub3A_339 : vector<1024x128xi32>
    %add3A_341 = arith.constant 2 : i32
    %add3A_342 = vector.broadcast %add3A_341 : i32 to vector<1024x128xi32>
    %add3A_343 = arith.addi %sub3A_340, %add3A_342 : vector<1024x128xi32>
    %convert_element_type3A_344 = arith.sitofp %add3A_343 : vector<1024x128xi32> to vector<1024x128xf32>
    %sub3A_345 = arith.constant 2.590000e+02 : f32
    %sub3A_346 = vector.broadcast %sub3A_345 : f32 to vector<1024x128xf32>
    %sub3A_347 = arith.subf %convert_element_type3A_344, %sub3A_346 : vector<1024x128xf32>
    %mul3A_348 = arith.constant 3.906250e-03 : f32
    %mul3A_349 = vector.broadcast %mul3A_348 : f32 to vector<1024x128xf32>
    %mul3A_350 = arith.mulf %sub3A_347, %mul3A_349 : vector<1024x128xf32>
    %jit3A_351 = arith.constant -1.000000e+00 : f32
    %jit3A_352 = arith.constant 1.000000e+00 : f32
    %max3A_353 = vector.broadcast %jit3A_351 : f32 to vector<1024x128xf32>
    %max3A_354 = arith.maximumf %max3A_353, %mul3A_350 : vector<1024x128xf32>
    %min3A_355 = vector.broadcast %jit3A_352 : f32 to vector<1024x128xf32>
    %min3A_356 = arith.minimumf %min3A_355, %max3A_354 : vector<1024x128xf32>
    %sub3A_357 = arith.subf %get3A_1, %min3A_356 : vector<1024x128xf32>
    %add3A_358 = arith.addf %sub3A_334, %sub3A_357 : vector<1024x128xf32>
    %ne3A_359 = arith.constant 0.000000e+00 : f32
    %ne3A_360 = vector.broadcast %ne3A_359 : f32 to vector<1024x128xf32>
    %ne3A_361 = arith.cmpf one, %add3A_358, %ne3A_360 : vector<1024x128xf32>
    %jit3A_362 = arith.constant 1.000000e+00 : f32
    %broadcast_in_dim3A_363 = vector.broadcast %jit3A_362 : f32 to vector<1024x128xf32>
    %select_n3A_364 = arith.select %ne3A_361, %add3A_358, %broadcast_in_dim3A_363 : vector<1024x128xi1>, vector<1024x128xf32>
    %ne3A_365 = arith.constant 0.000000e+00 : f32
    %ne3A_366 = vector.broadcast %ne3A_365 : f32 to vector<1024x128xf32>
    %ne3A_367 = arith.cmpf one, %add3A_358, %ne3A_366 : vector<1024x128xf32>
    %div3A_368 = arith.divf %mul3A_192, %select_n3A_364 : vector<1024x128xf32>
    %jit3A_369 = arith.constant 0.000000e+00 : f32
    %broadcast_in_dim3A_370 = vector.broadcast %jit3A_369 : f32 to vector<1024x128xf32>
    %select_n3A_371 = arith.select %ne3A_367, %div3A_368, %broadcast_in_dim3A_370 : vector<1024x128xi1>, vector<1024x128xf32>
    %mul3A_372 = arith.mulf %sub3A_334, %select_n3A_371 : vector<1024x128xf32>
    %add3A_373 = arith.addf %mul3A_314, %mul3A_372 : vector<1024x128xf32>
    %mul3A_374 = arith.mulf %sub3A_357, %select_n3A_371 : vector<1024x128xf32>
    %neg3A = arith.constant 0.000000e+00 : f32
    %neg3A_375 = vector.broadcast %neg3A : f32 to vector<1024x128xf32>
    %neg3A_376 = arith.subf %neg3A_375, %get3A_1 : vector<1024x128xf32>
    %exp3A = math.exp %neg3A_376 : vector<1024x128xf32>
    %add3A_377 = arith.constant 1.000000e+00 : f32
    %add3A_378 = vector.broadcast %add3A_377 : f32 to vector<1024x128xf32>
    %add3A_379 = arith.addf %add3A_378, %exp3A : vector<1024x128xf32>
    %div3A_380 = arith.constant 1.000000e+00 : f32
    %div3A_381 = vector.broadcast %div3A_380 : f32 to vector<1024x128xf32>
    %div3A_382 = arith.divf %div3A_381, %add3A_379 : vector<1024x128xf32>
    %mul3A_383 = arith.mulf %get3A_1, %div3A_382 : vector<1024x128xf32>
    %get3A_384 = arith.constant 0 : index
    %get3A_385 = arith.constant 0 : index
    %get3A_386 = vector.load %arg1[%get3A_384, %get3A_385] : memref<128x128xf32, #tpu.memory_space<vmem>>, vector<128x128xf32>
    %dot_general3A = arith.constant dense<0.000000e+00> : vector<1024x128xf32>
    %dot_general3A_387 = tpu.matmul %mul3A_383, %get3A_386, %dot_general3A {dimension_numbers = #tpu.dot_dimension_numbers<[1], [0], [0], [1], [0, 0, 1, 1], [], []>, transpose_lhs_hint = false} : vector<1024x128xf32>, vector<128x128xf32>, vector<1024x128xf32> -> vector<1024x128xf32>
    %swap3A = arith.constant 0 : index
    %swap3A_388 = arith.constant 0 : index
    %swap3A_389 = vector.load %arg2[%swap3A, %swap3A_388] : memref<1024x128xf32, #tpu.memory_space<vmem>>, vector<1024x128xf32>
    tpu.vector_store %arg2[%swap3A, %swap3A_388], %dot_general3A_387 {strides = array<i32>} : memref<1024x128xf32, #tpu.memory_space<vmem>>, vector<1024x128xf32>,
    %iota3A = tpu.iota {dimensions = array<i32: 1>} : vector<1024x128xi32>
    %sub3A_390 = arith.constant 3 : i32
    %sub3A_391 = vector.broadcast %sub3A_390 : i32 to vector<1024x128xi32>
    %sub3A_392 = arith.subi %add3A_11, %sub3A_391 : vector<1024x128xi32>
    %add3A_393 = arith.constant 0 : i32
    %add3A_394 = vector.broadcast %add3A_393 : i32 to vector<1024x128xi32>
    %add3A_395 = arith.addi %sub3A_392, %add3A_394 : vector<1024x128xi32>
    %mul3A_396 = arith.constant 128 : i32
    %mul3A_397 = vector.broadcast %mul3A_396 : i32 to vector<1024x128xi32>
    %mul3A_398 = arith.muli %add3A_395, %mul3A_397 : vector<1024x128xi32>
    %add3A_399 = arith.addi %mul3A_398, %iota3A : vector<1024x128xi32>
    %swap3A_400 = arith.constant 0 : index
    %swap3A_401 = arith.constant 0 : index
    %swap3A_402 = arith.constant 0 : index
    %swap3A_403 = vector.load %arg3[%swap3A_400, %swap3A_401, %swap3A_402] : memref<1024x4x128xi32, #tpu.memory_space<vmem>>, vector<1024x1x128xi32>
    %swap3A_404 = vector.shape_cast %swap3A_403 : vector<1024x1x128xi32> to vector<1024x128xi32>
    %swap3A_405 = vector.shape_cast %add3A_399 : vector<1024x128xi32> to vector<1024x1x128xi32>
    tpu.vector_store %arg3[%swap3A_400, %swap3A_401, %swap3A_402], %swap3A_405 {strides = array<i32>} : memref<1024x4x128xi32, #tpu.memory_space<vmem>>, vector<1024x1x128xi32>,
    %swap3A_406 = arith.constant 0 : index
    %swap3A_407 = arith.constant 0 : index
    %swap3A_408 = arith.constant 0 : index
    %swap3A_409 = vector.load %arg4[%swap3A_406, %swap3A_407, %swap3A_408] : memref<1024x4x128xf32, #tpu.memory_space<vmem>>, vector<1024x1x128xf32>
    %swap3A_410 = vector.shape_cast %swap3A_409 : vector<1024x1x128xf32> to vector<1024x128xf32>
    %swap3A_411 = vector.shape_cast %add3A_253 : vector<1024x128xf32> to vector<1024x1x128xf32>
    tpu.vector_store %arg4[%swap3A_406, %swap3A_407, %swap3A_408], %swap3A_411 {strides = array<i32>} : memref<1024x4x128xf32, #tpu.memory_space<vmem>>, vector<1024x1x128xf32>,
    %sub3A_412 = arith.constant 3 : i32
    %sub3A_413 = vector.broadcast %sub3A_412 : i32 to vector<1024x128xi32>
    %sub3A_414 = arith.subi %add3A_11, %sub3A_413 : vector<1024x128xi32>
    %add3A_415 = arith.constant 1 : i32
    %add3A_416 = vector.broadcast %add3A_415 : i32 to vector<1024x128xi32>
    %add3A_417 = arith.addi %sub3A_414, %add3A_416 : vector<1024x128xi32>
    %mul3A_418 = arith.constant 128 : i32
    %mul3A_419 = vector.broadcast %mul3A_418 : i32 to vector<1024x128xi32>
    %mul3A_420 = arith.muli %add3A_417, %mul3A_419 : vector<1024x128xi32>
    %add3A_421 = arith.addi %mul3A_420, %iota3A : vector<1024x128xi32>
    %swap3A_422 = arith.constant 0 : index
    %swap3A_423 = arith.constant 1 : index
    %swap3A_424 = arith.constant 0 : index
    %swap3A_425 = vector.load %arg3[%swap3A_422, %swap3A_423, %swap3A_424] : memref<1024x4x128xi32, #tpu.memory_space<vmem>>, vector<1024x1x128xi32>
    %swap3A_426 = vector.shape_cast %swap3A_425 : vector<1024x1x128xi32> to vector<1024x128xi32>
    %swap3A_427 = vector.shape_cast %add3A_421 : vector<1024x128xi32> to vector<1024x1x128xi32>
    tpu.vector_store %arg3[%swap3A_422, %swap3A_423, %swap3A_424], %swap3A_427 {strides = array<i32>} : memref<1024x4x128xi32, #tpu.memory_space<vmem>>, vector<1024x1x128xi32>,
    %swap3A_428 = arith.constant 0 : index
    %swap3A_429 = arith.constant 1 : index
    %swap3A_430 = arith.constant 0 : index
    %swap3A_431 = vector.load %arg4[%swap3A_428, %swap3A_429, %swap3A_430] : memref<1024x4x128xf32, #tpu.memory_space<vmem>>, vector<1024x1x128xf32>
    %swap3A_432 = vector.shape_cast %swap3A_431 : vector<1024x1x128xf32> to vector<1024x128xf32>
    %swap3A_433 = vector.shape_cast %add3A_313 : vector<1024x128xf32> to vector<1024x1x128xf32>
    tpu.vector_store %arg4[%swap3A_428, %swap3A_429, %swap3A_430], %swap3A_433 {strides = array<i32>} : memref<1024x4x128xf32, #tpu.memory_space<vmem>>, vector<1024x1x128xf32>,
    %sub3A_434 = arith.constant 3 : i32
    %sub3A_435 = vector.broadcast %sub3A_434 : i32 to vector<1024x128xi32>
    %sub3A_436 = arith.subi %add3A_11, %sub3A_435 : vector<1024x128xi32>
    %add3A_437 = arith.constant 2 : i32
    %add3A_438 = vector.broadcast %add3A_437 : i32 to vector<1024x128xi32>
    %add3A_439 = arith.addi %sub3A_436, %add3A_438 : vector<1024x128xi32>
    %mul3A_440 = arith.constant 128 : i32
    %mul3A_441 = vector.broadcast %mul3A_440 : i32 to vector<1024x128xi32>
    %mul3A_442 = arith.muli %add3A_439, %mul3A_441 : vector<1024x128xi32>
    %add3A_443 = arith.addi %mul3A_442, %iota3A : vector<1024x128xi32>
    %swap3A_444 = arith.constant 0 : index
    %swap3A_445 = arith.constant 2 : index
    %swap3A_446 = arith.constant 0 : index
    %swap3A_447 = vector.load %arg3[%swap3A_444, %swap3A_445, %swap3A_446] : memref<1024x4x128xi32, #tpu.memory_space<vmem>>, vector<1024x1x128xi32>
    %swap3A_448 = vector.shape_cast %swap3A_447 : vector<1024x1x128xi32> to vector<1024x128xi32>
    %swap3A_449 = vector.shape_cast %add3A_443 : vector<1024x128xi32> to vector<1024x1x128xi32>
    tpu.vector_store %arg3[%swap3A_444, %swap3A_445, %swap3A_446], %swap3A_449 {strides = array<i32>} : memref<1024x4x128xi32, #tpu.memory_space<vmem>>, vector<1024x1x128xi32>,
    %swap3A_450 = arith.constant 0 : index
    %swap3A_451 = arith.constant 2 : index
    %swap3A_452 = arith.constant 0 : index
    %swap3A_453 = vector.load %arg4[%swap3A_450, %swap3A_451, %swap3A_452] : memref<1024x4x128xf32, #tpu.memory_space<vmem>>, vector<1024x1x128xf32>
    %swap3A_454 = vector.shape_cast %swap3A_453 : vector<1024x1x128xf32> to vector<1024x128xf32>
    %swap3A_455 = vector.shape_cast %add3A_373 : vector<1024x128xf32> to vector<1024x1x128xf32>
    tpu.vector_store %arg4[%swap3A_450, %swap3A_451, %swap3A_452], %swap3A_455 {strides = array<i32>} : memref<1024x4x128xf32, #tpu.memory_space<vmem>>, vector<1024x1x128xf32>,
    %sub3A_456 = arith.constant 3 : i32
    %sub3A_457 = vector.broadcast %sub3A_456 : i32 to vector<1024x128xi32>
    %sub3A_458 = arith.subi %add3A_11, %sub3A_457 : vector<1024x128xi32>
    %add3A_459 = arith.constant 3 : i32
    %add3A_460 = vector.broadcast %add3A_459 : i32 to vector<1024x128xi32>
    %add3A_461 = arith.addi %sub3A_458, %add3A_460 : vector<1024x128xi32>
    %mul3A_462 = arith.constant 128 : i32
    %mul3A_463 = vector.broadcast %mul3A_462 : i32 to vector<1024x128xi32>
    %mul3A_464 = arith.muli %add3A_461, %mul3A_463 : vector<1024x128xi32>
    %add3A_465 = arith.addi %mul3A_464, %iota3A : vector<1024x128xi32>
    %swap3A_466 = arith.constant 0 : index
    %swap3A_467 = arith.constant 3 : index
    %swap3A_468 = arith.constant 0 : index
    %swap3A_469 = vector.load %arg3[%swap3A_466, %swap3A_467, %swap3A_468] : memref<1024x4x128xi32, #tpu.memory_space<vmem>>, vector<1024x1x128xi32>
    %swap3A_470 = vector.shape_cast %swap3A_469 : vector<1024x1x128xi32> to vector<1024x128xi32>
    %swap3A_471 = vector.shape_cast %add3A_465 : vector<1024x128xi32> to vector<1024x1x128xi32>
    tpu.vector_store %arg3[%swap3A_466, %swap3A_467, %swap3A_468], %swap3A_471 {strides = array<i32>} : memref<1024x4x128xi32, #tpu.memory_space<vmem>>, vector<1024x1x128xi32>,
    %swap3A_472 = arith.constant 0 : index
    %swap3A_473 = arith.constant 3 : index
    %swap3A_474 = arith.constant 0 : index
    %swap3A_475 = vector.load %arg4[%swap3A_472, %swap3A_473, %swap3A_474] : memref<1024x4x128xf32, #tpu.memory_space<vmem>>, vector<1024x1x128xf32>
    %swap3A_476 = vector.shape_cast %swap3A_475 : vector<1024x1x128xf32> to vector<1024x128xf32>
    %swap3A_477 = vector.shape_cast %mul3A_374 : vector<1024x128xf32> to vector<1024x1x128xf32>
    tpu.vector_store %arg4[%swap3A_472, %swap3A_473, %swap3A_474], %swap3A_477 {strides = array<i32>} : memref<1024x4x128xf32, #tpu.memory_space<vmem>>, vector<1024x1x128xf32>,
    return
  }
}

</mosaic_0001>

<sc_bundles>
// kernel: kernel.4.cloned.1.call-start
scs
__scs_entry_jumppad:
0x0: {  	(pc) =	sbr.rel $0x88, $3  }
0x1: {  	(tag) =	ssettag $0x0;
	lr =	simm.s32 $0x1  }
0x2: {  	[smem:$0x3F9F] =	sst lr;
	_ =	strace $0xD0000000  }
0x3: {  	_ = 	snop  }
0x4: {  	_ = 	snop  }
0x5: {  	_ = 	snop  }
0x6: {  	_ = 	snop  }
0x7: {  	_ = 	snop  }
__scs_overlays_trampoline_lowered:
0x8: {  	[smem:$0x3FAE] =	sst s0  }
0x9: {  	[smem:$0x3FAF] =	sst s1  }
0xa: {  	[smem:$0x3FB0] =	sst s2  }
0xb: {  	[smem:$0x3FB1] =	sst s3  }
0xc: {  	[smem:$0x3FB2] =	sst s4  }
0xd: {  	[smem:$0x3FB3] =	sst s5  }
0xe: {  	[smem:$0x3FB4] =	sst s6  }
0xf: {  	[smem:$0x3FB5] =	sst s7  }
0x10: {  	[smem:$0x3FB6] =	sst s8  }
0x11: {  	[smem:$0x3FB7] =	sst s9;
	s0 =	simm.s32 @!p0 $0x0  }
0x12: {  	s1 =	sld [smem:$0x3F9D];
	s0 =	simm.s32 @p0 $0x1  }
0x13: {  	[smem:$0x3FB8] =	sst s0;
	s0 =	simm.s32 @!p1 $0x0  }
0x14: {  	s2 =	sld [smem:$0x3F9C];
	s0 =	simm.s32 @p1 $0x1  }
0x15: {  	[smem:$0x3FB9] =	sst s0;
	s0 =	simm.s32 @!p2 $0x0  }
0x16: {  	s3 =	sld [smem:$0x3FDB];
	s0 =	simm.s32 @p2 $0x1  }
0x17: {  	s4 =	simm.s32 $0x1BF5;
	[smem:$0x3FBB] =	sst s0  }
0x18: {  	s0 =	sld [smem:$0x3F9E];
	_ =	swait.ge [sflag:s4], $0x0  }
0x19: {  	s7 =	sld [smem:$0x3F9F]  }
0x1a: {  	s8 =	sadd.s32 $0xFFFFE003, lr  }
0x1b: {  	s9 =	sadd.s32 $0xFFFFFEF7, lr;
	s5 =	simm.s32 $0xFFFFFFFF;
	p2 =	slt.u32 s8, $0xFFFFF086  }
0x1c: {  	p1 =	slt.u32 s9, $0xF7A;
	s5 =	simm.s32 @!p2 $0x0  }
0x1d: {  	s5 =	simm.s32 @p1 $0x1;
	p0 =	seq.s32 s7, s2  }
0x1e: {  	s7 =	smul.u32 @!p0 $0xF7A, s2;
	p2 =	seq.s32 @!p0 s5, $0x0  }
0x1f: {  	s9 =	smul.u32 $0xF7A, s1;
	s8 =	simm.s32 @!p0 $0x1BF5;
	p2 =	por !p2, p0  }
0x20: {  	[sflag:s8] =	ssyncset.s32 @!p0 $0xFFFFF086;
	s6 =	sadd.s32 @!p0 s3, s7;
	s7 =	simm.s32 @!p0 $0x108  }
0x21: {  	s3 =	sadd.s32 s3, s9;
	s6 =	sadd.s32 @!p0 $0x88, s6;
	s7 =	simm.s32 @p2 $0x1082  }
0x22: {  	[simem:s7], [sflag:s8] =	dma.local @!p0 [hbm:s6], $0xF7A  }
0x23: {  	s9 =	sor.u32 $0xD0000000, s2;
	s6 =	simm.s32 $0x108;
	_ =	swait.ge @!p0 [sflag:s8], $0x0  }
0x24: {  	s3 =	sadd.s32 $0x88, s3;
	s6 =	simm.s32 @!p1 $0x1082;
	[sflag:s4] =	ssyncset.s32 $0xFFFFF086  }
0x25: {  	[simem:s6], [sflag:s4] =	dma.local [hbm:s3], $0xF7A  }
0x26: {  	[smem:$0x3F9F] =	sst s1;
	(tag) =	ssettag s2;
	_ =	strace s9  }
0x27: {  	s1 =	sld [smem:$0x3FAF]  }
0x28: {  	s2 =	sld [smem:$0x3FB0]  }
0x29: {  	s4 =	sld [smem:$0x3FB2]  }
0x2a: {  	p0 =	seq.s32 s5, $0x0;
	s5 =	sld [smem:$0x3FB3]  }
0x2b: {  	s6 =	sld [smem:$0x3FB4]  }
0x2c: {  	s7 =	sld [smem:$0x3FB5]  }
0x2d: {  	s3 =	simm.s32 $0x108;
	s8 =	sld [smem:$0x3FB6]  }
0x2e: {  	s3 =	simm.s32 @!p0 $0x1082;
	s9 =	sld [smem:$0x3FB7]  }
0x2f: {  	lr =	sadd.s32 s0, s3;
	s0 =	sld [smem:$0x3FAE]  }
0x30: {  	s3 =	sld [smem:$0x3FB1]  }
0x31: {  	[smem:$0x3FBA] =	sst s10  }
0x32: {  	s10 =	sld [smem:$0x3FB8];
	_ =	sdelay $0x3  }
0x33: {  	p0 =	seq.s32 s10, $0x1;
	s10 =	sld [smem:$0x3FBA];
	_ =	sdelay $0x3  }
0x34: {  	[smem:$0x3FBA] =	sst s10  }
0x35: {  	s10 =	sld [smem:$0x3FB9];
	_ =	sdelay $0x3  }
0x36: {  	p1 =	seq.s32 s10, $0x1;
	s10 =	sld [smem:$0x3FBA];
	_ =	sdelay $0x3  }
0x37: {  	[smem:$0x3FBA] =	sst s10  }
0x38: {  	s10 =	sld [smem:$0x3FBB]  }
0x39: {  	_ = 	snop;
	(pc) =	sbr.ind lr, $3  }
0x3a: {  	_ = 	snop  }
0x3b: {  	_ = 	snop  }
0x3c: {  	p2 =	seq.s32 s10, $0x1;
	s10 =	sld [smem:$0x3FBA]  }
0x3d: {  	_ =	shalt  }
0x3e: {  	_ =	shalt  }
0x3f: {  	_ =	shalt  }
0x40: {  	_ =	shalt  }
0x41: {  	_ =	shalt  }
0x42: {  	_ =	shalt  }
0x43: {  	_ =	shalt  }
0x44: {  	_ =	shalt  }
0x45: {  	_ =	shalt  }
0x46: {  	_ =	shalt  }
0x47: {  	_ =	shalt  }
0x48: {  	_ =	shalt  }
0x49: {  	_ =	shalt  }
0x4a: {  	_ =	shalt  }
0x4b: {  	_ =	shalt  }
0x4c: {  	_ =	shalt  }
0x4d: {  	_ =	shalt  }
0x4e: {  	_ =	shalt  }
0x4f: {  	_ =	shalt  }
0x50: {  	_ =	shalt  }
0x51: {  	_ =	shalt  }
0x52: {  	_ =	shalt  }
0x53: {  	_ =	shalt  }
0x54: {  	_ =	shalt  }
0x55: {  	_ =	shalt  }
0x56: {  	_ =	shalt  }
0x57: {  	_ =	shalt  }
0x58: {  	_ =	shalt  }
0x59: {  	_ =	shalt  }
0x5a: {  	_ =	shalt  }
0x5b: {  	_ =	shalt  }
0x5c: {  	_ =	shalt  }
0x5d: {  	_ =	shalt  }
0x5e: {  	_ =	shalt  }
0x5f: {  	_ =	shalt  }
0x60: {  	_ =	shalt  }
0x61: {  	_ =	shalt  }
0x62: {  	_ =	shalt  }
0x63: {  	_ =	shalt  }
0x64: {  	_ =	shalt  }
0x65: {  	_ =	shalt  }
0x66: {  	_ =	shalt  }
0x67: {  	_ =	shalt  }
0x68: {  	_ =	shalt  }
0x69: {  	_ =	shalt  }
0x6a: {  	_ =	shalt  }
0x6b: {  	_ =	shalt  }
0x6c: {  	_ =	shalt  }
0x6d: {  	_ =	shalt  }
0x6e: {  	_ =	shalt  }
0x6f: {  	_ =	shalt  }
0x70: {  	_ =	shalt  }
0x71: {  	_ =	shalt  }
0x72: {  	_ =	shalt  }
0x73: {  	_ =	shalt  }
0x74: {  	_ =	shalt  }
0x75: {  	_ =	shalt  }
0x76: {  	_ =	shalt  }
0x77: {  	_ =	shalt  }
0x78: {  	_ =	shalt  }
0x79: {  	_ =	shalt  }
0x7a: {  	_ =	shalt  }
0x7b: {  	_ =	shalt  }
0x7c: {  	_ =	shalt  }
0x7d: {  	_ =	shalt  }
0x7e: {  	_ =	shalt  }
0x7f: {  	_ =	shalt  }
0x80: {  	_ =	shalt  }
0x81: {  	_ =	shalt  }
0x82: {  	_ =	shalt  }
0x83: {  	_ =	shalt  }
0x84: {  	_ =	shalt  }
0x85: {  	_ =	shalt  }
0x86: {  	_ =	shalt  }
0x87: {  	_ =	shalt  }
.Lfunc_end0:
.L_simem_size_0:
called_computation_lowered:
.L_overlay_start_0:
0x88: {  	s2 =	sld [smem:$0x3FD9]  }
0x89: {  	s3 =	sld [smem:$0x3FFE];
	_ =	sdelay $0x1  }
0x8a: {  	s1 =	srdreg.scid  }
0x8b: {  	s0 =	sand.u32 $0x1, s1  }
0x8c: {  	s17 =	sshll.u32 s0, $0xA;
	s2 =	sadd.s32 s3, s2  }
0x8d: {  	s2 =	sadd.s32 s2, s17  }
0x8e: {  	[smem:$0x3FC6] =	sst s2  }
0x8f: {  	_ = 	snop  }
0x90: {  	s2 =	sld [smem:$0x3FC8]  }
0x91: {  	s18 =	sld [smem:$0x3FD0];
	(tm) =	ssettm $0x1  }
0x92: {  	s4 =	sld [smem:$0x3FFB];
	_ =	sdelay $0x3  }
0x93: {  	_ =	strace s4  }
0x94: {  	s4 =	sld [smem:$0x3FFC];
	_ =	sdelay $0x3  }
0x95: {  	_ =	strace s4  }
0x96: {  	s4 =	sld [smem:$0x3FFD];
	_ =	sdelay $0x3  }
0x97: {  	_ =	strace s4  }
0x98: {  	_ =	strace $0x8FFFFFFF  }
0x99: {  	s19 =	sld [smem:$0x3FDB];
	_ =	sdelay $0x1  }
0x9a: {  	s5 =	simm.s32 $_scs_section_size  }
0x9b: {  	s6 =	simm.s32 $_size__tile_overlayer_lowered;
	s7 =	simm.s32 $_tile_overlayer_lowered  }
0x9c: {  	s22 =	simm.s32 $0x1BFF;
	s21 =	sshll.u32 s7, $0x1;
	s4 =	sadd.s32 s5, s19  }
0x9d: {  	s8 =	simm.s32 $0x0;
	s20 =	sshll.u32 s6, $0x1;
	s6 =	sadd.s32 s21, s4  }
0x9e: {  	[timem:s8], [sflag:s22] =	dma.local [hbm:s6], s20  }
0x9f: {  	_ =	swait.ge [sflag:s22], s20  }
0xa0: {  	s5 =	ssub.s32 $0x0, s20;
	[sflag:s22] =	ssyncset.done $0x0  }
0xa1: {  	[sflag:s22] =	ssyncadd.s32 s5;
	_ =	sdelay $0x1  }
0xa2: {  	s23 =	simm.s32 $0x1B8B  }
0xa3: {  	_ =	swait.ge [sflag:s23], $0x1  }
0xa4: {  	[sflag:s23] =	ssyncset.done $0x0  }
0xa5: {  	s25 =	simm.s32 $0x1B8E;
	s24 =	sld [smem:$0x3FFE];
	[sflag:s23] =	ssyncadd.s32 $0xFFFFFFFF  }
0xa6: {  	s26 =	simm.s32 $execute0_lowered;
	[smem:$0x3FD2] =	sst s25  }
0xa7: {  	s6 =	sshll.u32 s26, $0x1;
	_ =	strace $0x80000046;
	[dreg:$0x1] =	wrdreg $0xFFFFFFFF  }
0xa8: {  	s28 =	simm.s32 $_size_execute0_lowered;
	s4 =	sadd.s32 s4, s6;
	[dreg:$0x0] =	wrdreg $0x0  }
0xa9: {  	s6 =	sshll.u32 s28, $0x1;
	[dreg:$0x2] =	wrdreg s4  }
0xaa: {  	[dreg:$0x3] =	wrdreg s6  }
0xab: {  	[dreg:$0x4] =	wrdreg $0xC0  }
0xac: {  	_ =	task [dreg:s8], $0x5FFFF  }
0xad: {  	[dreg:$0x1] =	wrdreg $0xFFFFFFFF  }
0xae: {  	[dreg:$0x0] =	wrdreg $0x60  }
0xaf: {  	[dreg:$0x2] =	wrdreg s2  }
0xb0: {  	[dreg:$0x3] =	wrdreg s24  }
0xb1: {  	[dreg:$0x4] =	wrdreg s18  }
0xb2: {  	[dreg:$0x5] =	wrdreg $0x9  }
0xb3: {  	_ =	task.clear_ibuf [dreg:s8], $0x6FFFF;
	_ =	strace $0x90000046  }
0xb4: {  	s29 =	simm.s32 $0x9;
	_ =	strace $0x80000048  }
0xb5: {  	_ =	swait.ge [sflag:s29], $0x1  }
0xb6: {  	[sflag:s29] =	ssyncadd.s32 $0xFFFFFFFF  }
0xb7: {  	_ =	strace $0x90000048  }
0xb8: {  	_ =	sfence  }
0xb9: {  	s30 =	sld [smem:$0x0];
	_ =	sdelay $0x2  }
0xba: {  	s31 =	sshll.u32 s1, $0xD;
	s1 =	sshrl.u32 s1, $0x2  }
0xbb: {  	s3 =	sand.u32 $0x4000, s31;
	s1 =	sadd.s32 s1, s30  }
0xbc: {  	s0 =	sor.u32 s3, s0;
	s1 =	sshll.u32 s1, $0x11  }
0xbd: {  	s0 =	sor.u32 s1, s0  }
0xbe: {  	s0 =	sadd.s32 $0x8F2B, s0  }
0xbf: {  	[sflag:s0] =	ssyncadd.remote.s32 $0x1  }
0xc0: {  	_ =	sfence.sel $0xFFFF  }
0xc1: {  	[dreg:$0x0] =	wrdreg $0xFFFFFFFF;
	(pc) =	sbr.abs _section_cstart, $3  }
0xc2: {  	[dreg:$0x1] =	wrdreg $0xFFFFFFFF  }
0xc3: {  	_ =	task.clear_ibuf [dreg:s8], $0x2FFFF;
	_ =	strace $0x9FFFFFFF  }
0xc4: {  	(tm) =	ssettm $0x7FFFFFFF  }
0xc5: {  	_ =	shalt  }
tec
execute0_lowered:
.L_overlay_start_1:
0x0: {  	(tag) =	ssettag $0x1  }
0x1: {  	s1 =	rddreg [dreg:$0x0]  }
0x2: {  	s4 =	rddreg [dreg:$0x1]  }
0x3: {  	s7 =	rddreg [dreg:$0x2]  }
0x4: {  	s0 =	rddreg [dreg:$0x3];
	s3 =	simm.s32 $0x0;
	s5 =	srdreg.scid  }
0x5: {  	s2 =	stileid.u32;
	s11 =	simm.s32 $0x8000;
	s12 =	simm.s32 $0x80  }
0x6: {  	s13 =	simm.s32 $0x9000;
	s14 =	simm.s32 $0x1;
	s15 =	simm.s32 $0xD000  }
0x7: {  	s16 =	simm.s32 $0x2;
	s5 =	sand.u32 $0x1, s5;
	s6 =	sshll.u32 s2, $0x1  }
0x8: {  	s17 =	simm.s32 $0x0;
	[smem:$0x7FF] =	sst s3;
	s6 =	sor.u32 s5, s6  }
0x9: {  	v0 =	vimm.s32 $0x0;
	v1 =	vimm.s32 $0x1;
	_ =	strace $0x80000047;
	s5 =	ssub.s32 $0x2, s5;
	s8 =	sshll.u32 s6, $0xB  }
0xa: {  	v3 =	vimm.s32 $0x2;
	v4 =	vimm.s32 $0x3;
	v2 =	vimm.s32 $0x4;
	s9 =	sshll.u32 s6, $0x9;
	s31 =	sshrl.u32 s5, $0x1;
	s29 =	sadd.s32 s8, s4  }
0xb: {  	v61 =	vimm.s32 $0x7;
	v25 =	vimm.s32 $0x8;
	v30 =	vimm.s32 $0x9;
	s30 =	sadd.s32 s9, s4;
	s10 =	ssub.s32 s5, s31;
	s7 =	sadd.s32 s7, s9  }
0xc: {  	v21 =	vimm.s32 $0xA;
	v26 =	vimm.s32 $0xB;
	v18 =	vimm.s32 $0xC;
	s9 =	simm.s32 $0x3;
	s4 =	sadd.s32 $0xC00, s29;
	s5 =	sadd.s32 $0x14C00, s29  }
0xd: {  	v24 =	vimm.s32 $0xD;
	v16 =	vimm.s32 $0xE;
	v19 =	vimm.s32 $0xF;
	s6 =	sadd.s32 $0x10C00, s30;
	s8 =	smax.u32 s10, $0x1;
	s10 =	simm.s32 $0x4000  }
.LBB2_1:
0xe: {  	[tilespmem:s3], [sflag:$0x3] =	stream.linear.gather [hbm4b:s4+s3], $0x4000, $0x38;
	[tilespmem:$0x11000] =	vst v63  }
0xf: {  	_ =	swait.ge [sflag:s9], $0x4000  }
0x10: {  	[sflag:s9] =	ssyncset.done $0x0  }
0x11: {  	[sflag:s9] =	ssyncadd.s32 $0xFFFFC000  }
0x12: {  	[tilespmem:s10], [sflag:$0x3] =	stream.linear.gather [hbm4b:s5+s3], $0x4000, $0x38;
	[tilespmem:$0x11000] =	vst v63  }
0x13: {  	_ =	swait.ge [sflag:s9], $0x4000  }
0x14: {  	[sflag:s9] =	ssyncset.done $0x0  }
0x15: {  	[sflag:s9] =	ssyncadd.s32 $0xFFFFC000  }
0x16: {  	[tilespmem:s11], [sflag:$0x3] =	stream.linear.gather [hbm4b:s6+s3], $0x1000, $0x38;
	[tilespmem:$0x11000] =	vst v63  }
0x17: {  	_ =	swait.ge [sflag:s9], $0x1000  }
0x18: {  	p0 =	por $0x0, $0x0;
	[sflag:s9] =	ssyncset.done $0x0  }
0x19: {  	s18 =	simm.s32 $0x0;
	s19 =	simm.s32 $0x0;
	[sflag:s9] =	ssyncadd.s32 $0xFFFFF000  }
0x1a: {  	[tilespmem:s13], [sflag:$0x1] =	stream.indirect.gather [hbm4b:s1+s12], $0x80, s3, s12, $0xb8;
	[tilespmem:$0x11000] =	vst v63  }
.LBB2_2:
0x1b: {  	s20 =	sshll.u32 s19, $0x8  }
0x1c: {  	s21 =	sor.u32 $0x80, s20  }
0x1d: {  	s21 =	sand.u32 $0x3FFFFF80, s21  }
0x1e: {  	[tilespmem:s15], [sflag:$0x2] =	stream.indirect.gather [hbm4b:s1+s12], $0x80, s21, s12, $0xb8;
	[tilespmem:$0x11000] =	vst v63  }
0x1f: {  	_ =	swait.ge [sflag:s14], $0x4000  }
0x20: {  	[sflag:s14] =	ssyncset.done $0x0  }
0x21: {  	s21 =	simm.s32 $0x9400;
	[sflag:s14] =	ssyncadd.s32 $0xFFFFC000  }
0x22: {  	v36 =	vld [tilespmem:s21+$0x380]  }
0x23: {  	v45 =	vld [tilespmem:s21+$0x390]  }
0x24: {  	v46 =	vld [tilespmem:s21+$0x3A0]  }
0x25: {  	v47 =	vld [tilespmem:s21+$0x3B0]  }
0x26: {  	v51 =	vld [tilespmem:s21+$0x3C0]  }
0x27: {  	v52 =	vld [tilespmem:s21+$0x3D0]  }
0x28: {  	v53 =	vld [tilespmem:s21+$0x300]  }
0x29: {  	v55 =	vld [tilespmem:s21+$0x310]  }
0x2a: {  	v56 =	vld [tilespmem:s21+$0x320]  }
0x2b: {  	v57 =	vld [tilespmem:s21+$0x330]  }
0x2c: {  	v58 =	vld [tilespmem:s21+$0x340]  }
0x2d: {  	v33 =	vld [tilespmem:s21+$0x350]  }
0x2e: {  	v6 =	vld [tilespmem:s21+$0x280]  }
0x2f: {  	v7 =	vld [tilespmem:s21+$0x290]  }
0x30: {  	v8 =	vld [tilespmem:s21+$0x2A0]  }
0x31: {  	v9 =	vld [tilespmem:s21+$0x2B0]  }
0x32: {  	v32 =	vld [tilespmem:s21+$0x2C0]  }
0x33: {  	v31 =	vld [tilespmem:s21+$0x2D0]  }
0x34: {  	v10 =	vld [tilespmem:s21+$0x200]  }
0x35: {  	v11 =	vld [tilespmem:s21+$0x210]  }
0x36: {  	v12 =	vld [tilespmem:s21+$0x220]  }
0x37: {  	s23 =	simm.s32 $0x1;
	v14 =	vld [tilespmem:s21+$0x230]  }
0x38: {  	s22 =	sshll.u32 s19, $0xA;
	s23 =	simm.s32 @!p0 $0x0;
	v5 =	vld [tilespmem:s21+$0x100]  }
0x39: {  	s22 =	sand.u32 $0xFFFFC000, s22;
	s23 =	sshll.u32 s23, $0xD;
	v28 =	vld [tilespmem:s21+$0x240]  }
0x3a: {  	s20 =	sand.u32 $0xE00, s20;
	s23 =	sor.u32 s23, s22;
	v37 =	vld [tilespmem:s21+$0x250]  }
0x3b: {  	s23 =	sor.u32 s20, s23;
	v43 =	vld [tilespmem:s21+$0x180]  }
0x3c: {  	s23 =	sshrl.u32 s23, $0x2;
	v42 =	vld [tilespmem:s21+$0x190]  }
0x3d: {  	s23 =	sadd.s32 $0x4000, s23;
	[tilespmem:$0x1FF90] =	vst v5;
	v5 =	vld [tilespmem:s21+$0x110]  }
0x3e: {  	v13 =	vmov s23;
	v15 =	vld [tilespmem:s21+$0x1B0]  }
0x3f: {  	v27 =	vld [tilespmem:s21+$0x1C0]  }
0x40: {  	v22 =	vld [tilespmem:s21+$0x1D0]  }
0x41: {  	v49 =	vld [tilespmem:s21+$0x80]  }
0x42: {  	s29 =	simm.s32 $0x0;
	[tilespmem:$0x1FFA0] =	vst v5;
	v5 =	vld [tilespmem:s21+$0x120]  }
0x43: {  	v38 =	vld.idx.msk [tilespmem:v13+s29+$0x0 ss:$0x1], $0xffff  }
0x44: {  	v48 =	vld [tilespmem:s21+$0x90]  }
0x45: {  	v34 =	vld [tilespmem:s21+$0xFFFFFC80]  }
0x46: {  	v29 =	vld [tilespmem:s21+$0xFFFFFC00]  }
0x47: {  	[tilespmem:$0x1FFB0] =	vst v5;
	v5 =	vld [tilespmem:s21+$0x130]  }
0x48: {  	v35 =	vld [tilespmem:s21+$0xFFFFFC10];
	v17 =	vperm.xlane v38, v16;
	v16 =	vperm.xlane v38, v19  }
0x49: {  	v39 =	vld [tilespmem:s21+$0xFFFFFC90];
	v19 =	vperm.xlane v38, v18;
	v18 =	vperm.xlane v38, v24  }
0x4a: {  	v44 =	vld [tilespmem:s21+$0xFFFFFC20];
	v24 =	vperm.xlane v38, v21;
	v21 =	vperm.xlane v38, v26  }
0x4b: {  	v54 =	vld [tilespmem:s21+$0xFFFFFC30];
	v41 =	vperm.xlane v38, v0;
	v26 =	vperm.xlane v38, v25  }
0x4c: {  	v25 =	vperm.xlane v38, v30;
	v40 =	vperm.xlane v38, v1;
	[tilespmem:$0x1FFC0] =	vst v5;
	v5 =	vld [tilespmem:s21+$0x140]  }
0x4d: {  	v23 =	vld [tilespmem:s21+$0xA0];
	v1 =	vimm.f32 $0.0e+00;
	v0 =	vimm.s32 $0x6;
	v59 =	vmul.f32 v29, v41  }
0x4e: {  	v20 =	vld [tilespmem:s21+$0xB0];
	v30 =	vperm.xlane v38, v0;
	v0 =	vimm.s32 $0x5;
	v35 =	vmul.f32 v35, v41  }
0x4f: {  	v50 =	vld [tilespmem:s21+$0xC0];
	v29 =	vperm.xlane v38, v61;
	v34 =	vmul.f32 v34, v40;
	v59 =	vadd.f32 v59, v1  }
0x50: {  	v60 =	vld [tilespmem:s21+$0xFFFFFCA0];
	v39 =	vmul.f32 v39, v40;
	v44 =	vmul.f32 v44, v41;
	v62 =	vadd.f32 v35, v1  }
0x51: {  	v54 =	vmul.f32 v54, v41;
	v35 =	vperm.xlane v38, v2;
	v59 =	vadd.f32 v34, v59;
	[tilespmem:$0x1FFD0] =	vst v5;
	v5 =	vld [tilespmem:s21+$0x150]  }
0x52: {  	v61 =	vld [tilespmem:s21+$0xFFFFFCB0];
	v62 =	vadd.f32 v39, v62;
	v34 =	vperm.xlane v38, v0;
	v39 =	vperm.xlane v38, v3  }
0x53: {  	v63 =	vld [tilespmem:s21+$0xFFFFFD00];
	v38 =	vperm.xlane v38, v4;
	v4 =	vmul.f32 v36, v16  }
0x54: {  	v2 =	vld [tilespmem:s21+$0xFFFFFD10]  }
0x55: {  	v0 =	vadd.f32 v44, v1;
	v3 =	vld [tilespmem:s21+$0xFFFFFD30];
	v36 =	vadd.f32 v54, v1;
	v1 =	vmul.f32 v45, v16;
	[tilespmem:$0x1FF00] =	vst v4  }
0x56: {  	v60 =	vmul.f32 v60, v40;
	[tilespmem:$0x1FFE0] =	vst v5;
	v5 =	vld [tilespmem:s21+$0xFFFFFD20]  }
0x57: {  	v44 =	vmul.f32 v61, v40;
	v61 =	vld [tilespmem:s21+$0xFFFFFD80];
	v4 =	vimm.f32 $0.0e+00;
	[tilespmem:$0x1FF20] =	vst v1;
	v1 =	vmul.f32 v46, v16  }
0x58: {  	v45 =	vmul.f32 v63, v39;
	v63 =	vld [tilespmem:s21+$0xFFFFFD90];
	[tilespmem:$0x1FF10] =	vst v4  }
0x59: {  	v0 =	vadd.f32 v60, v0;
	v4 =	vld [tilespmem:s21+$0xFFFFFDA0];
	[tilespmem:$0x1FF30] =	vst v1;
	v1 =	vmul.f32 v47, v16  }
0x5a: {  	v60 =	vld [tilespmem:s21+$0xFFFFFDB0];
	v46 =	vmul.f32 v58, v17;
	v36 =	vadd.f32 v44, v36;
	v2 =	vmul.f32 v2, v39  }
0x5b: {  	v44 =	vmul.f32 v51, v16;
	v51 =	vld [tilespmem:s21+$0xFFFFFE00];
	v59 =	vadd.f32 v45, v59;
	[tilespmem:$0x1FF40] =	vst v1;
	v1 =	vmul.f32 v5, v39  }
0x5c: {  	v2 =	vadd.f32 v2, v62;
	v3 =	vmul.f32 v3, v39;
	v62 =	vld [tilespmem:s21+$0xFFFFFE20];
	v5 =	vmul.f32 v53, v17  }
0x5d: {  	v54 =	vmul.f32 v63, v38;
	v63 =	vld [tilespmem:s21+$0xFFFFFE90];
	v0 =	vadd.f32 v1, v0;
	v1 =	vmul.f32 v61, v38  }
0x5e: {  	v4 =	vmul.f32 v4, v38;
	v61 =	vld [tilespmem:s21+$0xFFFFFE10];
	[tilespmem:$0x1FF50] =	vst v5;
	v5 =	vmul.f32 v55, v17  }
0x5f: {  	v3 =	vadd.f32 v3, v36;
	v60 =	vmul.f32 v60, v38;
	v1 =	vadd.f32 v1, v59;
	v59 =	vld [tilespmem:s21+$0xFFFFFE30]  }
0x60: {  	[tilespmem:$0x1FF60] =	vst v5;
	v5 =	vmul.f32 v56, v17;
	v56 =	vld [tilespmem:s21+$0xFFFFFE80];
	v0 =	vadd.f32 v4, v0;
	v4 =	vmul.f32 v57, v17  }
0x61: {  	v45 =	vmul.f32 v52, v16;
	v47 =	vmul.f32 v33, v17;
	v2 =	vadd.f32 v54, v2;
	v54 =	vld [tilespmem:s21+$0xFFFFFEA0]  }
0x62: {  	v52 =	vmul.f32 v32, v18;
	v3 =	vadd.f32 v60, v3;
	v60 =	vld [tilespmem:s21+$0xFFFFFEB0];
	[tilespmem:$0x1FF80] =	vst v4;
	v4 =	vmul.f32 v51, v35  }
0x63: {  	v55 =	vmul.f32 v62, v35;
	v62 =	vld [tilespmem:s21+$0xFFFFFF10];
	v53 =	vmul.f32 v61, v35  }
0x64: {  	[tilespmem:$0x1FF70] =	vst v5;
	v61 =	vld [tilespmem:s21+$0xFFFFFF00];
	v4 =	vadd.f32 v4, v1;
	v1 =	vmul.f32 v6, v18;
	v5 =	vmul.f32 v59, v35  }
0x65: {  	v51 =	vld [tilespmem:s21+$0xFFFFFF20];
	v36 =	vadd.f32 v53, v2;
	v2 =	vmul.f32 v7, v18;
	v6 =	vmul.f32 v56, v34  }
0x66: {  	v0 =	vadd.f32 v55, v0;
	v7 =	vmul.f32 v63, v34;
	v53 =	vmul.f32 v31, v18;
	v31 =	vld [tilespmem:s21+$0xFFFFFF90]  }
0x67: {  	v63 =	vld [tilespmem:s21+$0xFFFFFF30];
	v5 =	vadd.f32 v5, v3;
	v3 =	vmul.f32 v8, v18;
	v8 =	vmul.f32 v54, v34  }
0x68: {  	[tilespmem:$0x1FEF0] =	vst v13;
	v13 =	vld [tilespmem:s21+$0x1A0];
	v58 =	vmul.f32 v60, v34;
	v55 =	vmul.f32 v37, v19;
	v6 =	vadd.f32 v6, v4  }
0x69: {  	v60 =	vld [tilespmem:s21+$0xFFFFFF80];
	v4 =	vmul.f32 v9, v18;
	v0 =	vadd.f32 v8, v0;
	v8 =	vmul.f32 v61, v30  }
0x6a: {  	v7 =	vadd.f32 v7, v36;
	v9 =	vmul.f32 v62, v30;
	v54 =	vmul.f32 v28, v19;
	v61 =	vld [tilespmem:s21+$0xFFFFFFA0]  }
0x6b: {  	v28 =	vmul.f32 v31, v29;
	v31 =	vld [tilespmem:s21+$0x20];
	v62 =	vadd.f32 v8, v6;
	v6 =	vmul.f32 v11, v19  }
0x6c: {  	v32 =	vadd.f32 v58, v5;
	v8 =	vmul.f32 v51, v30;
	v11 =	vmul.f32 v63, v30;
	v63 =	vld [tilespmem:s21+$0x0]  }
0x6d: {  	v5 =	vmul.f32 v10, v19;
	v10 =	vld [tilespmem:s21+$0xFFFFFFB0];
	v9 =	vadd.f32 v9, v7;
	v7 =	vmul.f32 v12, v19  }
0x6e: {  	v33 =	vld [tilespmem:s21+$0x30];
	v12 =	vmul.f32 v60, v29;
	v0 =	vadd.f32 v8, v0;
	v8 =	vmul.f32 v14, v19  }
0x6f: {  	v36 =	vld [tilespmem:s21+$0x10];
	v14 =	vmul.f32 v43, v21;
	v37 =	vmul.f32 v61, v29  }
0x70: {  	v12 =	vadd.f32 v12, v62;
	v43 =	vmul.f32 v22, v21;
	v22 =	vld [tilespmem:$0x1FFA0]  }
0x71: {  	v57 =	vld [tilespmem:s21+$0x50];
	[tilespmem:$0x1FFF0] =	vst v14;
	v14 =	vmul.f32 v31, v26;
	v0 =	vadd.f32 v37, v0;
	v51 =	vmul.f32 v63, v26  }
0x72: {  	v59 =	vld [tilespmem:s21+$0xD0];
	v11 =	vadd.f32 v11, v32;
	v10 =	vmul.f32 v10, v29  }
0x73: {  	v60 =	vld [tilespmem:s21+$0x40];
	v32 =	vadd.f32 v51, v12;
	v0 =	vadd.f32 v14, v0;
	v14 =	vmul.f32 v49, v25  }
0x74: {  	v58 =	vld [tilespmem:s21+$0xFFFFFE50];
	v9 =	vadd.f32 v28, v9;
	v10 =	vadd.f32 v10, v11;
	v11 =	vmul.f32 v13, v21  }
0x75: {  	v13 =	vmul.f32 v36, v26;
	v14 =	vadd.f32 v14, v32;
	v32 =	vmul.f32 v22, v24;
	v22 =	vld [tilespmem:$0x1FFC0]  }
0x76: {  	v28 =	vld [tilespmem:s21+$0xFFFFFF50]  }
0x77: {  	v62 =	vld [tilespmem:s21+$0xFFFFFEC0];
	v12 =	vmul.f32 v15, v21;
	v9 =	vadd.f32 v13, v9;
	v15 =	vmul.f32 v48, v25  }
0x78: {  	v23 =	vmul.f32 v23, v25;
	v61 =	vld [tilespmem:s21+$0xFFFFFFD0]  }
0x79: {  	v9 =	vadd.f32 v15, v9;
	v15 =	vld [tilespmem:$0x1FFB0]  }
0x7a: {  	v13 =	vmul.f32 v33, v26;
	v0 =	vadd.f32 v23, v0;
	v23 =	vmul.f32 v22, v24;
	v22 =	vld [tilespmem:$0x1FFD0]  }
0x7b: {  	v36 =	vld [tilespmem:s21+$0xFFFFFFC0]  }
0x7c: {  	v20 =	vmul.f32 v20, v25;
	v10 =	vadd.f32 v13, v10;
	v13 =	vld [tilespmem:$0x1FF90]  }
0x7d: {  	v31 =	vld [tilespmem:s21+$0xFFFFFF40];
	v37 =	vmul.f32 v42, v21  }
0x7e: {  	v42 =	vmul.f32 v27, v21;
	v20 =	vadd.f32 v20, v10;
	v10 =	vld [tilespmem:$0x1FFE0];
	v15 =	vmul.f32 v15, v24  }
0x7f: {  	v63 =	vld [tilespmem:s21+$0xFFFFFED0];
	v51 =	vmul.f32 v50, v25;
	v49 =	vmul.f32 v22, v24  }
0x80: {  	v22 =	vadd.f32 v32, v9;
	v9 =	vmul.f32 v36, v29;
	v36 =	vadd.f32 v15, v0;
	v0 =	vld [tilespmem:$0x1FFF0]  }
0x81: {  	v50 =	vmul.f32 v59, v25;
	v33 =	vld [tilespmem:s21+$0xFFFFFDC0];
	v13 =	vmul.f32 v13, v24  }
0x82: {  	s30 =	sand.u32 $0x3, s18;
	v56 =	vld [tilespmem:s21+$0xFFFFFE40];
	v59 =	vmul.f32 v60, v26;
	v60 =	vmul.f32 v57, v26;
	v57 =	vimm.f32 $0.0e+00  }
0x83: {  	s23 =	sshll.u32 s30, $0xC;
	v48 =	vmul.f32 v10, v24;
	v27 =	vadd.f32 v13, v14;
	v13 =	vmul.f32 v31, v30;
	v31 =	vld [tilespmem:s21+$0xFFFFFD40]  }
0x84: {  	s22 =	sor.u32 s23, s22;
	v10 =	vmul.f32 v61, v29;
	v61 =	vadd.f32 v23, v20;
	v14 =	vmul.f32 v28, v30;
	v28 =	vld [tilespmem:s21+$0xFFFFFD50]  }
0x85: {  	s20 =	sor.u32 s20, s22;
	v20 =	vmul.f32 v63, v34;
	v63 =	vmul.f32 v58, v35;
	v0 =	vadd.f32 v0, v27;
	v27 =	vld [tilespmem:s21+$0xFFFFFCC0]  }
0x86: {  	s31 =	sshll.u32 s19, $0x6;
	s20 =	sshrl.u32 s20, $0x2;
	v23 =	vmul.f32 v33, v38;
	v33 =	vld [tilespmem:s21+$0xFFFFFCD0];
	v58 =	vimm.f32 $0.0e+00;
	v15 =	vmul.f32 v62, v34  }
0x87: {  	s23 =	simm.s32 $0x40;
	s22 =	sadd.s32 $0x4400, s20;
	s20 =	sand.u32 $0xFFFFFF80, s31;
	v32 =	vld [tilespmem:s21+$0xFFFFFDD0];
	v62 =	vmul.f32 v56, v35;
	v56 =	vimm.f32 $0.0e+00;
	v22 =	vadd.f32 v37, v22  }
.LBB2_3:
0x88: {  	v12 =	vadd.f32 v12, v61;
	_ =	sdelay $0x1  }
0x89: {  	v8 =	vadd.f32 v8, v12;
	v12 =	vmul.f32 v27, v40;
	v27 =	vld [tilespmem:$0x1FF50]  }
0x8a: {  	v0 =	vadd.f32 v5, v0;
	_ =	sdelay $0x1  }
0x8b: {  	v0 =	vadd.f32 v1, v0  }
0x8c: {  	v61 =	vld [tilespmem:s21+$0xFFFFFC50]  }
0x8d: {  	v0 =	vadd.f32 v27, v0;
	v27 =	vld [tilespmem:$0x1FF60]  }
0x8e: {  	v5 =	vadd.f32 v6, v22;
	_ =	sdelay $0x1  }
0x8f: {  	v1 =	vadd.f32 v2, v5;
	_ =	sdelay $0x1  }
0x90: {  	v1 =	vadd.f32 v27, v1;
	v27 =	vmul.f32 v61, v41;
	v61 =	vld [tilespmem:$0x1FF00];
	_ =	sdelay $0x4  }
0x91: {  	v0 =	vadd.f32 v61, v0;
	_ =	sdelay $0x1  }
0x92: {  	v11 =	vadd.f32 v11, v36;
	[tilespmem:$0x1FD70] =	vst v0;
	v0 =	vld [tilespmem:$0x1FF20];
	_ =	sdelay $0x1  }
0x93: {  	v7 =	vadd.f32 v7, v11;
	v11 =	vld [tilespmem:s21+$0xFFFFFC70];
	_ =	sdelay $0x2  }
0x94: {  	v36 =	vld [tilespmem:$0x1FF70];
	v0 =	vadd.f32 v0, v1  }
0x95: {  	v37 =	vld [tilespmem:s21+$0xFFFFFC40]  }
0x96: {  	[tilespmem:$0x1FD80] =	vst v0;
	v0 =	vmul.f32 v11, v41;
	v11 =	vld [tilespmem:$0x1FF30]  }
0x97: {  	v3 =	vadd.f32 v3, v7;
	_ =	sdelay $0x1  }
0x98: {  	v3 =	vadd.f32 v36, v3;
	_ =	sdelay $0x1  }
0x99: {  	v7 =	vmul.f32 v37, v41;
	v37 =	vld [tilespmem:$0x1FF80];
	v3 =	vadd.f32 v11, v3;
	_ =	sdelay $0x1  }
0x9a: {  	[tilespmem:$0x1FD90] =	vst v3;
	v3 =	vld [tilespmem:$0x1FF40]  }
0x9b: {  	v4 =	vadd.f32 v4, v8;
	_ =	sdelay $0x1  }
0x9c: {  	v4 =	vadd.f32 v37, v4  }
0x9d: {  	v6 =	vld [tilespmem:s21+$0xFFFFFC60]  }
0x9e: {  	v8 =	vld [tilespmem:s21+$0xFFFFFCF0];
	v3 =	vadd.f32 v3, v4  }
0x9f: {  	v5 =	vld [tilespmem:s21+$0xFFFFFCE0]  }
0xa0: {  	[tilespmem:$0x1FDA0] =	vst v3;
	v3 =	vld [tilespmem:$0x1FF10]  }
0xa1: {  	v2 =	vmul.f32 v33, v40;
	v33 =	vld [tilespmem:s21+$0xFFFFFD70];
	v4 =	vadd.f32 v27, v58  }
0xa2: {  	v22 =	vmul.f32 v28, v39;
	v28 =	vld [tilespmem:s21+$0xFFFFFD60];
	v6 =	vmul.f32 v6, v41  }
0xa3: {  	v8 =	vmul.f32 v8, v40;
	v2 =	vadd.f32 v2, v4  }
0xa4: {  	v5 =	vmul.f32 v5, v40;
	v6 =	vadd.f32 v6, v57;
	v1 =	vld [tilespmem:s21+$0xFFFFFDE0];
	v0 =	vadd.f32 v0, v56  }
0xa5: {  	v32 =	vmul.f32 v32, v38;
	v2 =	vadd.f32 v22, v2;
	v3 =	vadd.f32 v7, v3;
	v7 =	vld [tilespmem:s21+$0xFFFFFDF0]  }
0xa6: {  	v5 =	vadd.f32 v5, v6;
	v6 =	vmul.f32 v33, v39;
	v0 =	vadd.f32 v8, v0;
	v11 =	vld [tilespmem:s21+$0xFFFFFE60]  }
0xa7: {  	v8 =	vld [tilespmem:s21+$0xFFFFFEE0];
	v4 =	vmul.f32 v28, v39;
	v2 =	vadd.f32 v32, v2  }
0xa8: {  	v31 =	vmul.f32 v31, v39;
	v0 =	vadd.f32 v6, v0;
	v3 =	vadd.f32 v12, v3;
	v12 =	vld [tilespmem:s21+$0xFFFFFE70]  }
0xa9: {  	v1 =	vmul.f32 v1, v38;
	v6 =	vld [tilespmem:s21+$0xFFFFFF60];
	v4 =	vadd.f32 v4, v5;
	v2 =	vadd.f32 v63, v2  }
0xaa: {  	v22 =	vld [tilespmem:s21+$0xFFFFFEF0];
	v3 =	vadd.f32 v31, v3;
	v5 =	vmul.f32 v7, v38  }
0xab: {  	v1 =	vadd.f32 v1, v4;
	v2 =	vadd.f32 v20, v2;
	v7 =	vmul.f32 v11, v35;
	v11 =	vld [tilespmem:s21+$0xFFFFFF70]  }
0xac: {  	v3 =	vadd.f32 v23, v3;
	v0 =	vadd.f32 v5, v0;
	v5 =	vld [tilespmem:s21+$0xFFFFFFE0]  }
0xad: {  	v2 =	vadd.f32 v14, v2;
	v4 =	vmul.f32 v12, v35;
	v12 =	vld [tilespmem:s21+$0xFFFFFFF0]  }
0xae: {  	v8 =	vmul.f32 v8, v34;
	v1 =	vadd.f32 v7, v1;
	v7 =	vld [tilespmem:s21+$0x60];
	v3 =	vadd.f32 v62, v3  }
0xaf: {  	v2 =	vadd.f32 v10, v2;
	v10 =	vld [tilespmem:s21+$0x1F0];
	v0 =	vadd.f32 v4, v0;
	v4 =	vmul.f32 v22, v34  }
0xb0: {  	v6 =	vmul.f32 v6, v30;
	v1 =	vadd.f32 v8, v1;
	v3 =	vadd.f32 v15, v3;
	v15 =	vld [tilespmem:s21+$0x70]  }
0xb1: {  	v8 =	vld [tilespmem:s21+$0xE0];
	v0 =	vadd.f32 v4, v0;
	v4 =	vmul.f32 v11, v30  }
0xb2: {  	v11 =	vld [tilespmem:s21+$0xF0];
	v1 =	vadd.f32 v6, v1;
	v3 =	vadd.f32 v13, v3;
	v5 =	vmul.f32 v5, v29  }
0xb3: {  	v6 =	vld [tilespmem:s21+$0x160];
	v0 =	vadd.f32 v4, v0;
	v4 =	vmul.f32 v12, v29  }
0xb4: {  	v7 =	vmul.f32 v7, v26;
	v3 =	vadd.f32 v9, v3;
	v9 =	vld [tilespmem:s21+$0x170];
	v1 =	vadd.f32 v5, v1  }
0xb5: {  	v5 =	vld [tilespmem:s21+$0x1E0];
	v0 =	vadd.f32 v4, v0;
	v4 =	vmul.f32 v15, v26  }
0xb6: {  	v8 =	vmul.f32 v8, v25;
	v1 =	vadd.f32 v7, v1;
	v7 =	vld [tilespmem:s21+$0x260]  }
0xb7: {  	v0 =	vadd.f32 v4, v0;
	v4 =	vmul.f32 v11, v25;
	v11 =	vld [tilespmem:s21+$0x270]  }
0xb8: {  	v6 =	vmul.f32 v6, v24;
	v1 =	vadd.f32 v8, v1;
	v8 =	vld [tilespmem:s21+$0x2E0]  }
0xb9: {  	v0 =	vadd.f32 v4, v0;
	v4 =	vmul.f32 v9, v24;
	v9 =	vld [tilespmem:s21+$0x2F0]  }
0xba: {  	v5 =	vmul.f32 v5, v21;
	v1 =	vadd.f32 v6, v1;
	v6 =	vld [tilespmem:s21+$0x360]  }
0xbb: {  	v0 =	vadd.f32 v4, v0;
	v4 =	vmul.f32 v10, v21;
	v10 =	vld [tilespmem:s21+$0x370]  }
0xbc: {  	v1 =	vadd.f32 v5, v1;
	v5 =	vld [tilespmem:s21+$0x3E0]  }
0xbd: {  	v7 =	vmul.f32 v7, v19;
	v0 =	vadd.f32 v4, v0;
	v4 =	vmul.f32 v11, v19;
	v11 =	vld [tilespmem:s21+$0x3F0];
	s21 =	sadd.s32 $0x800, s21  }
0xbe: {  	v12 =	vld [tilespmem:s21+$0x380]  }
0xbf: {  	v1 =	vadd.f32 v7, v1;
	v7 =	vld [tilespmem:s21+$0x390]  }
0xc0: {  	v13 =	vld [tilespmem:s21+$0x290]  }
0xc1: {  	v14 =	vld [tilespmem:s21+$0x2A0]  }
0xc2: {  	v15 =	vld [tilespmem:s21+$0x2B0]  }
0xc3: {  	v20 =	vld [tilespmem:s21+$0x2C0]  }
0xc4: {  	v22 =	vld [tilespmem:s21+$0x2D0]  }
0xc5: {  	v3 =	vadd.f32 v59, v3;
	v27 =	vld [tilespmem:s21+$0x210]  }
0xc6: {  	v2 =	vadd.f32 v60, v2;
	v28 =	vld [tilespmem:s21+$0x220]  }
0xc7: {  	v3 =	vadd.f32 v51, v3;
	v31 =	vld [tilespmem:s21+$0x230]  }
0xc8: {  	v2 =	vadd.f32 v50, v2;
	v32 =	vld [tilespmem:s21+$0x240]  }
0xc9: {  	v3 =	vadd.f32 v49, v3;
	v33 =	vld [tilespmem:s21+$0x250]  }
0xca: {  	v2 =	vadd.f32 v48, v2;
	v36 =	vld [tilespmem:s21+$0x180];
	v0 =	vadd.f32 v4, v0;
	v4 =	vmul.f32 v9, v18  }
0xcb: {  	v3 =	vadd.f32 v42, v3;
	v42 =	vld [tilespmem:s21+$0x190]  }
0xcc: {  	v2 =	vadd.f32 v43, v2;
	v43 =	vld [tilespmem:s21+$0x1A0];
	v0 =	vadd.f32 v4, v0;
	v4 =	vmul.f32 v10, v17  }
0xcd: {  	v48 =	vld [tilespmem:s21+$0x1B0]  }
0xce: {  	v5 =	vmul.f32 v5, v16;
	v0 =	vadd.f32 v4, v0;
	v4 =	vmul.f32 v11, v16;
	v16 =	vld [tilespmem:$0x1FEF0]  }
0xcf: {  	v49 =	vld [tilespmem:s21+$0x1C0]  }
0xd0: {  	v2 =	vadd.f32 v55, v2;
	v50 =	vld [tilespmem:s21+$0x1D0]  }
0xd1: {  	v51 =	vld [tilespmem:s21+$0x100]  }
0xd2: {  	v2 =	vadd.f32 v53, v2;
	v59 =	vld [tilespmem:s21+$0x110]  }
0xd3: {  	v8 =	vmul.f32 v8, v18;
	v60 =	vld [tilespmem:s21+$0x120]  }
0xd4: {  	v2 =	vadd.f32 v47, v2;
	v61 =	vld [tilespmem:s21+$0x130]  }
0xd5: {  	s24 =	sshra.s32 s23, $0x2;
	v62 =	vld [tilespmem:s21+$0x140];
	v6 =	vmul.f32 v6, v17;
	v1 =	vadd.f32 v8, v1  }
0xd6: {  	v2 =	vadd.f32 v45, v2;
	v3 =	vadd.f32 v54, v3;
	v37 =	vld.idx.msk [tilespmem:v16+s24+$0x0 ss:$0x1], $0xffff  }
0xd7: {  	v45 =	vld [tilespmem:s21+$0x80];
	v1 =	vadd.f32 v6, v1;
	v0 =	vadd.f32 v4, v0  }
0xd8: {  	[tilespmem:$0x1FDB0] =	vst v2;
	v2 =	vld [tilespmem:s21+$0x300];
	v3 =	vadd.f32 v52, v3  }
0xd9: {  	v1 =	vadd.f32 v5, v1;
	[tilespmem:$0x1FDE0] =	vst v0;
	v0 =	vld [tilespmem:s21+$0x310]  }
0xda: {  	v47 =	vld [tilespmem:s21+$0xB0];
	v3 =	vadd.f32 v46, v3;
	v16 =	vimm.s32 $0xE  }
0xdb: {  	[tilespmem:$0x1FDC0] =	vst v1;
	v1 =	vld [tilespmem:s21+$0x320];
	v17 =	vperm.xlane v37, v16  }
0xdc: {  	v9 =	vld [tilespmem:s21+$0x3A0];
	v3 =	vadd.f32 v44, v3;
	v16 =	vimm.s32 $0xF  }
0xdd: {  	v21 =	vimm.s32 $0xA;
	v8 =	vld [tilespmem:s21+$0x3B0];
	v16 =	vperm.xlane v37, v16;
	v2 =	vmul.f32 v2, v17  }
0xde: {  	[tilespmem:$0x1FF10] =	vst v3;
	v3 =	vld [tilespmem:s21+$0x330];
	v24 =	vperm.xlane v37, v21;
	v21 =	vimm.s32 $0xB;
	v0 =	vmul.f32 v0, v17  }
0xdf: {  	v52 =	vld [tilespmem:s21+$0x0];
	v21 =	vperm.xlane v37, v21;
	v7 =	vmul.f32 v7, v16;
	[tilespmem:$0x1FF50] =	vst v2  }
0xe0: {  	v18 =	vimm.s32 $0xC;
	v4 =	vld [tilespmem:s21+$0x340];
	[tilespmem:$0x1FF60] =	vst v0;
	v0 =	vmul.f32 v1, v17  }
0xe1: {  	v25 =	vimm.s32 $0x8;
	v10 =	vld [tilespmem:s21+$0x3C0];
	v19 =	vperm.xlane v37, v18;
	v1 =	vmul.f32 v36, v21;
	[tilespmem:$0x1FF20] =	vst v7  }
0xe2: {  	v29 =	vimm.s32 $0x6;
	v5 =	vld [tilespmem:s21+$0x350];
	v26 =	vperm.xlane v37, v25;
	v7 =	vmul.f32 v9, v16;
	[tilespmem:$0x1FF70] =	vst v0  }
0xe3: {  	v53 =	vimm.s32 $0x4;
	v6 =	vld [tilespmem:s21+$0x3D0];
	v30 =	vperm.xlane v37, v29;
	v0 =	vmul.f32 v3, v17;
	[tilespmem:$0x1FEC0] =	vst v1  }
0xe4: {  	v54 =	vimm.s32 $0x5;
	v46 =	vld [tilespmem:s21+$0xA0];
	v35 =	vperm.xlane v37, v53;
	v1 =	vmul.f32 v42, v21;
	[tilespmem:$0x1FF30] =	vst v7  }
0xe5: {  	v55 =	vimm.s32 $0x2;
	v11 =	vld [tilespmem:s21+$0x280];
	v34 =	vperm.xlane v37, v54;
	[tilespmem:$0x1FF80] =	vst v0;
	v0 =	vmul.f32 v4, v17  }
0xe6: {  	v44 =	vld [tilespmem:s21+$0x150];
	v18 =	vimm.s32 $0xD;
	v39 =	vperm.xlane v37, v55;
	[tilespmem:$0x1FED0] =	vst v1;
	v1 =	vmul.f32 v49, v21  }
0xe7: {  	v56 =	vimm.s32 $0x3;
	v53 =	vld [tilespmem:s21+$0x10];
	v18 =	vperm.xlane v37, v18;
	[tilespmem:$0x1FE50] =	vst v0;
	v0 =	vmul.f32 v5, v17  }
0xe8: {  	v57 =	vimm.s32 $0x0;
	v38 =	vperm.xlane v37, v56;
	v54 =	vld [tilespmem:s21+$0x20];
	[tilespmem:$0x1FE80] =	vst v1;
	v1 =	vmul.f32 v50, v21  }
0xe9: {  	v58 =	vimm.s32 $0x1;
	v41 =	vperm.xlane v37, v57;
	v55 =	vld [tilespmem:s21+$0x40];
	[tilespmem:$0x1FE30] =	vst v0;
	v0 =	vmul.f32 v13, v18  }
0xea: {  	v25 =	vimm.s32 $0x9;
	v40 =	vperm.xlane v37, v58;
	v56 =	vld [tilespmem:s21+$0x50];
	[tilespmem:$0x1FEB0] =	vst v1;
	v1 =	vmul.f32 v51, v24  }
0xeb: {  	v29 =	vimm.s32 $0x7;
	v57 =	vld [tilespmem:s21+$0xFFFFFF80];
	v25 =	vperm.xlane v37, v25;
	[tilespmem:$0x1FDD0] =	vst v0;
	v0 =	vmul.f32 v14, v18  }
0xec: {  	v58 =	vld [tilespmem:s21+$0xFFFFFF90];
	v29 =	vperm.xlane v37, v29;
	[tilespmem:$0x1FE60] =	vst v1;
	v1 =	vmul.f32 v59, v24  }
0xed: {  	v37 =	vld [tilespmem:s21+$0x90];
	v12 =	vmul.f32 v12, v16;
	v7 =	vmul.f32 v8, v16;
	[tilespmem:$0x1FDF0] =	vst v0  }
0xee: {  	v0 =	vmul.f32 v20, v18;
	[tilespmem:$0x1FE70] =	vst v1;
	v1 =	vmul.f32 v60, v24;
	v60 =	vld [tilespmem:s21+$0xFFFFFC30]  }
0xef: {  	v2 =	vmul.f32 v28, v19;
	v28 =	vmul.f32 v45, v25;
	v45 =	vld [tilespmem:s21+$0xFFFFFD00];
	[tilespmem:$0x1FF40] =	vst v7  }
0xf0: {  	v9 =	vld [tilespmem:s21+$0xC0];
	v7 =	vmul.f32 v10, v16;
	[tilespmem:$0x1FE10] =	vst v0;
	v0 =	vmul.f32 v27, v19  }
0xf1: {  	v27 =	vmul.f32 v62, v24;
	v62 =	vmul.f32 v46, v25;
	v46 =	vld [tilespmem:s21+$0xFFFFFC00]  }
0xf2: {  	[tilespmem:$0x1FF00] =	vst v12;
	v12 =	vmul.f32 v48, v21;
	v48 =	vld [tilespmem:s21+$0xFFFFFE00];
	v3 =	vmul.f32 v15, v18  }
0xf3: {  	[tilespmem:$0x1FEE0] =	vst v7;
	v7 =	vmul.f32 v55, v26;
	v55 =	vmul.f32 v60, v41;
	v60 =	vld [tilespmem:$0x1FD70]  }
0xf4: {  	v15 =	vmul.f32 v54, v26;
	v54 =	vld [tilespmem:s21+$0xFFFFFC20];
	v8 =	vmul.f32 v31, v19  }
0xf5: {  	v31 =	vmul.f32 v37, v25;
	v37 =	vld [tilespmem:s21+$0xFFFFFD90];
	v4 =	vmul.f32 v33, v19  }
0xf6: {  	v33 =	vmul.f32 v53, v26;
	v53 =	vld [tilespmem:s21+$0xFFFFFC10];
	v46 =	vmul.f32 v46, v41  }
0xf7: {  	v6 =	vmul.f32 v6, v16;
	v10 =	vld [tilespmem:s21+$0xD0]  }
0xf8: {  	v46 =	vadd.f32 v46, v60;
	v60 =	vld [tilespmem:$0x1FD80]  }
0xf9: {  	[tilespmem:$0x1FE20] =	vst v6;
	v6 =	vmul.f32 v9, v25;
	v9 =	vld [tilespmem:s21+$0xFFFFFD10]  }
0xfa: {  	v13 =	vld [tilespmem:s21+$0x30]  }
0xfb: {  	v50 =	vld [tilespmem:s21+$0xFFFFFD30];
	v53 =	vmul.f32 v53, v41  }
0xfc: {  	v63 =	vmul.f32 v11, v18;
	v45 =	vmul.f32 v45, v39;
	v59 =	vld [tilespmem:s21+$0xFFFFFE10]  }
0xfd: {  	v5 =	vmul.f32 v10, v25;
	[tilespmem:$0x1FE90] =	vst v1;
	v1 =	vmul.f32 v61, v24;
	v53 =	vadd.f32 v53, v60;
	v60 =	vld [tilespmem:$0x1FD90]  }
0xfe: {  	v10 =	vld [tilespmem:s21+$0xFFFFFC80];
	v20 =	vmul.f32 v22, v18;
	v22 =	vmul.f32 v32, v19  }
0xff: {  	v32 =	vmul.f32 v13, v26;
	v13 =	vld [tilespmem:s21+$0xFFFFFC90];
	[tilespmem:$0x1FEA0] =	vst v1;
	v1 =	vmul.f32 v47, v25  }
0x100: {  	v54 =	vmul.f32 v54, v41;
	v47 =	vmul.f32 v57, v29;
	v57 =	vld [tilespmem:s21+$0xFFFFFCB0]  }
0x101: {  	v48 =	vmul.f32 v48, v35;
	[tilespmem:$0x1FE40] =	vst v1;
	v1 =	vmul.f32 v56, v26;
	v56 =	vld [tilespmem:s21+$0xFFFFFCA0]  }
0x102: {  	v37 =	vmul.f32 v37, v38;
	v14 =	vmul.f32 v52, v26;
	v54 =	vadd.f32 v54, v60;
	v60 =	vld [tilespmem:$0x1FDA0]  }
0x103: {  	v52 =	vmul.f32 v58, v29;
	v58 =	vld [tilespmem:s21+$0xFFFFFD20];
	v9 =	vmul.f32 v9, v39  }
0x104: {  	v50 =	vmul.f32 v50, v39;
	v61 =	vmul.f32 v44, v24;
	v44 =	vld [tilespmem:s21+$0xFFFFFD80]  }
0x105: {  	v51 =	vld [tilespmem:s21+$0xFFFFFDA0];
	v49 =	vmul.f32 v59, v35;
	v10 =	vmul.f32 v10, v40  }
0x106: {  	v59 =	vld [tilespmem:s21+$0xFFFFFDB0];
	v13 =	vmul.f32 v13, v40;
	v56 =	vmul.f32 v56, v40  }
0x107: {  	v57 =	vmul.f32 v57, v40;
	v10 =	vadd.f32 v10, v46;
	v55 =	vadd.f32 v55, v60;
	v60 =	vld [tilespmem:s21+$0xFFFFFE20]  }
0x108: {  	v46 =	vmul.f32 v58, v39;
	v13 =	vadd.f32 v13, v53;
	v53 =	vld [tilespmem:s21+$0xFFFFFE30];
	v54 =	vadd.f32 v56, v54  }
0x109: {  	v44 =	vmul.f32 v44, v38;
	v10 =	vadd.f32 v45, v10;
	v45 =	vld [tilespmem:s21+$0xFFFFFEB0];
	v55 =	vadd.f32 v57, v55  }
0x10a: {  	v9 =	vadd.f32 v9, v13;
	v13 =	vmul.f32 v51, v38;
	v56 =	vld [tilespmem:s21+$0xFFFFFEA0];
	v46 =	vadd.f32 v46, v54  }
0x10b: {  	v10 =	vadd.f32 v44, v10;
	v44 =	vld [tilespmem:s21+$0xFFFFFF30];
	v51 =	vmul.f32 v59, v38;
	v50 =	vadd.f32 v50, v55  }
0x10c: {  	v9 =	vadd.f32 v37, v9;
	v54 =	vld [tilespmem:s21+$0xFFFFFF20];
	v13 =	vadd.f32 v13, v46;
	v37 =	vmul.f32 v60, v35;
	v60 =	vmovc v1  }
0x10d: {  	v42 =	vld [tilespmem:s21+$0xFFFFFE80];
	v1 =	vmovc v63;
	v55 =	vmovc v4;
	v4 =	vmov v3;
	v63 =	vadd.f32 v51, v50;
	v3 =	vmul.f32 v53, v35  }
0x10e: {  	v10 =	vadd.f32 v48, v10;
	v45 =	vmul.f32 v45, v34;
	v9 =	vadd.f32 v49, v9;
	v49 =	vld [tilespmem:s21+$0xFFFFFFB0]  }
0x10f: {  	[tilespmem:$0x1FE00] =	vst v0;
	v0 =	vld [tilespmem:s21+$0xFFFFFF00];
	v48 =	vmul.f32 v56, v34;
	v13 =	vadd.f32 v37, v13;
	v37 =	vadd.f32 v3, v63  }
0x110: {  	v44 =	vmul.f32 v44, v30  }
0x111: {  	v63 =	vmul.f32 v54, v30;
	v13 =	vadd.f32 v48, v13;
	v37 =	vadd.f32 v45, v37  }
0x112: {  	v11 =	vmul.f32 v43, v21;
	v43 =	vld [tilespmem:s21+$0xFFFFFE90];
	v42 =	vmul.f32 v42, v34  }
0x113: {  	v36 =	vld [tilespmem:s21+$0xFFFFFF10];
	v13 =	vadd.f32 v63, v13;
	v63 =	vmul.f32 v49, v29;
	v37 =	vadd.f32 v44, v37  }
0x114: {  	v0 =	vmul.f32 v0, v30;
	v10 =	vadd.f32 v42, v10;
	v54 =	vmov v22;
	v22 =	vld [tilespmem:$0x1FE40]  }
0x115: {  	v23 =	vld [tilespmem:s21+$0x200];
	v37 =	vadd.f32 v63, v37  }
0x116: {  	v58 =	vld [tilespmem:$0x1FDB0];
	v0 =	vadd.f32 v0, v10  }
0x117: {  	v43 =	vmul.f32 v43, v34;
	v59 =	vmovc v7;
	v7 =	vmov v2;
	v2 =	vld [tilespmem:$0x1FDD0];
	v37 =	vadd.f32 v32, v37  }
0x118: {  	v42 =	vld [tilespmem:s21+$0xFFFFFE50];
	v0 =	vadd.f32 v47, v0  }
0x119: {  	v36 =	vmul.f32 v36, v30;
	v9 =	vadd.f32 v43, v9;
	v37 =	vadd.f32 v22, v37;
	v22 =	vld [tilespmem:$0x1FE60]  }
0x11a: {  	v0 =	vadd.f32 v14, v0;
	v51 =	vld [tilespmem:s21+$0xFFFFFFA0]  }
0x11b: {  	v47 =	vld [tilespmem:$0x1FE30];
	v9 =	vadd.f32 v36, v9  }
0x11c: {  	v43 =	vld [tilespmem:s21+$0xFFFFFFD0];
	v0 =	vadd.f32 v28, v0  }
0x11d: {  	v49 =	vadd.f32 v52, v9;
	v44 =	vld [tilespmem:s21+$0xFFFFFED0]  }
0x11e: {  	v0 =	vadd.f32 v22, v0;
	v22 =	vld [tilespmem:$0x1FE70]  }
0x11f: {  	v46 =	vld [tilespmem:s21+$0xFFFFFFC0];
	v10 =	vmul.f32 v51, v29;
	v33 =	vadd.f32 v33, v49  }
0x120: {  	v57 =	vld [tilespmem:$0x1FDC0]  }
0x121: {  	v36 =	vld [tilespmem:s21+$0xFFFFFF50];
	v53 =	vmov v20;
	v20 =	vadd.f32 v10, v13;
	v33 =	vadd.f32 v31, v33  }
0x122: {  	v56 =	vld [tilespmem:$0x1FDE0]  }
0x123: {  	v63 =	vadd.f32 v15, v20;
	v20 =	vmul.f32 v44, v34;
	v44 =	vadd.f32 v22, v33;
	v22 =	vld [tilespmem:$0x1FE90]  }
0x124: {  	v28 =	vld [tilespmem:s21+$0xFFFFFD50]  }
0x125: {  	v3 =	vld [tilespmem:$0x1FDF0]  }
0x126: {  	v14 =	vmul.f32 v36, v30;
	v48 =	vld [tilespmem:s21+$0xFFFFFEC0];
	v36 =	vadd.f32 v62, v63  }
0x127: {  	v45 =	vld [tilespmem:s21+$0xFFFFFF40]  }
0x128: {  	v36 =	vadd.f32 v22, v36;
	v22 =	vld [tilespmem:$0x1FEA0]  }
0x129: {  	v51 =	vmov v6;
	v6 =	vld [tilespmem:$0x1FE00]  }
0x12a: {  	v52 =	vld [tilespmem:$0x1FE10]  }
0x12b: {  	v9 =	vmul.f32 v46, v29;
	v46 =	vld [tilespmem:s21+$0xFFFFFE40]  }
0x12c: {  	v10 =	vmul.f32 v43, v29;
	v43 =	vld [tilespmem:s21+$0xFFFFFDC0]  }
0x12d: {  	v15 =	vmul.f32 v48, v34;
	v48 =	vmov v61;
	v61 =	vadd.f32 v22, v37;
	v22 =	vld [tilespmem:$0x1FEC0]  }
0x12e: {  	v13 =	vmul.f32 v45, v30;
	v45 =	vld [tilespmem:$0x1FE20]  }
0x12f: {  	v31 =	vld [tilespmem:s21+$0xFFFFFD40]  }
0x130: {  	v49 =	vmov v27;
	v27 =	vld [tilespmem:s21+$0xFFFFFCC0]  }
0x131: {  	v32 =	vld [tilespmem:s21+$0xFFFFFDD0]  }
0x132: {  	p1 =	sne.s32 s23, $0x1C0;
	v0 =	vadd.f32 v22, v0;
	v22 =	vld [tilespmem:$0x1FED0]  }
.Ltmp0:
0x133: {  	v23 =	vmul.f32 v23, v19;
	v62 =	vmul.f32 v46, v35;
	v46 =	vld [tilespmem:$0x1FE50];
	(pc) =	sbr.rel @p1 .LBB2_3-.Ltmp0, $4  }
0x134: {  	v63 =	vmul.f32 v42, v35;
	v42 =	vld [tilespmem:$0x1FE80]  }
0x135: {  	v50 =	vmov v5;
	v5 =	vmov v23;
	v23 =	vmul.f32 v43, v38;
	v43 =	vld [tilespmem:$0x1FEB0]  }
0x136: {  	v33 =	vld [tilespmem:s21+$0xFFFFFCD0]  }
0x137: {  	s23 =	sadd.s32 $0x40, s23;
	v22 =	vadd.f32 v22, v44;
	v44 =	vld [tilespmem:$0x1FEE0]  }
0x138: {  	v11 =	vadd.f32 v11, v36;
	v36 =	vld [tilespmem:$0x1FF00]  }
0x139: {  	v37 =	vld [tilespmem:$0x1FF20]  }
0x13a: {  	v12 =	vadd.f32 v12, v61;
	v0 =	vadd.f32 v5, v0;
	v61 =	vld [tilespmem:$0x1FF30]  }
0x13b: {  	v5 =	vadd.f32 v6, v22;
	v22 =	vmul.f32 v27, v40;
	v27 =	vld [tilespmem:$0x1FF70]  }
0x13c: {  	v6 =	vadd.f32 v7, v11;
	v0 =	vadd.f32 v1, v0;
	v1 =	vld [tilespmem:s21+$0xFFFFFC40]  }
0x13d: {  	v11 =	vld [tilespmem:$0x1FF60]  }
0x13e: {  	v3 =	vadd.f32 v3, v6;
	v6 =	vld [tilespmem:$0x1FF50]  }
0x13f: {  	v7 =	vadd.f32 v8, v12;
	v8 =	vmul.f32 v31, v39;
	v31 =	vld [tilespmem:$0x1FF80]  }
0x140: {  	v2 =	vadd.f32 v2, v5;
	v5 =	vld [tilespmem:s21+$0xFFFFFC50]  }
0x141: {  	v3 =	vadd.f32 v27, v3;
	v27 =	vld [tilespmem:s21+$0xFFFFFCE0]  }
0x142: {  	v2 =	vadd.f32 v11, v2;
	v11 =	vld [tilespmem:s21+$0xFFFFFC70]  }
0x143: {  	v0 =	vadd.f32 v6, v0;
	v6 =	vld [tilespmem:s21+$0xFFFFFC60]  }
0x144: {  	v4 =	vadd.f32 v4, v7;
	v3 =	vadd.f32 v61, v3;
	v61 =	vld [tilespmem:$0x1FF10]  }
0x145: {  	v5 =	vmul.f32 v5, v41;
	v2 =	vadd.f32 v37, v2;
	v37 =	vld [tilespmem:$0x1FF40]  }
0x146: {  	v12 =	vmul.f32 v28, v39;
	v28 =	vmul.f32 v33, v40;
	v4 =	vadd.f32 v31, v4;
	v31 =	vld [tilespmem:s21+$0xFFFFFCF0]  }
0x147: {  	v7 =	vmul.f32 v32, v38;
	v32 =	vld [tilespmem:s21+$0xFFFFFD60];
	v1 =	vmul.f32 v1, v41;
	v5 =	vadd.f32 v5, v58  }
0x148: {  	v33 =	vld [tilespmem:s21+$0xFFFFFD70];
	v0 =	vadd.f32 v36, v0;
	v6 =	vmul.f32 v6, v41  }
0x149: {  	v36 =	vld [tilespmem:s21+$0xFFFFFDE0];
	v11 =	vmul.f32 v11, v41;
	v5 =	vadd.f32 v28, v5;
	v1 =	vadd.f32 v1, v61  }
0x14a: {  	v27 =	vmul.f32 v27, v40;
	v61 =	vld [tilespmem:s21+$0xFFFFFDF0];
	v4 =	vadd.f32 v37, v4;
	v6 =	vadd.f32 v6, v57  }
0x14b: {  	v11 =	vadd.f32 v11, v56;
	v1 =	vadd.f32 v22, v1;
	v22 =	vmul.f32 v31, v40;
	v31 =	vld [tilespmem:s21+$0xFFFFFE60]  }
0x14c: {  	v28 =	vmul.f32 v32, v39;
	v41 =	vld [tilespmem:s21+$0xFFFFFE70];
	v5 =	vadd.f32 v12, v5;
	v6 =	vadd.f32 v27, v6  }
0x14d: {  	v1 =	vadd.f32 v8, v1;
	v8 =	vadd.f32 v22, v11;
	v11 =	vmul.f32 v33, v39;
	v22 =	vld [tilespmem:s21+$0xFFFFFEE0]  }
0x14e: {  	v12 =	vmul.f32 v36, v38;
	v5 =	vadd.f32 v7, v5;
	v27 =	vld [tilespmem:s21+$0xFFFFFEF0];
	v6 =	vadd.f32 v28, v6  }
0x14f: {  	v1 =	vadd.f32 v23, v1;
	v8 =	vadd.f32 v11, v8;
	v11 =	vmul.f32 v61, v38;
	v23 =	vld [tilespmem:s21+$0xFFFFFF60]  }
0x150: {  	v5 =	vadd.f32 v63, v5;
	v7 =	vmul.f32 v31, v35;
	v28 =	vld [tilespmem:s21+$0xFFFFFF70];
	v6 =	vadd.f32 v12, v6  }
0x151: {  	v1 =	vadd.f32 v62, v1;
	v8 =	vadd.f32 v11, v8;
	v11 =	vmul.f32 v41, v35;
	v12 =	vld [tilespmem:s21+$0xFFFFFFE0]  }
0x152: {  	v31 =	vld [tilespmem:s21+$0xFFFFFFF0];
	v5 =	vadd.f32 v20, v5;
	v22 =	vmul.f32 v22, v34;
	v6 =	vadd.f32 v7, v6  }
0x153: {  	v1 =	vadd.f32 v15, v1;
	v7 =	vadd.f32 v11, v8;
	v8 =	vmul.f32 v27, v34;
	v11 =	vld [tilespmem:s21+$0x60]  }
0x154: {  	v20 =	vld [tilespmem:s21+$0x70];
	v5 =	vadd.f32 v14, v5;
	v15 =	vmul.f32 v23, v30;
	v6 =	vadd.f32 v22, v6  }
0x155: {  	v1 =	vadd.f32 v13, v1;
	v13 =	vld [tilespmem:s21+$0xE0];
	v7 =	vadd.f32 v8, v7;
	v8 =	vmul.f32 v28, v30  }
0x156: {  	v14 =	vld [tilespmem:s21+$0xF0];
	v5 =	vadd.f32 v10, v5;
	v12 =	vmul.f32 v12, v29;
	v6 =	vadd.f32 v15, v6  }
0x157: {  	v1 =	vadd.f32 v9, v1;
	v9 =	vld [tilespmem:s21+$0x160];
	v7 =	vadd.f32 v8, v7;
	v8 =	vmul.f32 v31, v29  }
0x158: {  	v5 =	vadd.f32 v60, v5;
	v10 =	vmul.f32 v11, v26;
	v11 =	vld [tilespmem:s21+$0x170];
	v6 =	vadd.f32 v12, v6  }
0x159: {  	v1 =	vadd.f32 v59, v1;
	v7 =	vadd.f32 v8, v7;
	v8 =	vmul.f32 v20, v26;
	v12 =	vld [tilespmem:s21+$0x1E0]  }
0x15a: {  	v15 =	vld [tilespmem:s21+$0x1F0];
	v5 =	vadd.f32 v50, v5;
	v13 =	vmul.f32 v13, v25;
	v6 =	vadd.f32 v10, v6  }
0x15b: {  	v1 =	vadd.f32 v51, v1;
	v7 =	vadd.f32 v8, v7;
	v8 =	vmul.f32 v14, v25;
	v10 =	vld [tilespmem:s21+$0x260]  }
0x15c: {  	v5 =	vadd.f32 v48, v5;
	v9 =	vmul.f32 v9, v24;
	v14 =	vld [tilespmem:s21+$0x270];
	v6 =	vadd.f32 v13, v6  }
0x15d: {  	v1 =	vadd.f32 v49, v1;
	v7 =	vadd.f32 v8, v7;
	v8 =	vmul.f32 v11, v24;
	v11 =	vld [tilespmem:s21+$0x2E0]  }
0x15e: {  	v5 =	vadd.f32 v43, v5;
	v13 =	vld [tilespmem:s21+$0x2F0];
	v12 =	vmul.f32 v12, v21;
	v6 =	vadd.f32 v9, v6  }
0x15f: {  	v1 =	vadd.f32 v42, v1;
	v7 =	vadd.f32 v8, v7;
	v8 =	vmul.f32 v15, v21;
	v9 =	vld [tilespmem:s21+$0x360]  }
0x160: {  	v5 =	vadd.f32 v55, v5;
	v15 =	vld [tilespmem:s21+$0x370];
	v10 =	vmul.f32 v10, v19;
	v6 =	vadd.f32 v12, v6  }
0x161: {  	v1 =	vadd.f32 v54, v1;
	v7 =	vadd.f32 v8, v7;
	v8 =	vmul.f32 v14, v19;
	v12 =	vld [tilespmem:s21+$0x3E0]  }
0x162: {  	v5 =	vadd.f32 v53, v5;
	v14 =	vld [tilespmem:s21+$0x3F0];
	v11 =	vmul.f32 v11, v18;
	v6 =	vadd.f32 v10, v6  }
0x163: {  	v1 =	vadd.f32 v52, v1;
	v7 =	vadd.f32 v8, v7;
	v8 =	vmul.f32 v13, v18  }
0x164: {  	[tilespmem:s20+$0x8000] =	vst.add.f32.msk $0xffff, v0;
	v5 =	vadd.f32 v47, v5;
	v9 =	vmul.f32 v9, v17;
	v6 =	vadd.f32 v11, v6  }
0x165: {  	[tilespmem:s20+$0x8010] =	vst.add.f32.msk $0xffff, v2;
	v1 =	vadd.f32 v46, v1;
	v0 =	vadd.f32 v8, v7;
	v7 =	vmul.f32 v15, v17  }
0x166: {  	[tilespmem:s20+$0x8020] =	vst.add.f32.msk $0xffff, v3;
	v5 =	vadd.f32 v45, v5;
	v2 =	vmul.f32 v12, v16;
	v6 =	vadd.f32 v9, v6  }
0x167: {  	[tilespmem:s20+$0x8030] =	vst.add.f32.msk $0xffff, v4;
	v1 =	vadd.f32 v44, v1;
	v3 =	vmul.f32 v14, v16;
	v0 =	vadd.f32 v7, v0  }
0x168: {  	p1 =	seq.s32 s19, $0x3F;
	[tilespmem:s20+$0x8050] =	vst.add.f32.msk $0xffff, v5;
	v2 =	vadd.f32 v2, v6  }
0x169: {  	s21 =	sshll.u32 @!p1 s19, $0x8;
	[tilespmem:s20+$0x8040] =	vst.add.f32.msk $0xffff, v1;
	v0 =	vadd.f32 v3, v0  }
0x16a: {  	s21 =	sand.u32 @!p1 $0x3FFFFF00, s21;
	[tilespmem:s20+$0x8060] =	vst.add.f32.msk $0xffff, v2  }
0x16b: {  	s23 =	simm.s32 @!p1 $0x80;
	s24 =	simm.s32 @!p1 $0x9000;
	s21 =	sadd.s32 @!p1 $0x100, s21;
	[tilespmem:s20+$0x8070] =	vst.add.f32.msk $0xffff, v0  }
0x16c: {  	[tilespmem:s24], [sflag:$0x1] =	stream.indirect.gather @!p1 [hbm4b:s1+s23], $0x80, s21, s23, $0xb8;
	[tilespmem:$0x11000] =	vst v63  }
0x16d: {  	_ =	swait.ge [sflag:s16], $0x4000  }
0x16e: {  	v0 =	vmov s22;
	[sflag:s16] =	ssyncset.done $0x0  }
0x16f: {  	s21 =	simm.s32 $0xD400;
	[sflag:s16] =	ssyncadd.s32 $0xFFFFC000  }
0x170: {  	v4 =	vld [tilespmem:s21+$0x380]  }
0x171: {  	v7 =	vld [tilespmem:s21+$0x390]  }
0x172: {  	s31 =	simm.s32 $0x0;
	v8 =	vld [tilespmem:s21+$0x3A0]  }
0x173: {  	v38 =	vld.idx.msk [tilespmem:v0+s31+$0x0 ss:$0x1], $0xffff  }
0x174: {  	[tilespmem:$0x1FC70] =	vst v0;
	v0 =	vld [tilespmem:s21+$0x100]  }
0x175: {  	v33 =	vld [tilespmem:s21+$0x3B0]  }
0x176: {  	v36 =	vld [tilespmem:s21+$0x3C0]  }
0x177: {  	v51 =	vld [tilespmem:s21+$0x3D0]  }
0x178: {  	v52 =	vld [tilespmem:s21+$0x300]  }
0x179: {  	[tilespmem:$0x1FD10] =	vst v0;
	v0 =	vld [tilespmem:s21+$0x110]  }
0x17a: {  	v53 =	vld [tilespmem:s21+$0x310]  }
0x17b: {  	v55 =	vld [tilespmem:s21+$0x320]  }
0x17c: {  	v57 =	vld [tilespmem:s21+$0x330]  }
0x17d: {  	v59 =	vld [tilespmem:s21+$0x340]  }
0x17e: {  	[tilespmem:$0x1FD20] =	vst v0;
	v0 =	vld [tilespmem:s21+$0x120]  }
0x17f: {  	v60 =	vld [tilespmem:s21+$0x350]  }
0x180: {  	v61 =	vld [tilespmem:s21+$0x280]  }
0x181: {  	v62 =	vld [tilespmem:s21+$0x290]  }
0x182: {  	v63 =	vld [tilespmem:s21+$0x2A0]  }
0x183: {  	[tilespmem:$0x1FD30] =	vst v0;
	v0 =	vld [tilespmem:s21+$0x130]  }
0x184: {  	v9 =	vld [tilespmem:s21+$0x2B0]  }
0x185: {  	v32 =	vld [tilespmem:s21+$0x2C0]  }
0x186: {  	v31 =	vld [tilespmem:s21+$0x2D0]  }
0x187: {  	v10 =	vld [tilespmem:s21+$0x200]  }
0x188: {  	[tilespmem:$0x1FD40] =	vst v0;
	v0 =	vld [tilespmem:s21+$0x140]  }
0x189: {  	v11 =	vld [tilespmem:s21+$0x210]  }
0x18a: {  	v12 =	vld [tilespmem:s21+$0x220]  }
0x18b: {  	v13 =	vld [tilespmem:s21+$0x230]  }
0x18c: {  	v28 =	vld [tilespmem:s21+$0x240]  }
0x18d: {  	[tilespmem:$0x1FD50] =	vst v0;
	v0 =	vld [tilespmem:s21+$0x150]  }
0x18e: {  	v37 =	vld [tilespmem:s21+$0x250]  }
0x18f: {  	v42 =	vld [tilespmem:s21+$0x180]  }
0x190: {  	v41 =	vld [tilespmem:s21+$0x190]  }
0x191: {  	v14 =	vld [tilespmem:s21+$0x1A0]  }
0x192: {  	v15 =	vld [tilespmem:s21+$0x1B0];
	[tilespmem:$0x1FD60] =	vst v0;
	v0 =	vimm.s32 $0xE  }
0x193: {  	v27 =	vld [tilespmem:s21+$0x1C0];
	v17 =	vperm.xlane v38, v0;
	v0 =	vimm.s32 $0xF  }
0x194: {  	v22 =	vld [tilespmem:s21+$0x1D0];
	v16 =	vperm.xlane v38, v0;
	v0 =	vimm.s32 $0xC  }
0x195: {  	v46 =	vld [tilespmem:s21+$0x80];
	v19 =	vperm.xlane v38, v0;
	v0 =	vimm.s32 $0xD  }
0x196: {  	v29 =	vld [tilespmem:s21+$0xFFFFFC00];
	v18 =	vperm.xlane v38, v0;
	v0 =	vimm.s32 $0xA  }
0x197: {  	v56 =	vld [tilespmem:s21+$0xFFFFFC10];
	v24 =	vperm.xlane v38, v0;
	v0 =	vimm.s32 $0xB  }
0x198: {  	v44 =	vld [tilespmem:s21+$0xFFFFFC20];
	v21 =	vperm.xlane v38, v0;
	v0 =	vimm.s32 $0x0  }
0x199: {  	v47 =	vld [tilespmem:s21+$0xFFFFFC30];
	v43 =	vperm.xlane v38, v0;
	v0 =	vimm.s32 $0x8  }
0x19a: {  	v34 =	vld [tilespmem:s21+$0xFFFFFC80];
	v7 =	vmul.f32 v7, v16;
	v26 =	vperm.xlane v38, v0;
	v0 =	vimm.s32 $0x9  }
0x19b: {  	v3 =	vimm.f32 $0.0e+00;
	v39 =	vld [tilespmem:s21+$0xFFFFFC90];
	v8 =	vmul.f32 v8, v16;
	v25 =	vperm.xlane v38, v0  }
0x19c: {  	v54 =	vld [tilespmem:s21+$0xFFFFFCB0];
	v0 =	vimm.s32 $0x1;
	v58 =	vmul.f32 v29, v43;
	v35 =	vmul.f32 v56, v43  }
0x19d: {  	v45 =	vld [tilespmem:s21+$0x90];
	v44 =	vmul.f32 v44, v43;
	v40 =	vperm.xlane v38, v0;
	v0 =	vimm.s32 $0x6  }
0x19e: {  	v23 =	vld [tilespmem:s21+$0xA0];
	v47 =	vmul.f32 v47, v43;
	v30 =	vperm.xlane v38, v0;
	v0 =	vimm.s32 $0x7  }
0x19f: {  	v49 =	vld [tilespmem:s21+$0xFFFFFCA0];
	v48 =	vadd.f32 v58, v3;
	v56 =	vadd.f32 v35, v3;
	v29 =	vperm.xlane v38, v0  }
0x1a0: {  	v1 =	vld [tilespmem:s21+$0xFFFFFD20];
	v34 =	vmul.f32 v34, v40;
	v39 =	vmul.f32 v39, v40;
	v0 =	vimm.s32 $0x4  }
0x1a1: {  	v58 =	vld [tilespmem:s21+$0xFFFFFD00];
	v54 =	vmul.f32 v54, v40;
	v35 =	vperm.xlane v38, v0;
	v0 =	vimm.s32 $0x5  }
0x1a2: {  	v2 =	vld [tilespmem:s21+$0xFFFFFD30];
	v6 =	vadd.f32 v34, v48;
	v34 =	vperm.xlane v38, v0;
	v0 =	vimm.s32 $0x2  }
0x1a3: {  	v20 =	vld [tilespmem:s21+$0xB0];
	v56 =	vadd.f32 v39, v56;
	v39 =	vperm.xlane v38, v0;
	v0 =	vimm.s32 $0x3  }
0x1a4: {  	v5 =	vld [tilespmem:s21+$0xFFFFFD10];
	v44 =	vadd.f32 v44, v3;
	v48 =	vmul.f32 v49, v40;
	v38 =	vperm.xlane v38, v0  }
0x1a5: {  	[tilespmem:$0x1FCA0] =	vst v7;
	v0 =	vmul.f32 v4, v16;
	v4 =	vadd.f32 v47, v3;
	v3 =	vld [tilespmem:s21+$0xFFFFFD80];
	v47 =	vmul.f32 v36, v16  }
0x1a6: {  	[tilespmem:$0x1FCB0] =	vst v8;
	v49 =	vld [tilespmem:s21+$0xFFFFFD90];
	v7 =	vmul.f32 v58, v39;
	v1 =	vmul.f32 v1, v39  }
0x1a7: {  	v50 =	vld [tilespmem:s21+$0xC0];
	v2 =	vmul.f32 v2, v39;
	[tilespmem:$0x1FC80] =	vst v0;
	v0 =	vimm.f32 $0.0e+00;
	v4 =	vadd.f32 v54, v4  }
0x1a8: {  	v8 =	vld [tilespmem:s21+$0xFFFFFDA0];
	[tilespmem:$0x1FC90] =	vst v0;
	v0 =	vadd.f32 v48, v44;
	v6 =	vadd.f32 v7, v6;
	v7 =	vmul.f32 v33, v16  }
0x1a9: {  	v36 =	vld [tilespmem:s21+$0xFFFFFEB0];
	v5 =	vmul.f32 v5, v39;
	v2 =	vadd.f32 v2, v4;
	v4 =	vmul.f32 v52, v17  }
0x1aa: {  	[tilespmem:$0x1FCC0] =	vst v7;
	v7 =	vld [tilespmem:s21+$0xFFFFFDB0];
	v0 =	vadd.f32 v1, v0;
	v1 =	vmul.f32 v3, v38  }
0x1ab: {  	v54 =	vld [tilespmem:s21+$0xFFFFFE00];
	v5 =	vadd.f32 v5, v56;
	[tilespmem:$0x1FCD0] =	vst v4;
	v4 =	vmul.f32 v49, v38  }
0x1ac: {  	v3 =	vld [tilespmem:s21+$0xFFFFFE10];
	v1 =	vadd.f32 v1, v6;
	v6 =	vmul.f32 v53, v17  }
0x1ad: {  	v56 =	vld [tilespmem:s21+$0xFFFFFE20];
	v4 =	vadd.f32 v4, v5;
	v5 =	vmul.f32 v55, v17  }
0x1ae: {  	[tilespmem:$0x1FCE0] =	vst v6;
	v6 =	vmul.f32 v8, v38;
	v8 =	vld [tilespmem:s21+$0xFFFFFE30]  }
0x1af: {  	v44 =	vmul.f32 v51, v16;
	[tilespmem:$0x1FCF0] =	vst v5;
	v5 =	vmul.f32 v7, v38;
	v7 =	vld [tilespmem:s21+$0xFFFFFE80]  }
0x1b0: {  	v58 =	vld [tilespmem:s21+$0xFFFFFE90];
	v48 =	vmul.f32 v60, v17;
	v0 =	vadd.f32 v6, v0;
	v6 =	vmul.f32 v57, v17  }
0x1b1: {  	v51 =	vld [tilespmem:s21+$0xFFFFFEA0];
	v52 =	vmul.f32 v32, v18;
	v5 =	vadd.f32 v5, v2;
	v2 =	vmul.f32 v3, v35  }
0x1b2: {  	v49 =	vmul.f32 v59, v17;
	v59 =	vld [tilespmem:s21+$0xD0];
	[tilespmem:$0x1FD00] =	vst v6;
	v6 =	vmul.f32 v54, v35  }
0x1b3: {  	v3 =	vmul.f32 v56, v35;
	v60 =	vadd.f32 v2, v4;
	v4 =	vmul.f32 v8, v35;
	v8 =	vld [tilespmem:s21+$0xFFFFFF00]  }
0x1b4: {  	v2 =	vmul.f32 v62, v18;
	v62 =	vld [tilespmem:s21+$0xFFFFFF10];
	v6 =	vadd.f32 v6, v1;
	v7 =	vmul.f32 v7, v34  }
0x1b5: {  	v33 =	vmul.f32 v58, v34;
	v0 =	vadd.f32 v3, v0;
	v3 =	vmul.f32 v63, v18;
	v63 =	vld [tilespmem:s21+$0xFFFFFF20]  }
0x1b6: {  	v53 =	vld [tilespmem:s21+$0xFFFFFE50];
	v55 =	vmul.f32 v41, v21;
	v6 =	vadd.f32 v7, v6;
	v7 =	vmul.f32 v51, v34  }
0x1b7: {  	v54 =	vmul.f32 v31, v18;
	v1 =	vmul.f32 v61, v18;
	v61 =	vld [tilespmem:s21+$0xFFFFFF80];
	v5 =	vadd.f32 v4, v5  }
0x1b8: {  	v4 =	vmul.f32 v9, v18;
	v9 =	vld [tilespmem:s21+$0xFFFFFF30];
	v0 =	vadd.f32 v7, v0;
	v7 =	vmul.f32 v8, v30  }
0x1b9: {  	v31 =	vld [tilespmem:s21+$0xFFFFFF90];
	v33 =	vadd.f32 v33, v60;
	v60 =	vmul.f32 v36, v34;
	v8 =	vmul.f32 v62, v30  }
0x1ba: {  	v62 =	vadd.f32 v7, v6;
	v6 =	vmul.f32 v11, v19;
	v11 =	vmul.f32 v63, v30;
	v63 =	vld [tilespmem:s21+$0xFFFFFFB0]  }
0x1bb: {  	v36 =	vld [tilespmem:s21+$0x30];
	v51 =	vmul.f32 v37, v19;
	v37 =	vmul.f32 v42, v21  }
0x1bc: {  	v42 =	vmul.f32 v22, v21;
	v22 =	vld [tilespmem:$0x1FD10];
	v32 =	vadd.f32 v60, v5;
	v5 =	vmul.f32 v10, v19  }
0x1bd: {  	v10 =	vld [tilespmem:s21+$0xFFFFFFA0];
	v9 =	vmul.f32 v9, v30;
	v0 =	vadd.f32 v11, v0;
	v11 =	vmul.f32 v61, v29  }
0x1be: {  	v56 =	vmul.f32 v28, v19;
	v28 =	vmul.f32 v31, v29;
	v31 =	vld [tilespmem:s21+$0x20]  }
0x1bf: {  	v60 =	vld [tilespmem:s21+$0x40];
	v9 =	vadd.f32 v9, v32;
	v32 =	vadd.f32 v11, v62;
	v11 =	vmul.f32 v63, v29  }
0x1c0: {  	v41 =	vmul.f32 v27, v21;
	v33 =	vadd.f32 v8, v33;
	v7 =	vmul.f32 v12, v19;
	v12 =	vld [tilespmem:s21+$0x0]  }
0x1c1: {  	v8 =	vmul.f32 v13, v19;
	v13 =	vld [tilespmem:s21+$0x10];
	v27 =	vmul.f32 v36, v26;
	v9 =	vadd.f32 v11, v9  }
0x1c2: {  	v36 =	vld [tilespmem:s21+$0xFFFFFFD0]  }
0x1c3: {  	v10 =	vmul.f32 v10, v29;
	v9 =	vadd.f32 v27, v9;
	v27 =	vmul.f32 v22, v24;
	v22 =	vld [tilespmem:$0x1FD30]  }
0x1c4: {  	v61 =	vld [tilespmem:s21+$0x50]  }
0x1c5: {  	v28 =	vadd.f32 v28, v33;
	v33 =	vld [tilespmem:s21+$0xFFFFFDC0];
	v0 =	vadd.f32 v10, v0;
	v10 =	vmul.f32 v12, v26  }
0x1c6: {  	v62 =	vld [tilespmem:s21+$0xFFFFFF50];
	v12 =	vmul.f32 v15, v21;
	v15 =	vmul.f32 v31, v26  }
0x1c7: {  	v13 =	vmul.f32 v13, v26;
	v31 =	vld [tilespmem:s21+$0xFFFFFFC0];
	v10 =	vadd.f32 v10, v32  }
0x1c8: {  	v0 =	vadd.f32 v15, v0;
	v15 =	vmul.f32 v46, v25;
	v32 =	vmul.f32 v22, v24;
	v22 =	vld [tilespmem:$0x1FD40]  }
0x1c9: {  	v20 =	vmul.f32 v20, v25;
	v11 =	vmul.f32 v14, v21;
	v14 =	vld [tilespmem:s21+$0xFFFFFF40]  }
0x1ca: {  	v58 =	vmul.f32 v45, v25;
	v13 =	vadd.f32 v13, v28;
	v10 =	vadd.f32 v15, v10;
	v15 =	vld [tilespmem:$0x1FD20]  }
0x1cb: {  	v23 =	vmul.f32 v23, v25;
	v20 =	vadd.f32 v20, v9;
	v9 =	vld [tilespmem:$0x1FD60]  }
0x1cc: {  	v60 =	vmul.f32 v60, v26;
	v28 =	vld [tilespmem:s21+$0xFFFFFED0];
	v13 =	vadd.f32 v58, v13  }
0x1cd: {  	v0 =	vadd.f32 v23, v0;
	v58 =	vmul.f32 v50, v25;
	v23 =	vmul.f32 v22, v24;
	v22 =	vld [tilespmem:$0x1FD50]  }
0x1ce: {  	v63 =	vld [tilespmem:s21+$0xFFFFFEC0];
	v50 =	vmul.f32 v59, v25;
	v59 =	vmul.f32 v61, v26  }
0x1cf: {  	v57 =	vld [tilespmem:s21+$0xFFFFFE40];
	v27 =	vadd.f32 v27, v10;
	v10 =	vmul.f32 v36, v29;
	v15 =	vmul.f32 v15, v24  }
0x1d0: {  	v45 =	vmul.f32 v9, v24;
	v9 =	vmul.f32 v31, v29;
	v61 =	vadd.f32 v32, v0  }
0x1d1: {  	v32 =	vld [tilespmem:s21+$0xFFFFFDD0];
	v36 =	vadd.f32 v23, v20;
	v20 =	vmul.f32 v28, v34;
	v23 =	vmul.f32 v33, v38  }
0x1d2: {  	v31 =	vld [tilespmem:s21+$0xFFFFFD40];
	v46 =	vmul.f32 v22, v24;
	v22 =	vadd.f32 v15, v13;
	v13 =	vmul.f32 v14, v30  }
0x1d3: {  	v0 =	vadd.f32 v37, v27;
	v27 =	vld [tilespmem:s21+$0xFFFFFCC0];
	v14 =	vmul.f32 v62, v30;
	v15 =	vmul.f32 v63, v34  }
0x1d4: {  	v28 =	vld [tilespmem:s21+$0xFFFFFD50];
	v62 =	vmul.f32 v57, v35;
	v63 =	vmul.f32 v53, v35;
	v57 =	vimm.f32 $0.0e+00  }
0x1d5: {  	s22 =	simm.s32 $0x40;
	v33 =	vld [tilespmem:s21+$0xFFFFFCD0];
	v53 =	vimm.f32 $0.0e+00;
	v22 =	vadd.f32 v55, v22;
	v55 =	vimm.f32 $0.0e+00  }
.LBB2_5:
0x1d6: {  	v12 =	vadd.f32 v12, v36;
	_ =	sdelay $0x1  }
0x1d7: {  	v8 =	vadd.f32 v8, v12;
	v12 =	vmul.f32 v27, v40;
	v27 =	vld [tilespmem:$0x1FCD0]  }
0x1d8: {  	v0 =	vadd.f32 v5, v0;
	_ =	sdelay $0x1  }
0x1d9: {  	v0 =	vadd.f32 v1, v0  }
0x1da: {  	v11 =	vadd.f32 v11, v61;
	v61 =	vld [tilespmem:s21+$0xFFFFFC50]  }
0x1db: {  	v0 =	vadd.f32 v27, v0;
	v27 =	vld [tilespmem:$0x1FCE0]  }
0x1dc: {  	v5 =	vadd.f32 v6, v22;
	_ =	sdelay $0x1  }
0x1dd: {  	v1 =	vadd.f32 v2, v5;
	_ =	sdelay $0x1  }
0x1de: {  	v1 =	vadd.f32 v27, v1;
	v27 =	vmul.f32 v61, v43;
	v61 =	vld [tilespmem:$0x1FC80];
	_ =	sdelay $0x4  }
0x1df: {  	v0 =	vadd.f32 v61, v0;
	_ =	sdelay $0x1  }
0x1e0: {  	[tilespmem:$0x1FAF0] =	vst v0;
	v0 =	vld [tilespmem:$0x1FCA0];
	_ =	sdelay $0x1  }
0x1e1: {  	v7 =	vadd.f32 v7, v11;
	v11 =	vld [tilespmem:s21+$0xFFFFFC70];
	_ =	sdelay $0x2  }
0x1e2: {  	v36 =	vld [tilespmem:$0x1FCF0];
	v0 =	vadd.f32 v0, v1  }
0x1e3: {  	v37 =	vld [tilespmem:s21+$0xFFFFFC40]  }
0x1e4: {  	[tilespmem:$0x1FB00] =	vst v0;
	v0 =	vmul.f32 v11, v43;
	v11 =	vld [tilespmem:$0x1FCB0]  }
0x1e5: {  	v3 =	vadd.f32 v3, v7;
	_ =	sdelay $0x1  }
0x1e6: {  	v3 =	vadd.f32 v36, v3;
	_ =	sdelay $0x1  }
0x1e7: {  	v7 =	vmul.f32 v37, v43;
	v37 =	vld [tilespmem:$0x1FD00];
	v3 =	vadd.f32 v11, v3;
	_ =	sdelay $0x1  }
0x1e8: {  	[tilespmem:$0x1FB10] =	vst v3;
	v3 =	vld [tilespmem:$0x1FCC0]  }
0x1e9: {  	v4 =	vadd.f32 v4, v8;
	_ =	sdelay $0x1  }
0x1ea: {  	v4 =	vadd.f32 v37, v4  }
0x1eb: {  	v6 =	vld [tilespmem:s21+$0xFFFFFC60]  }
0x1ec: {  	v8 =	vld [tilespmem:s21+$0xFFFFFCF0];
	v3 =	vadd.f32 v3, v4  }
0x1ed: {  	v5 =	vld [tilespmem:s21+$0xFFFFFCE0]  }
0x1ee: {  	[tilespmem:$0x1FB20] =	vst v3;
	v3 =	vld [tilespmem:$0x1FC90]  }
0x1ef: {  	v2 =	vmul.f32 v33, v40;
	v33 =	vld [tilespmem:s21+$0xFFFFFD70];
	v4 =	vadd.f32 v27, v57  }
0x1f0: {  	v22 =	vmul.f32 v28, v39;
	v28 =	vld [tilespmem:s21+$0xFFFFFD60];
	v6 =	vmul.f32 v6, v43  }
0x1f1: {  	v8 =	vmul.f32 v8, v40;
	v2 =	vadd.f32 v2, v4  }
0x1f2: {  	v5 =	vmul.f32 v5, v40;
	v6 =	vadd.f32 v6, v55;
	v1 =	vld [tilespmem:s21+$0xFFFFFDE0];
	v0 =	vadd.f32 v0, v53  }
0x1f3: {  	v32 =	vmul.f32 v32, v38;
	v2 =	vadd.f32 v22, v2;
	v3 =	vadd.f32 v7, v3;
	v7 =	vld [tilespmem:s21+$0xFFFFFDF0]  }
0x1f4: {  	v5 =	vadd.f32 v5, v6;
	v6 =	vmul.f32 v33, v39;
	v0 =	vadd.f32 v8, v0;
	v11 =	vld [tilespmem:s21+$0xFFFFFE60]  }
0x1f5: {  	v8 =	vld [tilespmem:s21+$0xFFFFFEE0];
	v4 =	vmul.f32 v28, v39;
	v2 =	vadd.f32 v32, v2  }
0x1f6: {  	v31 =	vmul.f32 v31, v39;
	v0 =	vadd.f32 v6, v0;
	v3 =	vadd.f32 v12, v3;
	v12 =	vld [tilespmem:s21+$0xFFFFFE70]  }
0x1f7: {  	v1 =	vmul.f32 v1, v38;
	v6 =	vld [tilespmem:s21+$0xFFFFFF60];
	v4 =	vadd.f32 v4, v5;
	v2 =	vadd.f32 v63, v2  }
0x1f8: {  	v22 =	vld [tilespmem:s21+$0xFFFFFEF0];
	v3 =	vadd.f32 v31, v3;
	v5 =	vmul.f32 v7, v38  }
0x1f9: {  	v1 =	vadd.f32 v1, v4;
	v2 =	vadd.f32 v20, v2;
	v7 =	vmul.f32 v11, v35;
	v11 =	vld [tilespmem:s21+$0xFFFFFF70]  }
0x1fa: {  	v3 =	vadd.f32 v23, v3;
	v0 =	vadd.f32 v5, v0;
	v5 =	vld [tilespmem:s21+$0xFFFFFFE0]  }
0x1fb: {  	v2 =	vadd.f32 v14, v2;
	v4 =	vmul.f32 v12, v35;
	v12 =	vld [tilespmem:s21+$0xFFFFFFF0]  }
0x1fc: {  	v8 =	vmul.f32 v8, v34;
	v1 =	vadd.f32 v7, v1;
	v7 =	vld [tilespmem:s21+$0x60];
	v3 =	vadd.f32 v62, v3  }
0x1fd: {  	v2 =	vadd.f32 v10, v2;
	v10 =	vld [tilespmem:s21+$0x1F0];
	v0 =	vadd.f32 v4, v0;
	v4 =	vmul.f32 v22, v34  }
0x1fe: {  	v6 =	vmul.f32 v6, v30;
	v1 =	vadd.f32 v8, v1;
	v3 =	vadd.f32 v15, v3;
	v15 =	vld [tilespmem:s21+$0x70]  }
0x1ff: {  	v8 =	vld [tilespmem:s21+$0xE0];
	v0 =	vadd.f32 v4, v0;
	v4 =	vmul.f32 v11, v30  }
0x200: {  	v11 =	vld [tilespmem:s21+$0xF0];
	v1 =	vadd.f32 v6, v1;
	v3 =	vadd.f32 v13, v3;
	v5 =	vmul.f32 v5, v29  }
0x201: {  	v6 =	vld [tilespmem:s21+$0x160];
	v0 =	vadd.f32 v4, v0;
	v4 =	vmul.f32 v12, v29  }
0x202: {  	v7 =	vmul.f32 v7, v26;
	v3 =	vadd.f32 v9, v3;
	v9 =	vld [tilespmem:s21+$0x170];
	v1 =	vadd.f32 v5, v1  }
0x203: {  	v5 =	vld [tilespmem:s21+$0x1E0];
	v0 =	vadd.f32 v4, v0;
	v4 =	vmul.f32 v15, v26  }
0x204: {  	v8 =	vmul.f32 v8, v25;
	v1 =	vadd.f32 v7, v1;
	v7 =	vld [tilespmem:s21+$0x260]  }
0x205: {  	v0 =	vadd.f32 v4, v0;
	v4 =	vmul.f32 v11, v25;
	v11 =	vld [tilespmem:s21+$0x270]  }
0x206: {  	v6 =	vmul.f32 v6, v24;
	v1 =	vadd.f32 v8, v1;
	v8 =	vld [tilespmem:s21+$0x2E0]  }
0x207: {  	v0 =	vadd.f32 v4, v0;
	v4 =	vmul.f32 v9, v24;
	v9 =	vld [tilespmem:s21+$0x2F0]  }
0x208: {  	v5 =	vmul.f32 v5, v21;
	v1 =	vadd.f32 v6, v1;
	v6 =	vld [tilespmem:s21+$0x360]  }
0x209: {  	v0 =	vadd.f32 v4, v0;
	v4 =	vmul.f32 v10, v21;
	v10 =	vld [tilespmem:s21+$0x370]  }
0x20a: {  	v1 =	vadd.f32 v5, v1;
	v5 =	vld [tilespmem:s21+$0x3E0]  }
0x20b: {  	v7 =	vmul.f32 v7, v19;
	v0 =	vadd.f32 v4, v0;
	v4 =	vmul.f32 v11, v19;
	v11 =	vld [tilespmem:s21+$0x3F0];
	s21 =	sadd.s32 $0x800, s21  }
0x20c: {  	v12 =	vld [tilespmem:s21+$0x380]  }
0x20d: {  	v1 =	vadd.f32 v7, v1;
	v7 =	vld [tilespmem:s21+$0x390]  }
0x20e: {  	v13 =	vld [tilespmem:s21+$0x290]  }
0x20f: {  	v14 =	vld [tilespmem:s21+$0x2A0]  }
0x210: {  	v15 =	vld [tilespmem:s21+$0x2B0]  }
0x211: {  	v20 =	vld [tilespmem:s21+$0x2C0]  }
0x212: {  	v22 =	vld [tilespmem:s21+$0x2D0]  }
0x213: {  	v23 =	vld [tilespmem:s21+$0x200]  }
0x214: {  	v3 =	vadd.f32 v60, v3;
	v27 =	vld [tilespmem:s21+$0x210]  }
0x215: {  	v2 =	vadd.f32 v59, v2;
	v28 =	vld [tilespmem:s21+$0x220]  }
0x216: {  	v3 =	vadd.f32 v58, v3;
	v31 =	vld [tilespmem:s21+$0x230]  }
0x217: {  	v2 =	vadd.f32 v50, v2;
	v32 =	vld [tilespmem:s21+$0x240]  }
0x218: {  	v3 =	vadd.f32 v46, v3;
	v33 =	vld [tilespmem:s21+$0x250]  }
0x219: {  	v2 =	vadd.f32 v45, v2;
	v36 =	vld [tilespmem:s21+$0x180]  }
0x21a: {  	v3 =	vadd.f32 v41, v3;
	v41 =	vld [tilespmem:s21+$0x190]  }
0x21b: {  	v2 =	vadd.f32 v42, v2;
	v42 =	vld [tilespmem:s21+$0x1A0]  }
0x21c: {  	v45 =	vld [tilespmem:s21+$0x1B0]  }
0x21d: {  	v2 =	vadd.f32 v51, v2;
	v46 =	vld [tilespmem:s21+$0x1C0]  }
0x21e: {  	v50 =	vld [tilespmem:s21+$0x1D0];
	v0 =	vadd.f32 v4, v0;
	v4 =	vmul.f32 v9, v18  }
0x21f: {  	v2 =	vadd.f32 v54, v2;
	v51 =	vld [tilespmem:s21+$0x100]  }
0x220: {  	v59 =	vld [tilespmem:s21+$0x110];
	v0 =	vadd.f32 v4, v0;
	v4 =	vmul.f32 v10, v17  }
0x221: {  	v2 =	vadd.f32 v48, v2;
	v60 =	vld [tilespmem:s21+$0x120]  }
0x222: {  	v5 =	vmul.f32 v5, v16;
	v0 =	vadd.f32 v4, v0;
	v4 =	vmul.f32 v11, v16;
	v16 =	vld [tilespmem:$0x1FC70]  }
0x223: {  	v62 =	vld [tilespmem:s21+$0x130]  }
0x224: {  	v2 =	vadd.f32 v44, v2;
	v44 =	vld [tilespmem:s21+$0x140]  }
0x225: {  	v48 =	vld [tilespmem:s21+$0x80]  }
0x226: {  	v8 =	vmul.f32 v8, v18;
	v9 =	vld [tilespmem:s21+$0x3A0]  }
0x227: {  	v3 =	vadd.f32 v56, v3;
	[tilespmem:$0x1FB30] =	vst v2;
	v2 =	vld [tilespmem:s21+$0x300]  }
0x228: {  	v1 =	vadd.f32 v8, v1;
	v8 =	vld [tilespmem:s21+$0x3B0]  }
0x229: {  	s23 =	sshra.s32 s22, $0x2;
	v3 =	vadd.f32 v52, v3;
	v52 =	vld [tilespmem:s21+$0xB0]  }
0x22a: {  	v6 =	vmul.f32 v6, v17;
	v37 =	vld.idx.msk [tilespmem:v16+s23+$0x0 ss:$0x1], $0xffff  }
0x22b: {  	v55 =	vimm.s32 $0x2;
	v53 =	vimm.s32 $0x4;
	v10 =	vld [tilespmem:s21+$0x3C0]  }
0x22c: {  	v57 =	vimm.s32 $0x0;
	v29 =	vimm.s32 $0x6;
	v1 =	vadd.f32 v6, v1;
	v6 =	vld [tilespmem:s21+$0x3D0]  }
0x22d: {  	v25 =	vimm.s32 $0x8;
	v58 =	vimm.s32 $0x1;
	v3 =	vadd.f32 v49, v3;
	v49 =	vld [tilespmem:s21+$0xA0]  }
0x22e: {  	v54 =	vimm.s32 $0x5;
	v21 =	vimm.s32 $0xA;
	v11 =	vld [tilespmem:s21+$0x280];
	v16 =	vimm.s32 $0xE  }
0x22f: {  	v18 =	vimm.s32 $0xC;
	v1 =	vadd.f32 v5, v1;
	v5 =	vld [tilespmem:s21+$0x350];
	v17 =	vperm.xlane v37, v16  }
0x230: {  	v3 =	vadd.f32 v47, v3;
	v47 =	vld [tilespmem:s21+$0x150];
	v19 =	vperm.xlane v37, v18;
	v24 =	vperm.xlane v37, v21  }
0x231: {  	v0 =	vadd.f32 v4, v0;
	v4 =	vld [tilespmem:s21+$0x340];
	v26 =	vperm.xlane v37, v25;
	v30 =	vperm.xlane v37, v29  }
0x232: {  	v56 =	vimm.s32 $0x3;
	[tilespmem:$0x1FB40] =	vst v1;
	v1 =	vld [tilespmem:s21+$0x320];
	v35 =	vperm.xlane v37, v53;
	v34 =	vperm.xlane v37, v54  }
0x233: {  	[tilespmem:$0x1FC90] =	vst v3;
	v3 =	vld [tilespmem:s21+$0x330];
	v21 =	vimm.s32 $0xB;
	v39 =	vperm.xlane v37, v55;
	v38 =	vperm.xlane v37, v56  }
0x234: {  	[tilespmem:$0x1FB80] =	vst v0;
	v0 =	vld [tilespmem:s21+$0x310];
	v16 =	vimm.s32 $0xF;
	v21 =	vperm.xlane v37, v21;
	v2 =	vmul.f32 v2, v17  }
0x235: {  	v18 =	vimm.s32 $0xD;
	v43 =	vperm.xlane v37, v57;
	v40 =	vperm.xlane v37, v58;
	v53 =	vld [tilespmem:s21+$0x0]  }
0x236: {  	v25 =	vimm.s32 $0x9;
	v54 =	vld [tilespmem:s21+$0x10];
	v16 =	vperm.xlane v37, v16;
	[tilespmem:$0x1FCD0] =	vst v2;
	v2 =	vmul.f32 v36, v21  }
0x237: {  	v29 =	vimm.s32 $0x7;
	v55 =	vld [tilespmem:s21+$0x20];
	v18 =	vperm.xlane v37, v18;
	v25 =	vperm.xlane v37, v25  }
0x238: {  	v56 =	vld [tilespmem:s21+$0x40];
	v29 =	vperm.xlane v37, v29;
	[tilespmem:$0x1FC40] =	vst v2;
	v2 =	vmul.f32 v41, v21  }
0x239: {  	v57 =	vld [tilespmem:s21+$0x50];
	v0 =	vmul.f32 v0, v17;
	v12 =	vmul.f32 v12, v16  }
0x23a: {  	v58 =	vld [tilespmem:s21+$0xFFFFFF80];
	v7 =	vmul.f32 v7, v16;
	[tilespmem:$0x1FC50] =	vst v2;
	v2 =	vmul.f32 v46, v21  }
0x23b: {  	v37 =	vld [tilespmem:s21+$0x90];
	v6 =	vmul.f32 v6, v16;
	v63 =	vmul.f32 v11, v18;
	[tilespmem:$0x1FCE0] =	vst v0  }
0x23c: {  	v11 =	vmul.f32 v42, v21;
	v42 =	vld [tilespmem:s21+$0xFFFFFE80];
	[tilespmem:$0x1FC60] =	vst v2;
	v2 =	vmul.f32 v50, v21  }
0x23d: {  	v0 =	vmul.f32 v1, v17;
	v1 =	vmul.f32 v13, v18;
	v13 =	vld [tilespmem:s21+$0x30];
	[tilespmem:$0x1FC80] =	vst v12  }
0x23e: {  	v36 =	vmul.f32 v52, v25;
	v52 =	vld [tilespmem:s21+$0xFFFFFC00];
	[tilespmem:$0x1FC00] =	vst v2;
	v2 =	vmul.f32 v51, v24  }
0x23f: {  	v61 =	vmul.f32 v20, v18;
	[tilespmem:$0x1FCA0] =	vst v7;
	v7 =	vmul.f32 v9, v16;
	v9 =	vld [tilespmem:s21+$0xC0]  }
0x240: {  	v12 =	vmul.f32 v45, v21;
	v45 =	vld [tilespmem:s21+$0xFFFFFE90];
	[tilespmem:$0x1FBE0] =	vst v2;
	v2 =	vmul.f32 v59, v24  }
0x241: {  	v20 =	vmul.f32 v53, v26;
	v53 =	vmul.f32 v58, v29;
	v58 =	vld [tilespmem:s21+$0xFFFFFCB0];
	[tilespmem:$0x1FCF0] =	vst v0  }
0x242: {  	v0 =	vmul.f32 v3, v17;
	[tilespmem:$0x1FBF0] =	vst v2;
	v2 =	vmul.f32 v60, v24;
	v60 =	vld [tilespmem:s21+$0xFFFFFC30]  }
0x243: {  	v3 =	vmul.f32 v27, v19;
	v27 =	vmul.f32 v33, v19;
	v41 =	vld [tilespmem:s21+$0xFFFFFF10]  }
0x244: {  	v33 =	vmul.f32 v54, v26;
	v54 =	vld [tilespmem:s21+$0xFFFFFC10];
	[tilespmem:$0x1FCB0] =	vst v7;
	v7 =	vmul.f32 v8, v16  }
0x245: {  	v8 =	vmul.f32 v31, v19;
	v31 =	vmul.f32 v37, v25;
	v37 =	vld [tilespmem:s21+$0xFFFFFD90]  }
0x246: {  	v46 =	vld [tilespmem:s21+$0xFFFFFE00]  }
0x247: {  	[tilespmem:$0x1FBC0] =	vst v6;
	v6 =	vmul.f32 v56, v26;
	v56 =	vmul.f32 v60, v43;
	v60 =	vld [tilespmem:$0x1FAF0]  }
0x248: {  	[tilespmem:$0x1FD00] =	vst v0;
	v0 =	vmul.f32 v4, v17;
	v4 =	vmul.f32 v57, v26;
	v57 =	vld [tilespmem:s21+$0xFFFFFCA0]  }
0x249: {  	[tilespmem:$0x1FCC0] =	vst v7;
	v7 =	vmul.f32 v10, v16;
	v10 =	vld [tilespmem:s21+$0xD0]  }
0x24a: {  	v52 =	vmul.f32 v52, v43;
	[tilespmem:$0x1FB90] =	vst v0;
	v0 =	vmul.f32 v5, v17;
	v50 =	vld [tilespmem:s21+$0xFFFFFE10]  }
0x24b: {  	[tilespmem:$0x1FBA0] =	vst v7;
	v7 =	vmul.f32 v28, v19;
	v28 =	vmul.f32 v48, v25;
	v48 =	vld [tilespmem:s21+$0xFFFFFD30]  }
0x24c: {  	[tilespmem:$0x1FBD0] =	vst v0;
	v0 =	vmul.f32 v14, v18;
	v52 =	vadd.f32 v52, v60;
	v60 =	vld [tilespmem:$0x1FB00]  }
0x24d: {  	v14 =	vmul.f32 v32, v19;
	v32 =	vmul.f32 v13, v26;
	v13 =	vld [tilespmem:s21+$0xFFFFFC90]  }
0x24e: {  	v54 =	vmul.f32 v54, v43;
	v51 =	vld [tilespmem:s21+$0xFFFFFDA0]  }
0x24f: {  	[tilespmem:$0x1FB50] =	vst v0;
	v0 =	vmul.f32 v22, v18;
	v22 =	vmul.f32 v55, v26;
	v55 =	vld [tilespmem:s21+$0xFFFFFC20]  }
0x250: {  	v5 =	vmul.f32 v10, v25;
	v10 =	vld [tilespmem:s21+$0xFFFFFC80];
	[tilespmem:$0x1FC10] =	vst v2;
	v2 =	vmul.f32 v62, v24  }
0x251: {  	v54 =	vadd.f32 v54, v60;
	v60 =	vld [tilespmem:$0x1FB10]  }
0x252: {  	v62 =	vmul.f32 v49, v25;
	v49 =	vld [tilespmem:s21+$0xFFFFFD00];
	[tilespmem:$0x1FC20] =	vst v2;
	v2 =	vmul.f32 v44, v24  }
0x253: {  	v42 =	vmul.f32 v42, v34;
	v59 =	vld [tilespmem:s21+$0xFFFFFDB0]  }
0x254: {  	v55 =	vmul.f32 v55, v43;
	[tilespmem:$0x1FC30] =	vst v2;
	v2 =	vmul.f32 v47, v24;
	v47 =	vld [tilespmem:s21+$0xFFFFFD80]  }
0x255: {  	v45 =	vmul.f32 v45, v34;
	v10 =	vmul.f32 v10, v40;
	v44 =	vld [tilespmem:s21+$0xFFFFFD20]  }
0x256: {  	v58 =	vmul.f32 v58, v40;
	[tilespmem:$0x1FB60] =	vst v0;
	v0 =	vmul.f32 v23, v19;
	v55 =	vadd.f32 v55, v60;
	v60 =	vld [tilespmem:$0x1FB20]  }
0x257: {  	v49 =	vmul.f32 v49, v39;
	[tilespmem:$0x1FBB0] =	vst v2;
	v2 =	vmul.f32 v9, v25;
	v9 =	vld [tilespmem:s21+$0xFFFFFD10];
	v10 =	vadd.f32 v10, v52  }
0x258: {  	v37 =	vmul.f32 v37, v38;
	v46 =	vmul.f32 v46, v35;
	v23 =	vld [tilespmem:s21+$0xFFFFFF00]  }
0x259: {  	v57 =	vmul.f32 v57, v40;
	[tilespmem:$0x1FB70] =	vst v0;
	v0 =	vld [tilespmem:s21+$0xFFFFFF90];
	v47 =	vmul.f32 v47, v38;
	v10 =	vadd.f32 v49, v10  }
0x25a: {  	v50 =	vmul.f32 v50, v35;
	v13 =	vmul.f32 v13, v40;
	v52 =	vld [tilespmem:s21+$0xFFFFFE30]  }
0x25b: {  	v44 =	vmul.f32 v44, v39;
	v10 =	vadd.f32 v47, v10;
	v56 =	vadd.f32 v56, v60;
	v60 =	vld [tilespmem:s21+$0xFFFFFE20]  }
0x25c: {  	v9 =	vmul.f32 v9, v39;
	v49 =	vld [tilespmem:s21+$0xFFFFFEB0];
	v13 =	vadd.f32 v13, v54;
	v54 =	vadd.f32 v57, v55  }
0x25d: {  	v48 =	vmul.f32 v48, v39;
	v10 =	vadd.f32 v46, v10;
	v55 =	vadd.f32 v58, v56;
	v56 =	vld [tilespmem:s21+$0xFFFFFEA0]  }
0x25e: {  	v47 =	vld [tilespmem:s21+$0xFFFFFF30];
	v9 =	vadd.f32 v9, v13;
	v13 =	vmul.f32 v51, v38;
	v44 =	vadd.f32 v44, v54  }
0x25f: {  	v51 =	vmul.f32 v59, v38;
	v10 =	vadd.f32 v42, v10;
	v54 =	vld [tilespmem:s21+$0xFFFFFF20];
	v48 =	vadd.f32 v48, v55  }
0x260: {  	v42 =	vld [tilespmem:s21+$0xFFFFFE50];
	v9 =	vadd.f32 v37, v9;
	v13 =	vadd.f32 v13, v44;
	v37 =	vmul.f32 v60, v35  }
0x261: {  	v41 =	vmul.f32 v41, v30;
	v23 =	vmul.f32 v23, v30;
	v44 =	vadd.f32 v51, v48;
	v51 =	vld [tilespmem:s21+$0xFFFFFFA0]  }
0x262: {  	v57 =	vld [tilespmem:$0x1FB30];
	v9 =	vadd.f32 v50, v9;
	v46 =	vmul.f32 v56, v34;
	v13 =	vadd.f32 v37, v13  }
0x263: {  	v0 =	vmul.f32 v0, v29;
	v10 =	vadd.f32 v23, v10;
	v23 =	vld [tilespmem:s21+$0xFFFFFF50];
	v48 =	vmul.f32 v52, v35  }
0x264: {  	v50 =	vld [tilespmem:s21+$0xFFFFFFB0];
	v9 =	vadd.f32 v45, v9;
	v52 =	vmovc v61;
	v61 =	vmul.f32 v54, v30;
	v13 =	vadd.f32 v46, v13  }
0x265: {  	v45 =	vld [tilespmem:s21+$0xFFFFFFD0];
	v58 =	vmovc v2;
	v2 =	vmovc v1;
	v1 =	vmov v63;
	v63 =	vmul.f32 v49, v34;
	v37 =	vadd.f32 v48, v44  }
0x266: {  	v9 =	vadd.f32 v41, v9;
	v49 =	vld [tilespmem:$0x1FB90];
	v41 =	vmul.f32 v51, v29;
	v13 =	vadd.f32 v61, v13  }
0x267: {  	v55 =	vld [tilespmem:$0x1FB40];
	v37 =	vadd.f32 v63, v37;
	v63 =	vmul.f32 v47, v30  }
0x268: {  	v0 =	vadd.f32 v0, v9;
	v60 =	vmovc v6;
	v6 =	vmov v3;
	v3 =	vld [tilespmem:$0x1FB50];
	v41 =	vadd.f32 v41, v13  }
0x269: {  	v54 =	vld [tilespmem:$0x1FB60];
	v61 =	vmul.f32 v50, v29;
	v37 =	vadd.f32 v63, v37;
	v63 =	vadd.f32 v53, v10  }
0x26a: {  	v0 =	vadd.f32 v33, v0;
	v56 =	vmovc v14;
	v14 =	vmul.f32 v23, v30;
	v23 =	vadd.f32 v22, v41;
	v22 =	vld [tilespmem:$0x1FBE0]  }
0x26b: {  	v48 =	vld [tilespmem:s21+$0xFFFFFFC0];
	v37 =	vadd.f32 v61, v37;
	v61 =	vadd.f32 v20, v63  }
0x26c: {  	v44 =	vld [tilespmem:s21+$0xFFFFFED0]  }
0x26d: {  	v0 =	vadd.f32 v31, v0;
	v31 =	vld [tilespmem:s21+$0xFFFFFD40];
	v41 =	vadd.f32 v28, v61  }
0x26e: {  	v46 =	vld [tilespmem:s21+$0xFFFFFF40]  }
0x26f: {  	v63 =	vadd.f32 v32, v37;
	v37 =	vadd.f32 v22, v41;
	v22 =	vld [tilespmem:$0x1FBF0]  }
0x270: {  	v47 =	vld [tilespmem:s21+$0xFFFFFEC0]  }
0x271: {  	v50 =	vmov v5;
	v5 =	vld [tilespmem:$0x1FB70]  }
0x272: {  	v51 =	vmov v27;
	v27 =	vld [tilespmem:s21+$0xFFFFFCC0]  }
0x273: {  	v53 =	vld [tilespmem:$0x1FB80]  }
0x274: {  	v41 =	vadd.f32 v22, v0;
	v0 =	vld [tilespmem:$0x1FC10]  }
0x275: {  	v10 =	vmul.f32 v45, v29;
	v45 =	vld [tilespmem:$0x1FBB0]  }
0x276: {  	v9 =	vmul.f32 v48, v29;
	v48 =	vld [tilespmem:s21+$0xFFFFFE40]  }
0x277: {  	v13 =	vmul.f32 v46, v30;
	v46 =	vld [tilespmem:s21+$0xFFFFFDC0];
	v23 =	vadd.f32 v62, v23  }
0x278: {  	v15 =	vmul.f32 v15, v18;
	v20 =	vmul.f32 v44, v34;
	v44 =	vld [tilespmem:$0x1FBC0]  }
0x279: {  	v61 =	vadd.f32 v0, v23;
	v0 =	vld [tilespmem:$0x1FC20]  }
0x27a: {  	v59 =	vmov v4;
	v4 =	vmov v15;
	v15 =	vmul.f32 v47, v34;
	v47 =	vld [tilespmem:$0x1FBA0]  }
0x27b: {  	v32 =	vld [tilespmem:s21+$0xFFFFFDD0]  }
0x27c: {  	v28 =	vld [tilespmem:s21+$0xFFFFFD50];
	v33 =	vadd.f32 v36, v63  }
0x27d: {  	v22 =	vld [tilespmem:$0x1FC50]  }
0x27e: {  	p1 =	sne.s32 s22, $0x1C0;
	v36 =	vadd.f32 v0, v33;
	v0 =	vld [tilespmem:$0x1FC40]  }
.Ltmp1:
0x27f: {  	v62 =	vmul.f32 v48, v35;
	v48 =	vld [tilespmem:$0x1FBD0];
	(pc) =	sbr.rel @p1 .LBB2_5-.Ltmp1, $4  }
0x280: {  	v63 =	vmul.f32 v42, v35;
	v42 =	vld [tilespmem:$0x1FC00]  }
0x281: {  	v23 =	vmul.f32 v46, v38;
	v46 =	vld [tilespmem:$0x1FC30]  }
0x282: {  	v22 =	vadd.f32 v22, v41;
	v41 =	vld [tilespmem:$0x1FC60]  }
0x283: {  	s22 =	sadd.s32 $0x40, s22;
	v33 =	vld [tilespmem:s21+$0xFFFFFCD0];
	v0 =	vadd.f32 v0, v37  }
0x284: {  	v11 =	vadd.f32 v11, v61;
	_ =	sdelay $0x1  }
0x285: {  	v7 =	vadd.f32 v7, v11;
	_ =	sdelay $0x1  }
0x286: {  	v3 =	vadd.f32 v3, v7;
	v7 =	vld [tilespmem:$0x1FCD0]  }
0x287: {  	v0 =	vadd.f32 v5, v0  }
0x288: {  	v37 =	vld [tilespmem:$0x1FC80]  }
0x289: {  	v12 =	vadd.f32 v12, v36;
	v0 =	vadd.f32 v1, v0;
	_ =	sdelay $0x1  }
0x28a: {  	v8 =	vadd.f32 v8, v12;
	v0 =	vadd.f32 v7, v0;
	v7 =	vld [tilespmem:$0x1FCE0]  }
0x28b: {  	v5 =	vadd.f32 v6, v22  }
0x28c: {  	v4 =	vadd.f32 v4, v8;
	v8 =	vadd.f32 v37, v0;
	v0 =	vld [tilespmem:$0x1FCA0]  }
0x28d: {  	v36 =	vld [tilespmem:s21+$0xFFFFFC50];
	v1 =	vadd.f32 v2, v5  }
0x28e: {  	v61 =	vld [tilespmem:s21+$0xFFFFFDE0]  }
0x28f: {  	v1 =	vadd.f32 v7, v1;
	v7 =	vld [tilespmem:$0x1FCF0]  }
0x290: {  	v6 =	vld [tilespmem:s21+$0xFFFFFC40]  }
0x291: {  	v1 =	vadd.f32 v0, v1;
	v0 =	vld [tilespmem:$0x1FCB0]  }
0x292: {  	v22 =	vmul.f32 v27, v40;
	v27 =	vld [tilespmem:s21+$0xFFFFFD70]  }
0x293: {  	v2 =	vld [tilespmem:s21+$0xFFFFFC60]  }
0x294: {  	v3 =	vadd.f32 v7, v3;
	v7 =	vld [tilespmem:$0x1FD00]  }
0x295: {  	v5 =	vld [tilespmem:s21+$0xFFFFFC70]  }
0x296: {  	v3 =	vadd.f32 v0, v3;
	v0 =	vld [tilespmem:$0x1FCC0]  }
0x297: {  	v12 =	vld [tilespmem:s21+$0xFFFFFCF0];
	v11 =	vmul.f32 v36, v43  }
0x298: {  	v33 =	vmul.f32 v33, v40;
	v36 =	vld [tilespmem:s21+$0xE0]  }
0x299: {  	v6 =	vmul.f32 v6, v43;
	v11 =	vadd.f32 v11, v57;
	v57 =	vld [tilespmem:s21+$0x2E0];
	v4 =	vadd.f32 v7, v4  }
0x29a: {  	v2 =	vmul.f32 v2, v43;
	v5 =	vmul.f32 v5, v43;
	v43 =	vld [tilespmem:s21+$0x1F0]  }
0x29b: {  	v0 =	vadd.f32 v0, v4;
	v4 =	vld [tilespmem:$0x1FC90]  }
0x29c: {  	v11 =	vadd.f32 v33, v11;
	v33 =	vld [tilespmem:s21+$0xFFFFFE70]  }
0x29d: {  	v7 =	vld [tilespmem:s21+$0xFFFFFCE0]  }
0x29e: {  	v5 =	vadd.f32 v5, v53;
	v53 =	vld [tilespmem:s21+$0x260]  }
0x29f: {  	v28 =	vmul.f32 v28, v39;
	v2 =	vadd.f32 v2, v55;
	v55 =	vld [tilespmem:s21+$0x270]  }
0x2a0: {  	v4 =	vadd.f32 v6, v4;
	v6 =	vld [tilespmem:s21+$0xFFFFFD60]  }
0x2a1: {  	v12 =	vmul.f32 v12, v40;
	v11 =	vadd.f32 v28, v11;
	v28 =	vld [tilespmem:s21+$0xFFFFFEE0]  }
0x2a2: {  	v31 =	vmul.f32 v31, v39;
	v37 =	vld [tilespmem:s21+$0xF0];
	v7 =	vmul.f32 v7, v40;
	v4 =	vadd.f32 v22, v4  }
0x2a3: {  	v27 =	vmul.f32 v27, v39;
	v5 =	vadd.f32 v12, v5;
	v22 =	vld [tilespmem:s21+$0xFFFFFDF0]  }
0x2a4: {  	v2 =	vadd.f32 v7, v2;
	v7 =	vld [tilespmem:s21+$0xFFFFFE60];
	v4 =	vadd.f32 v31, v4  }
0x2a5: {  	v5 =	vadd.f32 v27, v5;
	v27 =	vld [tilespmem:s21+$0xFFFFFF60];
	v31 =	vmul.f32 v32, v38;
	v6 =	vmul.f32 v6, v39  }
0x2a6: {  	v40 =	vld [tilespmem:s21+$0x1E0];
	v4 =	vadd.f32 v23, v4  }
0x2a7: {  	v23 =	vld [tilespmem:s21+$0xFFFFFEF0];
	v11 =	vadd.f32 v31, v11;
	v2 =	vadd.f32 v6, v2;
	v6 =	vmul.f32 v61, v38  }
0x2a8: {  	v39 =	vld [tilespmem:s21+$0x170];
	v22 =	vmul.f32 v22, v38;
	v4 =	vadd.f32 v62, v4  }
0x2a9: {  	v11 =	vadd.f32 v63, v11;
	v2 =	vadd.f32 v6, v2;
	v6 =	vmul.f32 v7, v35;
	v7 =	vld [tilespmem:s21+$0xFFFFFF70]  }
0x2aa: {  	v12 =	vmul.f32 v33, v35;
	v38 =	vld [tilespmem:s21+$0x160];
	v5 =	vadd.f32 v22, v5;
	v4 =	vadd.f32 v15, v4  }
0x2ab: {  	v22 =	vld [tilespmem:s21+$0xFFFFFFE0];
	v11 =	vadd.f32 v20, v11;
	v2 =	vadd.f32 v6, v2;
	v6 =	vmul.f32 v28, v34  }
0x2ac: {  	v15 =	vld [tilespmem:s21+$0xFFFFFFF0];
	v5 =	vadd.f32 v12, v5;
	v34 =	vmul.f32 v23, v34;
	v4 =	vadd.f32 v13, v4  }
0x2ad: {  	v61 =	vld [tilespmem:s21+$0x3E0];
	v11 =	vadd.f32 v14, v11;
	v2 =	vadd.f32 v6, v2  }
0x2ae: {  	v20 =	vld [tilespmem:s21+$0x60];
	v6 =	vmul.f32 v27, v30;
	v5 =	vadd.f32 v34, v5;
	v7 =	vmul.f32 v7, v30  }
0x2af: {  	v35 =	vld [tilespmem:s21+$0x70];
	v4 =	vadd.f32 v9, v4;
	v10 =	vadd.f32 v10, v11  }
0x2b0: {  	v62 =	vld [tilespmem:s21+$0x3F0];
	v2 =	vadd.f32 v6, v2;
	v6 =	vmul.f32 v22, v29;
	v5 =	vadd.f32 v7, v5  }
0x2b1: {  	v7 =	vmul.f32 v15, v29;
	v4 =	vadd.f32 v60, v4;
	v10 =	vadd.f32 v59, v10;
	v59 =	vld [tilespmem:s21+$0x360]  }
0x2b2: {  	v30 =	vimm.s32 $0x9;
	v60 =	vld [tilespmem:s21+$0x370];
	v2 =	vadd.f32 v6, v2  }
0x2b3: {  	v6 =	vmul.f32 v20, v26;
	v5 =	vadd.f32 v7, v5;
	v4 =	vadd.f32 v58, v4;
	v58 =	vld [tilespmem:s21+$0x2F0]  }
0x2b4: {  	v7 =	vmul.f32 v35, v26;
	v50 =	vadd.f32 v50, v10;
	[tilespmem:s20+$0x8020] =	vst.add.f32.msk $0xffff, v3;
	v3 =	vmul.f32 v61, v16  }
0x2b5: {  	v61 =	vimm.s32 $0x7;
	v2 =	vadd.f32 v6, v2;
	v6 =	vmul.f32 v36, v25  }
0x2b6: {  	v26 =	vimm.s32 $0xB;
	v5 =	vadd.f32 v7, v5;
	v7 =	vmul.f32 v37, v25  }
0x2b7: {  	v4 =	vadd.f32 v46, v4;
	v2 =	vadd.f32 v6, v2;
	v6 =	vmul.f32 v38, v24  }
0x2b8: {  	v9 =	vadd.f32 v45, v50;
	v5 =	vadd.f32 v7, v5;
	v7 =	vmul.f32 v39, v24  }
0x2b9: {  	v4 =	vadd.f32 v41, v4;
	v2 =	vadd.f32 v6, v2;
	v6 =	vmul.f32 v40, v21  }
0x2ba: {  	v9 =	vadd.f32 v42, v9;
	v5 =	vadd.f32 v7, v5;
	v7 =	vmul.f32 v43, v21  }
0x2bb: {  	v4 =	vadd.f32 v56, v4;
	v2 =	vadd.f32 v6, v2;
	v6 =	vmul.f32 v53, v19  }
0x2bc: {  	v9 =	vadd.f32 v51, v9;
	v5 =	vadd.f32 v7, v5;
	v7 =	vmul.f32 v55, v19  }
0x2bd: {  	v4 =	vadd.f32 v52, v4;
	v2 =	vadd.f32 v6, v2;
	v6 =	vmul.f32 v57, v18  }
0x2be: {  	v9 =	vadd.f32 v54, v9;
	v5 =	vadd.f32 v7, v5;
	v7 =	vmul.f32 v58, v18  }
0x2bf: {  	v4 =	vadd.f32 v49, v4;
	v2 =	vadd.f32 v6, v2;
	v6 =	vmul.f32 v59, v17  }
0x2c0: {  	s19 =	sadd.s32 $0x1, s19;
	[tilespmem:s20+$0x8000] =	vst.add.f32.msk $0xffff, v8;
	v63 =	vadd.f32 v48, v9;
	v5 =	vadd.f32 v7, v5;
	v7 =	vmul.f32 v60, v17  }
0x2c1: {  	p1 =	sne.s32 s19, $0x40;
	[tilespmem:s20+$0x8010] =	vst.add.f32.msk $0xffff, v1;
	v25 =	vimm.s32 $0x8;
	v1 =	vadd.f32 v6, v2;
	v2 =	vadd.f32 v47, v4  }
.Ltmp2:
0x2c2: {  	[tilespmem:s20+$0x8030] =	vst.add.f32.msk $0xffff, v0;
	v6 =	vadd.f32 v44, v63;
	v4 =	vadd.f32 v7, v5;
	v5 =	vmul.f32 v62, v16;
	(pc) =	sbr.rel @p1 .LBB2_2-.Ltmp2, $4  }
0x2c3: {  	v24 =	vimm.s32 $0xD;
	v21 =	vimm.s32 $0xA;
	v0 =	vadd.f32 v3, v1;
	[tilespmem:s20+$0x8040] =	vst.add.f32.msk $0xffff, v2  }
0x2c4: {  	v19 =	vimm.s32 $0xF;
	v18 =	vimm.s32 $0xC;
	[tilespmem:s20+$0x8050] =	vst.add.f32.msk $0xffff, v6;
	v1 =	vadd.f32 v5, v4  }
0x2c5: {  	v16 =	vimm.s32 $0xE;
	v3 =	vimm.s32 $0x2;
	v2 =	vimm.s32 $0x4;
	[tilespmem:s20+$0x8060] =	vst.add.f32.msk $0xffff, v0  }
0x2c6: {  	p0 =	por !p0, !p0;
	s18 =	sadd.s32 $0x2, s18;
	v4 =	vimm.s32 $0x3;
	v0 =	vimm.s32 $0x0;
	[tilespmem:s20+$0x8070] =	vst.add.f32.msk $0xffff, v1;
	v1 =	vimm.s32 $0x1  }
0x2c7: {  	s17 =	sadd.s32 $0x1, s17  }
0x2c8: {  	p0 =	sne.s32 s17, s8  }
.Ltmp3:
0x2c9: {  	_ = 	snop;
	(pc) =	sbr.rel @p0 .LBB2_1-.Ltmp3, $4  }
0x2ca: {  	[hbm4b:s7+s3] =	stream.linear.scatter [tilespmem:s11], [sflag:$0x3], $0x1000, $0x38;
	[tilespmem:$0x11000] =	vst v63  }
0x2cb: {  	_ =	swait.ge [sflag:s9], $0x1000  }
0x2cc: {  	[sflag:s9] =	ssyncset.done $0x0  }
0x2cd: {  	[sflag:s9] =	ssyncadd.s32 $0xFFFFF000  }
0x2ce: {  	_ =	sfence.sel $0x180000  }
0x2cf: {  	[bflag:$0x0] =	sbarrier.arrive $0xFFFF  }
0x2d0: {  	p0 =	sne.s32 s2, $0x0;
	_ =	strace $0x90000047  }
0x2d1: {  	s0 =	sadd.s32 @!p0 $0x100000, s0;
	[bflag:$0x2] =	sbarrier.arrive $0xFFFF  }
0x2d2: {  	[sflag:s0] =	ssyncadd.tile.s32 @!p0 $0x1;
	_ =	shalt  }
.Lfunc_end2:
_tile_overlayer_lowered:
.L_overlay_start_2:
0x2d3: {  	(tag) =	ssettag $0x2  }
0x2d4: {  	s0 =	rddreg [dreg:$0x0];
	s2 =	stileid.u32  }
0x2d5: {  	s1 =	rddreg [dreg:$0x1];
	p0 =	sne.s32 s2, $0x0  }
0x2d6: {  	s3 =	rddreg [dreg:$0x2];
	[bflag:$0x3] =	sbarrier.arrive $0xFFFF;
	s2 =	simm.s32 @!p0 $0x1C03  }
0x2d7: {  	[timem:s3], [sflag:s2] =	dma.local @!p0 [hbm:s0], s1  }
0x2d8: {  	s0 =	simm.s32 @!p0 $0x3  }
0x2d9: {  	_ =	swait.ge @!p0 [sflag:s0], s1  }
0x2da: {  	s1 =	ssub.s32 @!p0 $0x0, s1;
	[sflag:s0] =	ssyncset.done @!p0 $0x0  }
0x2db: {  	[sflag:s0] =	ssyncadd.s32 @!p0 s1  }
0x2dc: {  	[bflag:$0x3] =	sbarrier.arrive $0xFFFF  }
0x2dd: {  	_ =	shalt  }

</sc_bundles>
